<compile_context>
chip_gen: v7x
topology: tpu7x:2x2x1
jax: 0.10.2.dev20260603
libtpu: 0.0.44.dev20260713+nightly
codegen_flags: <defaults>
</compile_context>

<pallas_src>
import jax
import jax.numpy as jnp
from jax import lax
from jax.experimental import pallas as pl
from jax.experimental.pallas import tpu as pltpu
from jax.experimental.pallas import tpu_sc as plsc

NUM_CLASSES = 40
TABLE_ROWS = NUM_CLASSES + 1
OUT_CHANNELS = 512
N = 100000

LANES = 16
NUM_WORKERS = 32
CHUNK = 80
NUM_CHUNKS = N // CHUNK
CHUNKS_PER_WORKER = -(-NUM_CHUNKS // NUM_WORKERS)
GROUPS = CHUNK // LANES
TABLE_WORDS = TABLE_ROWS * OUT_CHANNELS
CHUNK_WORDS = CHUNK * OUT_CHANNELS
UNROLL = 8


def _sc_body(y_hbm, mask_hbm, table_hbm, out_hbm, *refs):
    (y_v, m_v, idx_a, idx_b, rows_a, rows_b, table_v, ysem, wsem) = refs
    rows_bufs = (rows_a, rows_b)
    idx_bufs = (idx_a, idx_b)
    nc = plsc.get_sparse_core_info().num_cores
    wid = lax.axis_index("s") * nc + lax.axis_index("c")

    pltpu.sync_copy(table_hbm.at[pl.ds(wid * TABLE_WORDS, TABLE_WORDS)], table_v)

    def chunk_id(t):
        return wid + t * NUM_WORKERS

    def load_start(t, p):
        base = chunk_id(t) * CHUNK
        pltpu.async_copy(y_hbm.at[pl.ds(base, CHUNK)], y_v.at[p], ysem.at[p])
        pltpu.async_copy(mask_hbm.at[pl.ds(base, CHUNK)], m_v.at[p], ysem.at[p])

    def load_wait(t, p):
        base = chunk_id(t) * CHUNK
        pltpu.make_async_copy(y_hbm.at[pl.ds(base, CHUNK)], y_v.at[p], ysem.at[p]).wait()
        pltpu.make_async_copy(mask_hbm.at[pl.ds(base, CHUNK)], m_v.at[p], ysem.at[p]).wait()

    def writeout_wait(t, p):
        base = chunk_id(t) * CHUNK_WORDS
        pltpu.make_async_copy(
            rows_bufs[p], out_hbm.at[pl.ds(base, CHUNK_WORDS)], wsem.at[p]
        ).wait()

    lane_iota = jax.lax.iota(jnp.int32, LANES)

    def process(t, p):
        valid = chunk_id(t) < NUM_CHUNKS

        @pl.when(valid)
        def _():
            load_wait(t, p)
            for j in range(GROUPS):
                sl = pl.ds(j * LANES, LANES)
                idx_bufs[p][sl] = (
                    jnp.where(m_v[p, sl] != 0, y_v[p, sl], NUM_CLASSES)
                    * OUT_CHANNELS
                )

            @pl.when(t >= 2)
            def _():
                writeout_wait(t - 2, p)

            @pl.when(chunk_id(t + 2) < NUM_CHUNKS)
            def _():
                load_start(t + 2, p)

            rows_p = rows_bufs[p]
            idx_p = idx_bufs[p]
            zeros16 = jnp.zeros((LANES,), jnp.int32)

            @plsc.parallel_loop(0, CHUNK, step=1, unroll=UNROLL)
            def _(n):
                row16 = plsc.load_gather(idx_p, [zeros16 + n])
                src = row16 + lane_iota
                for j in range(OUT_CHANNELS // LANES):
                    val = plsc.load_gather(
                        table_v.at[pl.ds(j * LANES, TABLE_WORDS - j * LANES)],
                        [src],
                    )
                    rows_p[pl.ds(n * OUT_CHANNELS + j * LANES, LANES)] = val

            base = chunk_id(t) * CHUNK_WORDS
            pltpu.async_copy(rows_p, out_hbm.at[pl.ds(base, CHUNK_WORDS)], wsem.at[p])

    load_start(0, 0)
    load_start(1, 1)

    def pair_step(i, carry):
        process(2 * i, 0)
        process(2 * i + 1, 1)
        return carry

    lax.fori_loop(0, CHUNKS_PER_WORKER // 2, pair_step, 0)

    for t in (CHUNKS_PER_WORKER - 2, CHUNKS_PER_WORKER - 1):
        @pl.when(chunk_id(t) < NUM_CHUNKS)
        def _(t=t):
            writeout_wait(t, t % 2)


@jax.jit
def _masked_lookup(y, mask_i32, table_flat):
    mesh = plsc.VectorSubcoreMesh(core_axis_name="c", subcore_axis_name="s")
    out_flat = pl.kernel(
        _sc_body,
        out_type=jax.ShapeDtypeStruct((N * OUT_CHANNELS,), jnp.float32),
        mesh=mesh,
        compiler_params=pltpu.CompilerParams(needs_layout_passes=False),
        scratch_types=[
            pltpu.VMEM((2, CHUNK), jnp.int32),
            pltpu.VMEM((2, CHUNK), jnp.int32),
            pltpu.VMEM((CHUNK,), jnp.int32),
            pltpu.VMEM((CHUNK,), jnp.int32),
            pltpu.VMEM((CHUNK_WORDS,), jnp.float32),
            pltpu.VMEM((CHUNK_WORDS,), jnp.float32),
            pltpu.VMEM((TABLE_WORDS,), jnp.float32),
            pltpu.SemaphoreType.DMA((2,)),
            pltpu.SemaphoreType.DMA((2,)),
        ],
    )(y, mask_i32, table_flat)
    return out_flat.reshape(N, OUT_CHANNELS)


def kernel(y, mask, emb):
    table = jnp.concatenate(
        [emb, jnp.zeros((1, OUT_CHANNELS), dtype=emb.dtype)], axis=0
    )
    table_flat = jnp.tile(table.reshape(-1), NUM_WORKERS)
    return _masked_lookup(y.astype(jnp.int32), mask.astype(jnp.int32), table_flat)

# --- scband reference (transcript-rebuilt; emitter-appended) ---
"""Pipeline reference for scband-mask-label-30726196035830 (READ-ONLY COPY).

The authoritative reference and input builder live on the scoring server;
editing this copy changes nothing except your own understanding.
"""

import jax, jax.numpy as jnp
import numpy as np

NUM_CLASSES = 40
OUT_CHANNELS = 512
N = 100000

def setup_inputs(seed: int = 0) -> dict:
    key = jax.random.key(seed)
    k1, k2, k3 = jax.random.split(key, 3)
    y = jax.random.randint(k1, (N,), 0, NUM_CLASSES, dtype=jnp.int64 if jax.config.jax_enable_x64 else jnp.int32)
    mask = jax.random.randint(k2, (N,), 0, 2, dtype=jnp.int32).astype(jnp.bool_)
    emb = jax.random.normal(k3, (NUM_CLASSES, OUT_CHANNELS), dtype=jnp.float32)
    return {"y": y, "mask": mask, "emb": emb}

def reference(y, mask, emb):
    # out = zeros(N, out_channels); out[mask] = emb[y[mask]]
    gathered = jnp.take(emb, y, axis=0)  # gather embedding rows for all labels
    out = jnp.where(mask[:, None], gathered, jnp.zeros_like(gathered))
    return out

if __name__ == "__main__":
    import jax
    _d = setup_inputs()
    print(jax.jit(kernel)(*tuple(_d.values())))

</pallas_src>

<mosaic_0001>
#map = affine_map<(d0, d1) -> (0)>
module attributes {stable_mosaic.version = 14 : i64} {
  func.func @_sc_body(%arg0: i32, %arg1: i32, %arg2: memref<100000xi32, #tpu.memory_space<hbm>>, %arg3: memref<100000xi32, #tpu.memory_space<hbm>>, %arg4: memref<671744xf32, #tpu.memory_space<hbm>>, %arg5: memref<51200000xf32, #tpu.memory_space<hbm>>, %arg6: memref<2x80xi32, #tpu.memory_space<vmem>>, %arg7: memref<2x80xi32, #tpu.memory_space<vmem>>, %arg8: memref<80xi32, #tpu.memory_space<vmem>>, %arg9: memref<80xi32, #tpu.memory_space<vmem>>, %arg10: memref<40960xf32, #tpu.memory_space<vmem>>, %arg11: memref<40960xf32, #tpu.memory_space<vmem>>, %arg12: memref<20992xf32, #tpu.memory_space<vmem>>, %arg13: memref<2x!tpu.dma_semaphore, #tpu.memory_space<semaphore_mem>>, %arg14: memref<2x!tpu.dma_semaphore, #tpu.memory_space<semaphore_mem>>) attributes {dimension_semantics = [#tpu.dimension_semantics<core_parallel>, #tpu.dimension_semantics<subcore_parallel>], iteration_bounds = array<i64: 2, 16>, scalar_prefetch = 0 : i64, scratch_operands = 9 : i64, tpu.core_type = #tpu.core_type<sc_vector_subcore>, window_params = [{transform_indices = #map}, {transform_indices = #map}, {transform_indices = #map}, {transform_indices = #map}]} {
    %mul3A = arith.constant 2 : i32
    %mul3A_0 = arith.muli %arg1, %mul3A : i32
    %add3A = arith.addi %mul3A_0, %arg0 : i32
    %mul3A_1 = arith.constant 20992 : i32
    %mul3A_2 = arith.muli %add3A, %mul3A_1 : i32
    "tpu.region"() ({
      %run_scoped3A = tpu.sem_alloc : memref<!tpu.dma_semaphore, #tpu.memory_space<semaphore_mem>>
      %dma_start3A_74 = tpu.memref_slice %arg4[%mul3A_2] : memref<671744xf32, #tpu.memory_space<hbm>> -> memref<20992xf32, #tpu.memory_space<hbm>>
      %dma_start3A_75 = tpu.memref_slice %arg4[%mul3A_2] : memref<671744xf32, #tpu.memory_space<hbm>> -> memref<20992xf32, #tpu.memory_space<hbm>>
      tpu.enqueue_dma source(%dma_start3A_75 : memref<20992xf32, #tpu.memory_space<hbm>>) target(%arg12 : memref<20992xf32, #tpu.memory_space<vmem>>) target_semaphore(%run_scoped3A : memref<!tpu.dma_semaphore, #tpu.memory_space<semaphore_mem>>)
      %dma_wait3A = tpu.memref_slice %arg4[%mul3A_2] : memref<671744xf32, #tpu.memory_space<hbm>> -> memref<20992xf32, #tpu.memory_space<hbm>>
      %dma_wait3A_76 = tpu.memref_slice %arg4[%mul3A_2] : memref<671744xf32, #tpu.memory_space<hbm>> -> memref<20992xf32, #tpu.memory_space<hbm>>
      tpu.wait_dma2 semaphore(%run_scoped3A : memref<!tpu.dma_semaphore, #tpu.memory_space<semaphore_mem>>) src(%dma_wait3A_76 : memref<20992xf32, #tpu.memory_space<hbm>>) dst(%arg12 : memref<20992xf32, #tpu.memory_space<vmem>>)
      tpu.yield
    }) : () -> ()
    %iota3A = tpu.iota {dimensions = array<i32: 0>} : vector<16xi32>
    %add3A_3 = arith.constant 0 : i32
    %add3A_4 = arith.addi %add3A, %add3A_3 : i32
    %mul3A_5 = arith.constant 80 : i32
    %mul3A_6 = arith.muli %add3A_4, %mul3A_5 : i32
    %dma_start3A = arith.constant 0 : i32
    %dma_start3A_7 = arith.constant 0 : i32
    %dma_start3A_8 = arith.constant 0 : i32
    %dma_start3A_9 = tpu.memref_slice %arg6[%dma_start3A, %dma_start3A_8] : memref<2x80xi32, #tpu.memory_space<vmem>> -> memref<1x80xi32, #tpu.memory_space<vmem>>
    %dma_start3A_10 = tpu.memref_squeeze %dma_start3A_9 : memref<1x80xi32, #tpu.memory_space<vmem>> -> memref<80xi32, #tpu.memory_space<vmem>>
    %dma_start3A_11 = tpu.memref_slice %arg2[%mul3A_6] : memref<100000xi32, #tpu.memory_space<hbm>> -> memref<80xi32, #tpu.memory_space<hbm>>
    %dma_start3A_12 = tpu.memref_slice %arg13[%dma_start3A_7] : memref<2x!tpu.dma_semaphore, #tpu.memory_space<semaphore_mem>> -> memref<1x!tpu.dma_semaphore, #tpu.memory_space<semaphore_mem>>
    %dma_start3A_13 = tpu.memref_squeeze %dma_start3A_12 : memref<1x!tpu.dma_semaphore, #tpu.memory_space<semaphore_mem>> -> memref<!tpu.dma_semaphore, #tpu.memory_space<semaphore_mem>>
    %dma_start3A_14 = arith.constant 0 : i32
    %dma_start3A_15 = tpu.memref_slice %arg6[%dma_start3A, %dma_start3A_14] : memref<2x80xi32, #tpu.memory_space<vmem>> -> memref<1x80xi32, #tpu.memory_space<vmem>>
    %dma_start3A_16 = tpu.memref_squeeze %dma_start3A_15 : memref<1x80xi32, #tpu.memory_space<vmem>> -> memref<80xi32, #tpu.memory_space<vmem>>
    %dma_start3A_17 = tpu.memref_slice %arg2[%mul3A_6] : memref<100000xi32, #tpu.memory_space<hbm>> -> memref<80xi32, #tpu.memory_space<hbm>>
    tpu.enqueue_dma source(%dma_start3A_17 : memref<80xi32, #tpu.memory_space<hbm>>) target(%dma_start3A_16 : memref<80xi32, #tpu.memory_space<vmem>>) target_semaphore(%dma_start3A_13 : memref<!tpu.dma_semaphore, #tpu.memory_space<semaphore_mem>>)
    %dma_start3A_18 = arith.constant 0 : i32
    %dma_start3A_19 = arith.constant 0 : i32
    %dma_start3A_20 = arith.constant 0 : i32
    %dma_start3A_21 = tpu.memref_slice %arg7[%dma_start3A_18, %dma_start3A_20] : memref<2x80xi32, #tpu.memory_space<vmem>> -> memref<1x80xi32, #tpu.memory_space<vmem>>
    %dma_start3A_22 = tpu.memref_squeeze %dma_start3A_21 : memref<1x80xi32, #tpu.memory_space<vmem>> -> memref<80xi32, #tpu.memory_space<vmem>>
    %dma_start3A_23 = tpu.memref_slice %arg3[%mul3A_6] : memref<100000xi32, #tpu.memory_space<hbm>> -> memref<80xi32, #tpu.memory_space<hbm>>
    %dma_start3A_24 = tpu.memref_slice %arg13[%dma_start3A_19] : memref<2x!tpu.dma_semaphore, #tpu.memory_space<semaphore_mem>> -> memref<1x!tpu.dma_semaphore, #tpu.memory_space<semaphore_mem>>
    %dma_start3A_25 = tpu.memref_squeeze %dma_start3A_24 : memref<1x!tpu.dma_semaphore, #tpu.memory_space<semaphore_mem>> -> memref<!tpu.dma_semaphore, #tpu.memory_space<semaphore_mem>>
    %dma_start3A_26 = arith.constant 0 : i32
    %dma_start3A_27 = tpu.memref_slice %arg7[%dma_start3A_18, %dma_start3A_26] : memref<2x80xi32, #tpu.memory_space<vmem>> -> memref<1x80xi32, #tpu.memory_space<vmem>>
    %dma_start3A_28 = tpu.memref_squeeze %dma_start3A_27 : memref<1x80xi32, #tpu.memory_space<vmem>> -> memref<80xi32, #tpu.memory_space<vmem>>
    %dma_start3A_29 = tpu.memref_slice %arg3[%mul3A_6] : memref<100000xi32, #tpu.memory_space<hbm>> -> memref<80xi32, #tpu.memory_space<hbm>>
    tpu.enqueue_dma source(%dma_start3A_29 : memref<80xi32, #tpu.memory_space<hbm>>) target(%dma_start3A_28 : memref<80xi32, #tpu.memory_space<vmem>>) target_semaphore(%dma_start3A_25 : memref<!tpu.dma_semaphore, #tpu.memory_space<semaphore_mem>>)
    %add3A_30 = arith.constant 32 : i32
    %add3A_31 = arith.addi %add3A, %add3A_30 : i32
    %mul3A_32 = arith.constant 80 : i32
    %mul3A_33 = arith.muli %add3A_31, %mul3A_32 : i32
    %dma_start3A_34 = arith.constant 1 : i32
    %dma_start3A_35 = arith.constant 1 : i32
    %dma_start3A_36 = arith.constant 0 : i32
    %dma_start3A_37 = tpu.memref_slice %arg6[%dma_start3A_34, %dma_start3A_36] : memref<2x80xi32, #tpu.memory_space<vmem>> -> memref<1x80xi32, #tpu.memory_space<vmem>>
    %dma_start3A_38 = tpu.memref_squeeze %dma_start3A_37 : memref<1x80xi32, #tpu.memory_space<vmem>> -> memref<80xi32, #tpu.memory_space<vmem>>
    %dma_start3A_39 = tpu.memref_slice %arg2[%mul3A_33] : memref<100000xi32, #tpu.memory_space<hbm>> -> memref<80xi32, #tpu.memory_space<hbm>>
    %dma_start3A_40 = tpu.memref_slice %arg13[%dma_start3A_35] : memref<2x!tpu.dma_semaphore, #tpu.memory_space<semaphore_mem>> -> memref<1x!tpu.dma_semaphore, #tpu.memory_space<semaphore_mem>>
    %dma_start3A_41 = tpu.memref_squeeze %dma_start3A_40 : memref<1x!tpu.dma_semaphore, #tpu.memory_space<semaphore_mem>> -> memref<!tpu.dma_semaphore, #tpu.memory_space<semaphore_mem>>
    %dma_start3A_42 = arith.constant 0 : i32
    %dma_start3A_43 = tpu.memref_slice %arg6[%dma_start3A_34, %dma_start3A_42] : memref<2x80xi32, #tpu.memory_space<vmem>> -> memref<1x80xi32, #tpu.memory_space<vmem>>
    %dma_start3A_44 = tpu.memref_squeeze %dma_start3A_43 : memref<1x80xi32, #tpu.memory_space<vmem>> -> memref<80xi32, #tpu.memory_space<vmem>>
    %dma_start3A_45 = tpu.memref_slice %arg2[%mul3A_33] : memref<100000xi32, #tpu.memory_space<hbm>> -> memref<80xi32, #tpu.memory_space<hbm>>
    tpu.enqueue_dma source(%dma_start3A_45 : memref<80xi32, #tpu.memory_space<hbm>>) target(%dma_start3A_44 : memref<80xi32, #tpu.memory_space<vmem>>) target_semaphore(%dma_start3A_41 : memref<!tpu.dma_semaphore, #tpu.memory_space<semaphore_mem>>)
    %dma_start3A_46 = arith.constant 1 : i32
    %dma_start3A_47 = arith.constant 1 : i32
    %dma_start3A_48 = arith.constant 0 : i32
    %dma_start3A_49 = tpu.memref_slice %arg7[%dma_start3A_46, %dma_start3A_48] : memref<2x80xi32, #tpu.memory_space<vmem>> -> memref<1x80xi32, #tpu.memory_space<vmem>>
    %dma_start3A_50 = tpu.memref_squeeze %dma_start3A_49 : memref<1x80xi32, #tpu.memory_space<vmem>> -> memref<80xi32, #tpu.memory_space<vmem>>
    %dma_start3A_51 = tpu.memref_slice %arg3[%mul3A_33] : memref<100000xi32, #tpu.memory_space<hbm>> -> memref<80xi32, #tpu.memory_space<hbm>>
    %dma_start3A_52 = tpu.memref_slice %arg13[%dma_start3A_47] : memref<2x!tpu.dma_semaphore, #tpu.memory_space<semaphore_mem>> -> memref<1x!tpu.dma_semaphore, #tpu.memory_space<semaphore_mem>>
    %dma_start3A_53 = tpu.memref_squeeze %dma_start3A_52 : memref<1x!tpu.dma_semaphore, #tpu.memory_space<semaphore_mem>> -> memref<!tpu.dma_semaphore, #tpu.memory_space<semaphore_mem>>
    %dma_start3A_54 = arith.constant 0 : i32
    %dma_start3A_55 = tpu.memref_slice %arg7[%dma_start3A_46, %dma_start3A_54] : memref<2x80xi32, #tpu.memory_space<vmem>> -> memref<1x80xi32, #tpu.memory_space<vmem>>
    %dma_start3A_56 = tpu.memref_squeeze %dma_start3A_55 : memref<1x80xi32, #tpu.memory_space<vmem>> -> memref<80xi32, #tpu.memory_space<vmem>>
    %dma_start3A_57 = tpu.memref_slice %arg3[%mul3A_33] : memref<100000xi32, #tpu.memory_space<hbm>> -> memref<80xi32, #tpu.memory_space<hbm>>
    tpu.enqueue_dma source(%dma_start3A_57 : memref<80xi32, #tpu.memory_space<hbm>>) target(%dma_start3A_56 : memref<80xi32, #tpu.memory_space<vmem>>) target_semaphore(%dma_start3A_53 : memref<!tpu.dma_semaphore, #tpu.memory_space<semaphore_mem>>)
    %scan3A = arith.constant 0 : i32
    %scan3A_58 = arith.constant 0 : i32
    %scan3A_59 = arith.constant 20 : i32
    %scan3A_60 = arith.addi %scan3A_58, %scan3A_59 : i32
    %scan3A_61 = arith.constant 1 : i32
    scf.for %scan3A_74 = %scan3A_58 to %scan3A_60 step %scan3A_61  : i32 {
      %mul3A_75 = arith.constant 2 : i32
      %mul3A_76 = arith.muli %mul3A_75, %scan3A_74 : i32
      %mul3A_77 = arith.constant 32 : i32
      %mul3A_78 = arith.muli %mul3A_76, %mul3A_77 : i32
      %add3A_79 = arith.addi %add3A, %mul3A_78 : i32
      %lt3A_80 = arith.constant 1250 : i32
      %lt3A_81 = arith.cmpi slt, %add3A_79, %lt3A_80 : i32
      %convert_element_type3A_82 = arith.extui %lt3A_81 : i1 to i32
      %cond3A_83 = arith.constant 0 : i32
      %cond3A_84 = arith.cmpi ne, %convert_element_type3A_82, %cond3A_83 : i32
      scf.if %cond3A_84 {
        %mul3A_97 = arith.constant 32 : i32
        %mul3A_98 = arith.muli %mul3A_76, %mul3A_97 : i32
        %add3A_99 = arith.addi %add3A, %mul3A_98 : i32
        %mul3A_100 = arith.constant 80 : i32
        %mul3A_101 = arith.muli %add3A_99, %mul3A_100 : i32
        %dma_wait3A = arith.constant 0 : i32
        %dma_wait3A_102 = arith.constant 0 : i32
        %dma_wait3A_103 = arith.constant 0 : i32
        %dma_wait3A_104 = tpu.memref_slice %arg6[%dma_wait3A, %dma_wait3A_103] : memref<2x80xi32, #tpu.memory_space<vmem>> -> memref<1x80xi32, #tpu.memory_space<vmem>>
        %dma_wait3A_105 = tpu.memref_squeeze %dma_wait3A_104 : memref<1x80xi32, #tpu.memory_space<vmem>> -> memref<80xi32, #tpu.memory_space<vmem>>
        %dma_wait3A_106 = tpu.memref_slice %arg2[%mul3A_101] : memref<100000xi32, #tpu.memory_space<hbm>> -> memref<80xi32, #tpu.memory_space<hbm>>
        %dma_wait3A_107 = tpu.memref_slice %arg13[%dma_wait3A_102] : memref<2x!tpu.dma_semaphore, #tpu.memory_space<semaphore_mem>> -> memref<1x!tpu.dma_semaphore, #tpu.memory_space<semaphore_mem>>
        %dma_wait3A_108 = tpu.memref_squeeze %dma_wait3A_107 : memref<1x!tpu.dma_semaphore, #tpu.memory_space<semaphore_mem>> -> memref<!tpu.dma_semaphore, #tpu.memory_space<semaphore_mem>>
        %dma_wait3A_109 = arith.constant 0 : i32
        %dma_wait3A_110 = tpu.memref_slice %arg6[%dma_wait3A, %dma_wait3A_109] : memref<2x80xi32, #tpu.memory_space<vmem>> -> memref<1x80xi32, #tpu.memory_space<vmem>>
        %dma_wait3A_111 = tpu.memref_squeeze %dma_wait3A_110 : memref<1x80xi32, #tpu.memory_space<vmem>> -> memref<80xi32, #tpu.memory_space<vmem>>
        %dma_wait3A_112 = tpu.memref_slice %arg2[%mul3A_101] : memref<100000xi32, #tpu.memory_space<hbm>> -> memref<80xi32, #tpu.memory_space<hbm>>
        tpu.wait_dma2 semaphore(%dma_wait3A_108 : memref<!tpu.dma_semaphore, #tpu.memory_space<semaphore_mem>>) src(%dma_wait3A_112 : memref<80xi32, #tpu.memory_space<hbm>>) dst(%dma_wait3A_111 : memref<80xi32, #tpu.memory_space<vmem>>)
        %dma_wait3A_113 = arith.constant 0 : i32
        %dma_wait3A_114 = arith.constant 0 : i32
        %dma_wait3A_115 = arith.constant 0 : i32
        %dma_wait3A_116 = tpu.memref_slice %arg7[%dma_wait3A_113, %dma_wait3A_115] : memref<2x80xi32, #tpu.memory_space<vmem>> -> memref<1x80xi32, #tpu.memory_space<vmem>>
        %dma_wait3A_117 = tpu.memref_squeeze %dma_wait3A_116 : memref<1x80xi32, #tpu.memory_space<vmem>> -> memref<80xi32, #tpu.memory_space<vmem>>
        %dma_wait3A_118 = tpu.memref_slice %arg3[%mul3A_101] : memref<100000xi32, #tpu.memory_space<hbm>> -> memref<80xi32, #tpu.memory_space<hbm>>
        %dma_wait3A_119 = tpu.memref_slice %arg13[%dma_wait3A_114] : memref<2x!tpu.dma_semaphore, #tpu.memory_space<semaphore_mem>> -> memref<1x!tpu.dma_semaphore, #tpu.memory_space<semaphore_mem>>
        %dma_wait3A_120 = tpu.memref_squeeze %dma_wait3A_119 : memref<1x!tpu.dma_semaphore, #tpu.memory_space<semaphore_mem>> -> memref<!tpu.dma_semaphore, #tpu.memory_space<semaphore_mem>>
        %dma_wait3A_121 = arith.constant 0 : i32
        %dma_wait3A_122 = tpu.memref_slice %arg7[%dma_wait3A_113, %dma_wait3A_121] : memref<2x80xi32, #tpu.memory_space<vmem>> -> memref<1x80xi32, #tpu.memory_space<vmem>>
        %dma_wait3A_123 = tpu.memref_squeeze %dma_wait3A_122 : memref<1x80xi32, #tpu.memory_space<vmem>> -> memref<80xi32, #tpu.memory_space<vmem>>
        %dma_wait3A_124 = tpu.memref_slice %arg3[%mul3A_101] : memref<100000xi32, #tpu.memory_space<hbm>> -> memref<80xi32, #tpu.memory_space<hbm>>
        tpu.wait_dma2 semaphore(%dma_wait3A_120 : memref<!tpu.dma_semaphore, #tpu.memory_space<semaphore_mem>>) src(%dma_wait3A_124 : memref<80xi32, #tpu.memory_space<hbm>>) dst(%dma_wait3A_123 : memref<80xi32, #tpu.memory_space<vmem>>)
        %get3A = arith.constant 0 : i32
        %get3A_125 = arith.index_cast %get3A : i32 to index
        %get3A_126 = arith.constant 0 : index
        %get3A_127 = tpu.vector_load %arg7[%get3A_125, %get3A_126] {strides = array<i32>} : memref<2x80xi32, #tpu.memory_space<vmem>>, vector<16xi32>,
        %ne3A = arith.constant 0 : i32
        %ne3A_128 = vector.broadcast %ne3A : i32 to vector<16xi32>
        %ne3A_129 = arith.cmpi ne, %get3A_127, %ne3A_128 : vector<16xi32>
        %get3A_130 = arith.constant 0 : i32
        %get3A_131 = arith.index_cast %get3A_130 : i32 to index
        %get3A_132 = arith.constant 0 : index
        %get3A_133 = tpu.vector_load %arg6[%get3A_131, %get3A_132] {strides = array<i32>} : memref<2x80xi32, #tpu.memory_space<vmem>>, vector<16xi32>,
        %jit3A = arith.constant 40 : i32
        %broadcast_in_dim3A = vector.broadcast %jit3A : i32 to vector<16xi32>
        %select_n3A = arith.select %ne3A_129, %get3A_133, %broadcast_in_dim3A : vector<16xi1>, vector<16xi32>
        %mul3A_134 = arith.constant 512 : i32
        %mul3A_135 = vector.broadcast %mul3A_134 : i32 to vector<16xi32>
        %mul3A_136 = arith.muli %select_n3A, %mul3A_135 : vector<16xi32>
        %swap3A = arith.constant 0 : index
        %swap3A_137 = tpu.vector_load %arg8[%swap3A] {strides = array<i32>} : memref<80xi32, #tpu.memory_space<vmem>>, vector<16xi32>,
        tpu.vector_store %arg8[%swap3A], %mul3A_136 {strides = array<i32>} : memref<80xi32, #tpu.memory_space<vmem>>, vector<16xi32>,
        %get3A_138 = arith.constant 0 : i32
        %get3A_139 = arith.index_cast %get3A_138 : i32 to index
        %get3A_140 = arith.constant 16 : index
        %get3A_141 = tpu.vector_load %arg7[%get3A_139, %get3A_140] {strides = array<i32>} : memref<2x80xi32, #tpu.memory_space<vmem>>, vector<16xi32>,
        %ne3A_142 = arith.constant 0 : i32
        %ne3A_143 = vector.broadcast %ne3A_142 : i32 to vector<16xi32>
        %ne3A_144 = arith.cmpi ne, %get3A_141, %ne3A_143 : vector<16xi32>
        %get3A_145 = arith.constant 0 : i32
        %get3A_146 = arith.index_cast %get3A_145 : i32 to index
        %get3A_147 = arith.constant 16 : index
        %get3A_148 = tpu.vector_load %arg6[%get3A_146, %get3A_147] {strides = array<i32>} : memref<2x80xi32, #tpu.memory_space<vmem>>, vector<16xi32>,
        %jit3A_149 = arith.constant 40 : i32
        %broadcast_in_dim3A_150 = vector.broadcast %jit3A_149 : i32 to vector<16xi32>
        %select_n3A_151 = arith.select %ne3A_144, %get3A_148, %broadcast_in_dim3A_150 : vector<16xi1>, vector<16xi32>
        %mul3A_152 = arith.constant 512 : i32
        %mul3A_153 = vector.broadcast %mul3A_152 : i32 to vector<16xi32>
        %mul3A_154 = arith.muli %select_n3A_151, %mul3A_153 : vector<16xi32>
        %swap3A_155 = arith.constant 16 : index
        %swap3A_156 = tpu.vector_load %arg8[%swap3A_155] {strides = array<i32>} : memref<80xi32, #tpu.memory_space<vmem>>, vector<16xi32>,
        tpu.vector_store %arg8[%swap3A_155], %mul3A_154 {strides = array<i32>} : memref<80xi32, #tpu.memory_space<vmem>>, vector<16xi32>,
        %get3A_157 = arith.constant 0 : i32
        %get3A_158 = arith.index_cast %get3A_157 : i32 to index
        %get3A_159 = arith.constant 32 : index
        %get3A_160 = tpu.vector_load %arg7[%get3A_158, %get3A_159] {strides = array<i32>} : memref<2x80xi32, #tpu.memory_space<vmem>>, vector<16xi32>,
        %ne3A_161 = arith.constant 0 : i32
        %ne3A_162 = vector.broadcast %ne3A_161 : i32 to vector<16xi32>
        %ne3A_163 = arith.cmpi ne, %get3A_160, %ne3A_162 : vector<16xi32>
        %get3A_164 = arith.constant 0 : i32
        %get3A_165 = arith.index_cast %get3A_164 : i32 to index
        %get3A_166 = arith.constant 32 : index
        %get3A_167 = tpu.vector_load %arg6[%get3A_165, %get3A_166] {strides = array<i32>} : memref<2x80xi32, #tpu.memory_space<vmem>>, vector<16xi32>,
        %jit3A_168 = arith.constant 40 : i32
        %broadcast_in_dim3A_169 = vector.broadcast %jit3A_168 : i32 to vector<16xi32>
        %select_n3A_170 = arith.select %ne3A_163, %get3A_167, %broadcast_in_dim3A_169 : vector<16xi1>, vector<16xi32>
        %mul3A_171 = arith.constant 512 : i32
        %mul3A_172 = vector.broadcast %mul3A_171 : i32 to vector<16xi32>
        %mul3A_173 = arith.muli %select_n3A_170, %mul3A_172 : vector<16xi32>
        %swap3A_174 = arith.constant 32 : index
        %swap3A_175 = tpu.vector_load %arg8[%swap3A_174] {strides = array<i32>} : memref<80xi32, #tpu.memory_space<vmem>>, vector<16xi32>,
        tpu.vector_store %arg8[%swap3A_174], %mul3A_173 {strides = array<i32>} : memref<80xi32, #tpu.memory_space<vmem>>, vector<16xi32>,
        %get3A_176 = arith.constant 0 : i32
        %get3A_177 = arith.index_cast %get3A_176 : i32 to index
        %get3A_178 = arith.constant 48 : index
        %get3A_179 = tpu.vector_load %arg7[%get3A_177, %get3A_178] {strides = array<i32>} : memref<2x80xi32, #tpu.memory_space<vmem>>, vector<16xi32>,
        %ne3A_180 = arith.constant 0 : i32
        %ne3A_181 = vector.broadcast %ne3A_180 : i32 to vector<16xi32>
        %ne3A_182 = arith.cmpi ne, %get3A_179, %ne3A_181 : vector<16xi32>
        %get3A_183 = arith.constant 0 : i32
        %get3A_184 = arith.index_cast %get3A_183 : i32 to index
        %get3A_185 = arith.constant 48 : index
        %get3A_186 = tpu.vector_load %arg6[%get3A_184, %get3A_185] {strides = array<i32>} : memref<2x80xi32, #tpu.memory_space<vmem>>, vector<16xi32>,
        %jit3A_187 = arith.constant 40 : i32
        %broadcast_in_dim3A_188 = vector.broadcast %jit3A_187 : i32 to vector<16xi32>
        %select_n3A_189 = arith.select %ne3A_182, %get3A_186, %broadcast_in_dim3A_188 : vector<16xi1>, vector<16xi32>
        %mul3A_190 = arith.constant 512 : i32
        %mul3A_191 = vector.broadcast %mul3A_190 : i32 to vector<16xi32>
        %mul3A_192 = arith.muli %select_n3A_189, %mul3A_191 : vector<16xi32>
        %swap3A_193 = arith.constant 48 : index
        %swap3A_194 = tpu.vector_load %arg8[%swap3A_193] {strides = array<i32>} : memref<80xi32, #tpu.memory_space<vmem>>, vector<16xi32>,
        tpu.vector_store %arg8[%swap3A_193], %mul3A_192 {strides = array<i32>} : memref<80xi32, #tpu.memory_space<vmem>>, vector<16xi32>,
        %get3A_195 = arith.constant 0 : i32
        %get3A_196 = arith.index_cast %get3A_195 : i32 to index
        %get3A_197 = arith.constant 64 : index
        %get3A_198 = tpu.vector_load %arg7[%get3A_196, %get3A_197] {strides = array<i32>} : memref<2x80xi32, #tpu.memory_space<vmem>>, vector<16xi32>,
        %ne3A_199 = arith.constant 0 : i32
        %ne3A_200 = vector.broadcast %ne3A_199 : i32 to vector<16xi32>
        %ne3A_201 = arith.cmpi ne, %get3A_198, %ne3A_200 : vector<16xi32>
        %get3A_202 = arith.constant 0 : i32
        %get3A_203 = arith.index_cast %get3A_202 : i32 to index
        %get3A_204 = arith.constant 64 : index
        %get3A_205 = tpu.vector_load %arg6[%get3A_203, %get3A_204] {strides = array<i32>} : memref<2x80xi32, #tpu.memory_space<vmem>>, vector<16xi32>,
        %jit3A_206 = arith.constant 40 : i32
        %broadcast_in_dim3A_207 = vector.broadcast %jit3A_206 : i32 to vector<16xi32>
        %select_n3A_208 = arith.select %ne3A_201, %get3A_205, %broadcast_in_dim3A_207 : vector<16xi1>, vector<16xi32>
        %mul3A_209 = arith.constant 512 : i32
        %mul3A_210 = vector.broadcast %mul3A_209 : i32 to vector<16xi32>
        %mul3A_211 = arith.muli %select_n3A_208, %mul3A_210 : vector<16xi32>
        %swap3A_212 = arith.constant 64 : index
        %swap3A_213 = tpu.vector_load %arg8[%swap3A_212] {strides = array<i32>} : memref<80xi32, #tpu.memory_space<vmem>>, vector<16xi32>,
        tpu.vector_store %arg8[%swap3A_212], %mul3A_211 {strides = array<i32>} : memref<80xi32, #tpu.memory_space<vmem>>, vector<16xi32>,
        %ge3A = arith.constant 2 : i32
        %ge3A_214 = arith.cmpi sge, %mul3A_76, %ge3A : i32
        %convert_element_type3A_215 = arith.extui %ge3A_214 : i1 to i32
        %cond3A_216 = arith.constant 0 : i32
        %cond3A_217 = arith.cmpi ne, %convert_element_type3A_215, %cond3A_216 : i32
        scf.if %cond3A_217 {
          %sub3A = arith.constant 2 : i32
          %sub3A_242 = arith.subi %mul3A_76, %sub3A : i32
          %mul3A_243 = arith.constant 32 : i32
          %mul3A_244 = arith.muli %sub3A_242, %mul3A_243 : i32
          %add3A_245 = arith.addi %add3A, %mul3A_244 : i32
          %mul3A_246 = arith.constant 40960 : i32
          %mul3A_247 = arith.muli %add3A_245, %mul3A_246 : i32
          %dma_wait3A_248 = arith.constant 0 : i32
          %dma_wait3A_249 = tpu.memref_slice %arg5[%mul3A_247] : memref<51200000xf32, #tpu.memory_space<hbm>> -> memref<40960xf32, #tpu.memory_space<hbm>>
          %dma_wait3A_250 = tpu.memref_slice %arg14[%dma_wait3A_248] : memref<2x!tpu.dma_semaphore, #tpu.memory_space<semaphore_mem>> -> memref<1x!tpu.dma_semaphore, #tpu.memory_space<semaphore_mem>>
          %dma_wait3A_251 = tpu.memref_squeeze %dma_wait3A_250 : memref<1x!tpu.dma_semaphore, #tpu.memory_space<semaphore_mem>> -> memref<!tpu.dma_semaphore, #tpu.memory_space<semaphore_mem>>
          %dma_wait3A_252 = tpu.memref_slice %arg5[%mul3A_247] : memref<51200000xf32, #tpu.memory_space<hbm>> -> memref<40960xf32, #tpu.memory_space<hbm>>
          tpu.wait_dma2 semaphore(%dma_wait3A_251 : memref<!tpu.dma_semaphore, #tpu.memory_space<semaphore_mem>>) src(%arg10 : memref<40960xf32, #tpu.memory_space<vmem>>) dst(%dma_wait3A_252 : memref<40960xf32, #tpu.memory_space<hbm>>)
        } else {
        }
        %add3A_218 = arith.constant 2 : i32
        %add3A_219 = arith.addi %mul3A_76, %add3A_218 : i32
        %mul3A_220 = arith.constant 32 : i32
        %mul3A_221 = arith.muli %add3A_219, %mul3A_220 : i32
        %add3A_222 = arith.addi %add3A, %mul3A_221 : i32
        %lt3A_223 = arith.constant 1250 : i32
        %lt3A_224 = arith.cmpi slt, %add3A_222, %lt3A_223 : i32
        %convert_element_type3A_225 = arith.extui %lt3A_224 : i1 to i32
        %cond3A_226 = arith.constant 0 : i32
        %cond3A_227 = arith.cmpi ne, %convert_element_type3A_225, %cond3A_226 : i32
        scf.if %cond3A_227 {
          %add3A_242 = arith.constant 2 : i32
          %add3A_243 = arith.addi %mul3A_76, %add3A_242 : i32
          %mul3A_244 = arith.constant 32 : i32
          %mul3A_245 = arith.muli %add3A_243, %mul3A_244 : i32
          %add3A_246 = arith.addi %add3A, %mul3A_245 : i32
          %mul3A_247 = arith.constant 80 : i32
          %mul3A_248 = arith.muli %add3A_246, %mul3A_247 : i32
          %dma_start3A_249 = arith.constant 0 : i32
          %dma_start3A_250 = arith.constant 0 : i32
          %dma_start3A_251 = arith.constant 0 : i32
          %dma_start3A_252 = tpu.memref_slice %arg6[%dma_start3A_249, %dma_start3A_251] : memref<2x80xi32, #tpu.memory_space<vmem>> -> memref<1x80xi32, #tpu.memory_space<vmem>>
          %dma_start3A_253 = tpu.memref_squeeze %dma_start3A_252 : memref<1x80xi32, #tpu.memory_space<vmem>> -> memref<80xi32, #tpu.memory_space<vmem>>
          %dma_start3A_254 = tpu.memref_slice %arg2[%mul3A_248] : memref<100000xi32, #tpu.memory_space<hbm>> -> memref<80xi32, #tpu.memory_space<hbm>>
          %dma_start3A_255 = tpu.memref_slice %arg13[%dma_start3A_250] : memref<2x!tpu.dma_semaphore, #tpu.memory_space<semaphore_mem>> -> memref<1x!tpu.dma_semaphore, #tpu.memory_space<semaphore_mem>>
          %dma_start3A_256 = tpu.memref_squeeze %dma_start3A_255 : memref<1x!tpu.dma_semaphore, #tpu.memory_space<semaphore_mem>> -> memref<!tpu.dma_semaphore, #tpu.memory_space<semaphore_mem>>
          %dma_start3A_257 = arith.constant 0 : i32
          %dma_start3A_258 = tpu.memref_slice %arg6[%dma_start3A_249, %dma_start3A_257] : memref<2x80xi32, #tpu.memory_space<vmem>> -> memref<1x80xi32, #tpu.memory_space<vmem>>
          %dma_start3A_259 = tpu.memref_squeeze %dma_start3A_258 : memref<1x80xi32, #tpu.memory_space<vmem>> -> memref<80xi32, #tpu.memory_space<vmem>>
          %dma_start3A_260 = tpu.memref_slice %arg2[%mul3A_248] : memref<100000xi32, #tpu.memory_space<hbm>> -> memref<80xi32, #tpu.memory_space<hbm>>
          tpu.enqueue_dma source(%dma_start3A_260 : memref<80xi32, #tpu.memory_space<hbm>>) target(%dma_start3A_259 : memref<80xi32, #tpu.memory_space<vmem>>) target_semaphore(%dma_start3A_256 : memref<!tpu.dma_semaphore, #tpu.memory_space<semaphore_mem>>)
          %dma_start3A_261 = arith.constant 0 : i32
          %dma_start3A_262 = arith.constant 0 : i32
          %dma_start3A_263 = arith.constant 0 : i32
          %dma_start3A_264 = tpu.memref_slice %arg7[%dma_start3A_261, %dma_start3A_263] : memref<2x80xi32, #tpu.memory_space<vmem>> -> memref<1x80xi32, #tpu.memory_space<vmem>>
          %dma_start3A_265 = tpu.memref_squeeze %dma_start3A_264 : memref<1x80xi32, #tpu.memory_space<vmem>> -> memref<80xi32, #tpu.memory_space<vmem>>
          %dma_start3A_266 = tpu.memref_slice %arg3[%mul3A_248] : memref<100000xi32, #tpu.memory_space<hbm>> -> memref<80xi32, #tpu.memory_space<hbm>>
          %dma_start3A_267 = tpu.memref_slice %arg13[%dma_start3A_262] : memref<2x!tpu.dma_semaphore, #tpu.memory_space<semaphore_mem>> -> memref<1x!tpu.dma_semaphore, #tpu.memory_space<semaphore_mem>>
          %dma_start3A_268 = tpu.memref_squeeze %dma_start3A_267 : memref<1x!tpu.dma_semaphore, #tpu.memory_space<semaphore_mem>> -> memref<!tpu.dma_semaphore, #tpu.memory_space<semaphore_mem>>
          %dma_start3A_269 = arith.constant 0 : i32
          %dma_start3A_270 = tpu.memref_slice %arg7[%dma_start3A_261, %dma_start3A_269] : memref<2x80xi32, #tpu.memory_space<vmem>> -> memref<1x80xi32, #tpu.memory_space<vmem>>
          %dma_start3A_271 = tpu.memref_squeeze %dma_start3A_270 : memref<1x80xi32, #tpu.memory_space<vmem>> -> memref<80xi32, #tpu.memory_space<vmem>>
          %dma_start3A_272 = tpu.memref_slice %arg3[%mul3A_248] : memref<100000xi32, #tpu.memory_space<hbm>> -> memref<80xi32, #tpu.memory_space<hbm>>
          tpu.enqueue_dma source(%dma_start3A_272 : memref<80xi32, #tpu.memory_space<hbm>>) target(%dma_start3A_271 : memref<80xi32, #tpu.memory_space<vmem>>) target_semaphore(%dma_start3A_268 : memref<!tpu.dma_semaphore, #tpu.memory_space<semaphore_mem>>)
        } else {
        }
        %broadcast_in_dim3A_228 = arith.constant 0 : i32
        %broadcast_in_dim3A_229 = vector.broadcast %broadcast_in_dim3A_228 : i32 to vector<16xi32>
        %parallel_loop3A = arith.constant 0 : i32
        %parallel_loop3A_230 = arith.constant 80 : i32
        %parallel_loop3A_231 = arith.constant 1 : i32
        scf.for %parallel_loop3A_242 = %parallel_loop3A to %parallel_loop3A_230 step %parallel_loop3A_231  : i32 {
          %parallel_loop3A_243 = vector.broadcast %parallel_loop3A_242 : i32 to vector<16xi32>
          %parallel_loop3A_244 = arith.addi %broadcast_in_dim3A_229, %parallel_loop3A_243 : vector<16xi32>
          %parallel_loop3A_245 = tpu.vector_load_idx %arg8[%parallel_loop3A_244] : memref<80xi32, #tpu.memory_space<vmem>>[vector<16xi32>], vector<16xi32>,
          %parallel_loop3A_246 = arith.addi %parallel_loop3A_245, %iota3A : vector<16xi32>
          %parallel_loop3A_247 = arith.constant 0 : i32
          %parallel_loop3A_248 = tpu.memref_slice %arg12[%parallel_loop3A_247] : memref<20992xf32, #tpu.memory_space<vmem>> -> memref<20992xf32, #tpu.memory_space<vmem>>
          %parallel_loop3A_249 = tpu.vector_load_idx %parallel_loop3A_248[%parallel_loop3A_246] : memref<20992xf32, #tpu.memory_space<vmem>>[vector<16xi32>], vector<16xf32>,
          %parallel_loop3A_250 = arith.constant 512 : i32
          %parallel_loop3A_251 = arith.muli %parallel_loop3A_242, %parallel_loop3A_250 : i32
          %parallel_loop3A_252 = arith.constant 0 : i32
          %parallel_loop3A_253 = arith.addi %parallel_loop3A_251, %parallel_loop3A_252 : i32
          %parallel_loop3A_254 = arith.index_cast %parallel_loop3A_253 : i32 to index
          %parallel_loop3A_255 = tpu.vector_load %arg10[%parallel_loop3A_254] {strides = array<i32>} : memref<40960xf32, #tpu.memory_space<vmem>>, vector<16xf32>,
          tpu.vector_store %arg10[%parallel_loop3A_254], %parallel_loop3A_249 {strides = array<i32>} : memref<40960xf32, #tpu.memory_space<vmem>>, vector<16xf32>,
          %parallel_loop3A_256 = arith.constant 16 : i32
          %parallel_loop3A_257 = tpu.memref_slice %arg12[%parallel_loop3A_256] : memref<20992xf32, #tpu.memory_space<vmem>> -> memref<20976xf32, #tpu.memory_space<vmem>>
          %parallel_loop3A_258 = tpu.vector_load_idx %parallel_loop3A_257[%parallel_loop3A_246] : memref<20976xf32, #tpu.memory_space<vmem>>[vector<16xi32>], vector<16xf32>,
          %parallel_loop3A_259 = arith.constant 512 : i32
          %parallel_loop3A_260 = arith.muli %parallel_loop3A_242, %parallel_loop3A_259 : i32
          %parallel_loop3A_261 = arith.constant 16 : i32
          %parallel_loop3A_262 = arith.addi %parallel_loop3A_260, %parallel_loop3A_261 : i32
          %parallel_loop3A_263 = arith.index_cast %parallel_loop3A_262 : i32 to index
          %parallel_loop3A_264 = tpu.vector_load %arg10[%parallel_loop3A_263] {strides = array<i32>} : memref<40960xf32, #tpu.memory_space<vmem>>, vector<16xf32>,
          tpu.vector_store %arg10[%parallel_loop3A_263], %parallel_loop3A_258 {strides = array<i32>} : memref<40960xf32, #tpu.memory_space<vmem>>, vector<16xf32>,
          %parallel_loop3A_265 = arith.constant 32 : i32
          %parallel_loop3A_266 = tpu.memref_slice %arg12[%parallel_loop3A_265] : memref<20992xf32, #tpu.memory_space<vmem>> -> memref<20960xf32, #tpu.memory_space<vmem>>
          %parallel_loop3A_267 = tpu.vector_load_idx %parallel_loop3A_266[%parallel_loop3A_246] : memref<20960xf32, #tpu.memory_space<vmem>>[vector<16xi32>], vector<16xf32>,
          %parallel_loop3A_268 = arith.constant 512 : i32
          %parallel_loop3A_269 = arith.muli %parallel_loop3A_242, %parallel_loop3A_268 : i32
          %parallel_loop3A_270 = arith.constant 32 : i32
          %parallel_loop3A_271 = arith.addi %parallel_loop3A_269, %parallel_loop3A_270 : i32
          %parallel_loop3A_272 = arith.index_cast %parallel_loop3A_271 : i32 to index
          %parallel_loop3A_273 = tpu.vector_load %arg10[%parallel_loop3A_272] {strides = array<i32>} : memref<40960xf32, #tpu.memory_space<vmem>>, vector<16xf32>,
          tpu.vector_store %arg10[%parallel_loop3A_272], %parallel_loop3A_267 {strides = array<i32>} : memref<40960xf32, #tpu.memory_space<vmem>>, vector<16xf32>,
          %parallel_loop3A_274 = arith.constant 48 : i32
          %parallel_loop3A_275 = tpu.memref_slice %arg12[%parallel_loop3A_274] : memref<20992xf32, #tpu.memory_space<vmem>> -> memref<20944xf32, #tpu.memory_space<vmem>>
          %parallel_loop3A_276 = tpu.vector_load_idx %parallel_loop3A_275[%parallel_loop3A_246] : memref<20944xf32, #tpu.memory_space<vmem>>[vector<16xi32>], vector<16xf32>,
          %parallel_loop3A_277 = arith.constant 512 : i32
          %parallel_loop3A_278 = arith.muli %parallel_loop3A_242, %parallel_loop3A_277 : i32
          %parallel_loop3A_279 = arith.constant 48 : i32
          %parallel_loop3A_280 = arith.addi %parallel_loop3A_278, %parallel_loop3A_279 : i32
          %parallel_loop3A_281 = arith.index_cast %parallel_loop3A_280 : i32 to index
          %parallel_loop3A_282 = tpu.vector_load %arg10[%parallel_loop3A_281] {strides = array<i32>} : memref<40960xf32, #tpu.memory_space<vmem>>, vector<16xf32>,
          tpu.vector_store %arg10[%parallel_loop3A_281], %parallel_loop3A_276 {strides = array<i32>} : memref<40960xf32, #tpu.memory_space<vmem>>, vector<16xf32>,
          %parallel_loop3A_283 = arith.constant 64 : i32
          %parallel_loop3A_284 = tpu.memref_slice %arg12[%parallel_loop3A_283] : memref<20992xf32, #tpu.memory_space<vmem>> -> memref<20928xf32, #tpu.memory_space<vmem>>
          %parallel_loop3A_285 = tpu.vector_load_idx %parallel_loop3A_284[%parallel_loop3A_246] : memref<20928xf32, #tpu.memory_space<vmem>>[vector<16xi32>], vector<16xf32>,
          %parallel_loop3A_286 = arith.constant 512 : i32
          %parallel_loop3A_287 = arith.muli %parallel_loop3A_242, %parallel_loop3A_286 : i32
          %parallel_loop3A_288 = arith.constant 64 : i32
          %parallel_loop3A_289 = arith.addi %parallel_loop3A_287, %parallel_loop3A_288 : i32
          %parallel_loop3A_290 = arith.index_cast %parallel_loop3A_289 : i32 to index
          %parallel_loop3A_291 = tpu.vector_load %arg10[%parallel_loop3A_290] {strides = array<i32>} : memref<40960xf32, #tpu.memory_space<vmem>>, vector<16xf32>,
          tpu.vector_store %arg10[%parallel_loop3A_290], %parallel_loop3A_285 {strides = array<i32>} : memref<40960xf32, #tpu.memory_space<vmem>>, vector<16xf32>,
          %parallel_loop3A_292 = arith.constant 80 : i32
          %parallel_loop3A_293 = tpu.memref_slice %arg12[%parallel_loop3A_292] : memref<20992xf32, #tpu.memory_space<vmem>> -> memref<20912xf32, #tpu.memory_space<vmem>>
          %parallel_loop3A_294 = tpu.vector_load_idx %parallel_loop3A_293[%parallel_loop3A_246] : memref<20912xf32, #tpu.memory_space<vmem>>[vector<16xi32>], vector<16xf32>,
          %parallel_loop3A_295 = arith.constant 512 : i32
          %parallel_loop3A_296 = arith.muli %parallel_loop3A_242, %parallel_loop3A_295 : i32
          %parallel_loop3A_297 = arith.constant 80 : i32
          %parallel_loop3A_298 = arith.addi %parallel_loop3A_296, %parallel_loop3A_297 : i32
          %parallel_loop3A_299 = arith.index_cast %parallel_loop3A_298 : i32 to index
          %parallel_loop3A_300 = tpu.vector_load %arg10[%parallel_loop3A_299] {strides = array<i32>} : memref<40960xf32, #tpu.memory_space<vmem>>, vector<16xf32>,
          tpu.vector_store %arg10[%parallel_loop3A_299], %parallel_loop3A_294 {strides = array<i32>} : memref<40960xf32, #tpu.memory_space<vmem>>, vector<16xf32>,
          %parallel_loop3A_301 = arith.constant 96 : i32
          %parallel_loop3A_302 = tpu.memref_slice %arg12[%parallel_loop3A_301] : memref<20992xf32, #tpu.memory_space<vmem>> -> memref<20896xf32, #tpu.memory_space<vmem>>
          %parallel_loop3A_303 = tpu.vector_load_idx %parallel_loop3A_302[%parallel_loop3A_246] : memref<20896xf32, #tpu.memory_space<vmem>>[vector<16xi32>], vector<16xf32>,
          %parallel_loop3A_304 = arith.constant 512 : i32
          %parallel_loop3A_305 = arith.muli %parallel_loop3A_242, %parallel_loop3A_304 : i32
          %parallel_loop3A_306 = arith.constant 96 : i32
          %parallel_loop3A_307 = arith.addi %parallel_loop3A_305, %parallel_loop3A_306 : i32
          %parallel_loop3A_308 = arith.index_cast %parallel_loop3A_307 : i32 to index
          %parallel_loop3A_309 = tpu.vector_load %arg10[%parallel_loop3A_308] {strides = array<i32>} : memref<40960xf32, #tpu.memory_space<vmem>>, vector<16xf32>,
          tpu.vector_store %arg10[%parallel_loop3A_308], %parallel_loop3A_303 {strides = array<i32>} : memref<40960xf32, #tpu.memory_space<vmem>>, vector<16xf32>,
          %parallel_loop3A_310 = arith.constant 112 : i32
          %parallel_loop3A_311 = tpu.memref_slice %arg12[%parallel_loop3A_310] : memref<20992xf32, #tpu.memory_space<vmem>> -> memref<20880xf32, #tpu.memory_space<vmem>>
          %parallel_loop3A_312 = tpu.vector_load_idx %parallel_loop3A_311[%parallel_loop3A_246] : memref<20880xf32, #tpu.memory_space<vmem>>[vector<16xi32>], vector<16xf32>,
          %parallel_loop3A_313 = arith.constant 512 : i32
          %parallel_loop3A_314 = arith.muli %parallel_loop3A_242, %parallel_loop3A_313 : i32
          %parallel_loop3A_315 = arith.constant 112 : i32
          %parallel_loop3A_316 = arith.addi %parallel_loop3A_314, %parallel_loop3A_315 : i32
          %parallel_loop3A_317 = arith.index_cast %parallel_loop3A_316 : i32 to index
          %parallel_loop3A_318 = tpu.vector_load %arg10[%parallel_loop3A_317] {strides = array<i32>} : memref<40960xf32, #tpu.memory_space<vmem>>, vector<16xf32>,
          tpu.vector_store %arg10[%parallel_loop3A_317], %parallel_loop3A_312 {strides = array<i32>} : memref<40960xf32, #tpu.memory_space<vmem>>, vector<16xf32>,
          %parallel_loop3A_319 = arith.constant 128 : i32
          %parallel_loop3A_320 = tpu.memref_slice %arg12[%parallel_loop3A_319] : memref<20992xf32, #tpu.memory_space<vmem>> -> memref<20864xf32, #tpu.memory_space<vmem>>
          %parallel_loop3A_321 = tpu.vector_load_idx %parallel_loop3A_320[%parallel_loop3A_246] : memref<20864xf32, #tpu.memory_space<vmem>>[vector<16xi32>], vector<16xf32>,
          %parallel_loop3A_322 = arith.constant 512 : i32
          %parallel_loop3A_323 = arith.muli %parallel_loop3A_242, %parallel_loop3A_322 : i32
          %parallel_loop3A_324 = arith.constant 128 : i32
          %parallel_loop3A_325 = arith.addi %parallel_loop3A_323, %parallel_loop3A_324 : i32
          %parallel_loop3A_326 = arith.index_cast %parallel_loop3A_325 : i32 to index
          %parallel_loop3A_327 = tpu.vector_load %arg10[%parallel_loop3A_326] {strides = array<i32>} : memref<40960xf32, #tpu.memory_space<vmem>>, vector<16xf32>,
          tpu.vector_store %arg10[%parallel_loop3A_326], %parallel_loop3A_321 {strides = array<i32>} : memref<40960xf32, #tpu.memory_space<vmem>>, vector<16xf32>,
          %parallel_loop3A_328 = arith.constant 144 : i32
          %parallel_loop3A_329 = tpu.memref_slice %arg12[%parallel_loop3A_328] : memref<20992xf32, #tpu.memory_space<vmem>> -> memref<20848xf32, #tpu.memory_space<vmem>>
          %parallel_loop3A_330 = tpu.vector_load_idx %parallel_loop3A_329[%parallel_loop3A_246] : memref<20848xf32, #tpu.memory_space<vmem>>[vector<16xi32>], vector<16xf32>,
          %parallel_loop3A_331 = arith.constant 512 : i32
          %parallel_loop3A_332 = arith.muli %parallel_loop3A_242, %parallel_loop3A_331 : i32
          %parallel_loop3A_333 = arith.constant 144 : i32
          %parallel_loop3A_334 = arith.addi %parallel_loop3A_332, %parallel_loop3A_333 : i32
          %parallel_loop3A_335 = arith.index_cast %parallel_loop3A_334 : i32 to index
          %parallel_loop3A_336 = tpu.vector_load %arg10[%parallel_loop3A_335] {strides = array<i32>} : memref<40960xf32, #tpu.memory_space<vmem>>, vector<16xf32>,
          tpu.vector_store %arg10[%parallel_loop3A_335], %parallel_loop3A_330 {strides = array<i32>} : memref<40960xf32, #tpu.memory_space<vmem>>, vector<16xf32>,
          %parallel_loop3A_337 = arith.constant 160 : i32
          %parallel_loop3A_338 = tpu.memref_slice %arg12[%parallel_loop3A_337] : memref<20992xf32, #tpu.memory_space<vmem>> -> memref<20832xf32, #tpu.memory_space<vmem>>
          %parallel_loop3A_339 = tpu.vector_load_idx %parallel_loop3A_338[%parallel_loop3A_246] : memref<20832xf32, #tpu.memory_space<vmem>>[vector<16xi32>], vector<16xf32>,
          %parallel_loop3A_340 = arith.constant 512 : i32
          %parallel_loop3A_341 = arith.muli %parallel_loop3A_242, %parallel_loop3A_340 : i32
          %parallel_loop3A_342 = arith.constant 160 : i32
          %parallel_loop3A_343 = arith.addi %parallel_loop3A_341, %parallel_loop3A_342 : i32
          %parallel_loop3A_344 = arith.index_cast %parallel_loop3A_343 : i32 to index
          %parallel_loop3A_345 = tpu.vector_load %arg10[%parallel_loop3A_344] {strides = array<i32>} : memref<40960xf32, #tpu.memory_space<vmem>>, vector<16xf32>,
          tpu.vector_store %arg10[%parallel_loop3A_344], %parallel_loop3A_339 {strides = array<i32>} : memref<40960xf32, #tpu.memory_space<vmem>>, vector<16xf32>,
          %parallel_loop3A_346 = arith.constant 176 : i32
          %parallel_loop3A_347 = tpu.memref_slice %arg12[%parallel_loop3A_346] : memref<20992xf32, #tpu.memory_space<vmem>> -> memref<20816xf32, #tpu.memory_space<vmem>>
          %parallel_loop3A_348 = tpu.vector_load_idx %parallel_loop3A_347[%parallel_loop3A_246] : memref<20816xf32, #tpu.memory_space<vmem>>[vector<16xi32>], vector<16xf32>,
          %parallel_loop3A_349 = arith.constant 512 : i32
          %parallel_loop3A_350 = arith.muli %parallel_loop3A_242, %parallel_loop3A_349 : i32
          %parallel_loop3A_351 = arith.constant 176 : i32
          %parallel_loop3A_352 = arith.addi %parallel_loop3A_350, %parallel_loop3A_351 : i32
          %parallel_loop3A_353 = arith.index_cast %parallel_loop3A_352 : i32 to index
          %parallel_loop3A_354 = tpu.vector_load %arg10[%parallel_loop3A_353] {strides = array<i32>} : memref<40960xf32, #tpu.memory_space<vmem>>, vector<16xf32>,
          tpu.vector_store %arg10[%parallel_loop3A_353], %parallel_loop3A_348 {strides = array<i32>} : memref<40960xf32, #tpu.memory_space<vmem>>, vector<16xf32>,
          %parallel_loop3A_355 = arith.constant 192 : i32
          %parallel_loop3A_356 = tpu.memref_slice %arg12[%parallel_loop3A_355] : memref<20992xf32, #tpu.memory_space<vmem>> -> memref<20800xf32, #tpu.memory_space<vmem>>
          %parallel_loop3A_357 = tpu.vector_load_idx %parallel_loop3A_356[%parallel_loop3A_246] : memref<20800xf32, #tpu.memory_space<vmem>>[vector<16xi32>], vector<16xf32>,
          %parallel_loop3A_358 = arith.constant 512 : i32
          %parallel_loop3A_359 = arith.muli %parallel_loop3A_242, %parallel_loop3A_358 : i32
          %parallel_loop3A_360 = arith.constant 192 : i32
          %parallel_loop3A_361 = arith.addi %parallel_loop3A_359, %parallel_loop3A_360 : i32
          %parallel_loop3A_362 = arith.index_cast %parallel_loop3A_361 : i32 to index
          %parallel_loop3A_363 = tpu.vector_load %arg10[%parallel_loop3A_362] {strides = array<i32>} : memref<40960xf32, #tpu.memory_space<vmem>>, vector<16xf32>,
          tpu.vector_store %arg10[%parallel_loop3A_362], %parallel_loop3A_357 {strides = array<i32>} : memref<40960xf32, #tpu.memory_space<vmem>>, vector<16xf32>,
          %parallel_loop3A_364 = arith.constant 208 : i32
          %parallel_loop3A_365 = tpu.memref_slice %arg12[%parallel_loop3A_364] : memref<20992xf32, #tpu.memory_space<vmem>> -> memref<20784xf32, #tpu.memory_space<vmem>>
          %parallel_loop3A_366 = tpu.vector_load_idx %parallel_loop3A_365[%parallel_loop3A_246] : memref<20784xf32, #tpu.memory_space<vmem>>[vector<16xi32>], vector<16xf32>,
          %parallel_loop3A_367 = arith.constant 512 : i32
          %parallel_loop3A_368 = arith.muli %parallel_loop3A_242, %parallel_loop3A_367 : i32
          %parallel_loop3A_369 = arith.constant 208 : i32
          %parallel_loop3A_370 = arith.addi %parallel_loop3A_368, %parallel_loop3A_369 : i32
          %parallel_loop3A_371 = arith.index_cast %parallel_loop3A_370 : i32 to index
          %parallel_loop3A_372 = tpu.vector_load %arg10[%parallel_loop3A_371] {strides = array<i32>} : memref<40960xf32, #tpu.memory_space<vmem>>, vector<16xf32>,
          tpu.vector_store %arg10[%parallel_loop3A_371], %parallel_loop3A_366 {strides = array<i32>} : memref<40960xf32, #tpu.memory_space<vmem>>, vector<16xf32>,
          %parallel_loop3A_373 = arith.constant 224 : i32
          %parallel_loop3A_374 = tpu.memref_slice %arg12[%parallel_loop3A_373] : memref<20992xf32, #tpu.memory_space<vmem>> -> memref<20768xf32, #tpu.memory_space<vmem>>
          %parallel_loop3A_375 = tpu.vector_load_idx %parallel_loop3A_374[%parallel_loop3A_246] : memref<20768xf32, #tpu.memory_space<vmem>>[vector<16xi32>], vector<16xf32>,
          %parallel_loop3A_376 = arith.constant 512 : i32
          %parallel_loop3A_377 = arith.muli %parallel_loop3A_242, %parallel_loop3A_376 : i32
          %parallel_loop3A_378 = arith.constant 224 : i32
          %parallel_loop3A_379 = arith.addi %parallel_loop3A_377, %parallel_loop3A_378 : i32
          %parallel_loop3A_380 = arith.index_cast %parallel_loop3A_379 : i32 to index
          %parallel_loop3A_381 = tpu.vector_load %arg10[%parallel_loop3A_380] {strides = array<i32>} : memref<40960xf32, #tpu.memory_space<vmem>>, vector<16xf32>,
          tpu.vector_store %arg10[%parallel_loop3A_380], %parallel_loop3A_375 {strides = array<i32>} : memref<40960xf32, #tpu.memory_space<vmem>>, vector<16xf32>,
          %parallel_loop3A_382 = arith.constant 240 : i32
          %parallel_loop3A_383 = tpu.memref_slice %arg12[%parallel_loop3A_382] : memref<20992xf32, #tpu.memory_space<vmem>> -> memref<20752xf32, #tpu.memory_space<vmem>>
          %parallel_loop3A_384 = tpu.vector_load_idx %parallel_loop3A_383[%parallel_loop3A_246] : memref<20752xf32, #tpu.memory_space<vmem>>[vector<16xi32>], vector<16xf32>,
          %parallel_loop3A_385 = arith.constant 512 : i32
          %parallel_loop3A_386 = arith.muli %parallel_loop3A_242, %parallel_loop3A_385 : i32
          %parallel_loop3A_387 = arith.constant 240 : i32
          %parallel_loop3A_388 = arith.addi %parallel_loop3A_386, %parallel_loop3A_387 : i32
          %parallel_loop3A_389 = arith.index_cast %parallel_loop3A_388 : i32 to index
          %parallel_loop3A_390 = tpu.vector_load %arg10[%parallel_loop3A_389] {strides = array<i32>} : memref<40960xf32, #tpu.memory_space<vmem>>, vector<16xf32>,
          tpu.vector_store %arg10[%parallel_loop3A_389], %parallel_loop3A_384 {strides = array<i32>} : memref<40960xf32, #tpu.memory_space<vmem>>, vector<16xf32>,
          %parallel_loop3A_391 = arith.constant 256 : i32
          %parallel_loop3A_392 = tpu.memref_slice %arg12[%parallel_loop3A_391] : memref<20992xf32, #tpu.memory_space<vmem>> -> memref<20736xf32, #tpu.memory_space<vmem>>
          %parallel_loop3A_393 = tpu.vector_load_idx %parallel_loop3A_392[%parallel_loop3A_246] : memref<20736xf32, #tpu.memory_space<vmem>>[vector<16xi32>], vector<16xf32>,
          %parallel_loop3A_394 = arith.constant 512 : i32
          %parallel_loop3A_395 = arith.muli %parallel_loop3A_242, %parallel_loop3A_394 : i32
          %parallel_loop3A_396 = arith.constant 256 : i32
          %parallel_loop3A_397 = arith.addi %parallel_loop3A_395, %parallel_loop3A_396 : i32
          %parallel_loop3A_398 = arith.index_cast %parallel_loop3A_397 : i32 to index
          %parallel_loop3A_399 = tpu.vector_load %arg10[%parallel_loop3A_398] {strides = array<i32>} : memref<40960xf32, #tpu.memory_space<vmem>>, vector<16xf32>,
          tpu.vector_store %arg10[%parallel_loop3A_398], %parallel_loop3A_393 {strides = array<i32>} : memref<40960xf32, #tpu.memory_space<vmem>>, vector<16xf32>,
          %parallel_loop3A_400 = arith.constant 272 : i32
          %parallel_loop3A_401 = tpu.memref_slice %arg12[%parallel_loop3A_400] : memref<20992xf32, #tpu.memory_space<vmem>> -> memref<20720xf32, #tpu.memory_space<vmem>>
          %parallel_loop3A_402 = tpu.vector_load_idx %parallel_loop3A_401[%parallel_loop3A_246] : memref<20720xf32, #tpu.memory_space<vmem>>[vector<16xi32>], vector<16xf32>,
          %parallel_loop3A_403 = arith.constant 512 : i32
          %parallel_loop3A_404 = arith.muli %parallel_loop3A_242, %parallel_loop3A_403 : i32
          %parallel_loop3A_405 = arith.constant 272 : i32
          %parallel_loop3A_406 = arith.addi %parallel_loop3A_404, %parallel_loop3A_405 : i32
          %parallel_loop3A_407 = arith.index_cast %parallel_loop3A_406 : i32 to index
          %parallel_loop3A_408 = tpu.vector_load %arg10[%parallel_loop3A_407] {strides = array<i32>} : memref<40960xf32, #tpu.memory_space<vmem>>, vector<16xf32>,
          tpu.vector_store %arg10[%parallel_loop3A_407], %parallel_loop3A_402 {strides = array<i32>} : memref<40960xf32, #tpu.memory_space<vmem>>, vector<16xf32>,
          %parallel_loop3A_409 = arith.constant 288 : i32
          %parallel_loop3A_410 = tpu.memref_slice %arg12[%parallel_loop3A_409] : memref<20992xf32, #tpu.memory_space<vmem>> -> memref<20704xf32, #tpu.memory_space<vmem>>
          %parallel_loop3A_411 = tpu.vector_load_idx %parallel_loop3A_410[%parallel_loop3A_246] : memref<20704xf32, #tpu.memory_space<vmem>>[vector<16xi32>], vector<16xf32>,
          %parallel_loop3A_412 = arith.constant 512 : i32
          %parallel_loop3A_413 = arith.muli %parallel_loop3A_242, %parallel_loop3A_412 : i32
          %parallel_loop3A_414 = arith.constant 288 : i32
          %parallel_loop3A_415 = arith.addi %parallel_loop3A_413, %parallel_loop3A_414 : i32
          %parallel_loop3A_416 = arith.index_cast %parallel_loop3A_415 : i32 to index
          %parallel_loop3A_417 = tpu.vector_load %arg10[%parallel_loop3A_416] {strides = array<i32>} : memref<40960xf32, #tpu.memory_space<vmem>>, vector<16xf32>,
          tpu.vector_store %arg10[%parallel_loop3A_416], %parallel_loop3A_411 {strides = array<i32>} : memref<40960xf32, #tpu.memory_space<vmem>>, vector<16xf32>,
          %parallel_loop3A_418 = arith.constant 304 : i32
          %parallel_loop3A_419 = tpu.memref_slice %arg12[%parallel_loop3A_418] : memref<20992xf32, #tpu.memory_space<vmem>> -> memref<20688xf32, #tpu.memory_space<vmem>>
          %parallel_loop3A_420 = tpu.vector_load_idx %parallel_loop3A_419[%parallel_loop3A_246] : memref<20688xf32, #tpu.memory_space<vmem>>[vector<16xi32>], vector<16xf32>,
          %parallel_loop3A_421 = arith.constant 512 : i32
          %parallel_loop3A_422 = arith.muli %parallel_loop3A_242, %parallel_loop3A_421 : i32
          %parallel_loop3A_423 = arith.constant 304 : i32
          %parallel_loop3A_424 = arith.addi %parallel_loop3A_422, %parallel_loop3A_423 : i32
          %parallel_loop3A_425 = arith.index_cast %parallel_loop3A_424 : i32 to index
          %parallel_loop3A_426 = tpu.vector_load %arg10[%parallel_loop3A_425] {strides = array<i32>} : memref<40960xf32, #tpu.memory_space<vmem>>, vector<16xf32>,
          tpu.vector_store %arg10[%parallel_loop3A_425], %parallel_loop3A_420 {strides = array<i32>} : memref<40960xf32, #tpu.memory_space<vmem>>, vector<16xf32>,
          %parallel_loop3A_427 = arith.constant 320 : i32
          %parallel_loop3A_428 = tpu.memref_slice %arg12[%parallel_loop3A_427] : memref<20992xf32, #tpu.memory_space<vmem>> -> memref<20672xf32, #tpu.memory_space<vmem>>
          %parallel_loop3A_429 = tpu.vector_load_idx %parallel_loop3A_428[%parallel_loop3A_246] : memref<20672xf32, #tpu.memory_space<vmem>>[vector<16xi32>], vector<16xf32>,
          %parallel_loop3A_430 = arith.constant 512 : i32
          %parallel_loop3A_431 = arith.muli %parallel_loop3A_242, %parallel_loop3A_430 : i32
          %parallel_loop3A_432 = arith.constant 320 : i32
          %parallel_loop3A_433 = arith.addi %parallel_loop3A_431, %parallel_loop3A_432 : i32
          %parallel_loop3A_434 = arith.index_cast %parallel_loop3A_433 : i32 to index
          %parallel_loop3A_435 = tpu.vector_load %arg10[%parallel_loop3A_434] {strides = array<i32>} : memref<40960xf32, #tpu.memory_space<vmem>>, vector<16xf32>,
          tpu.vector_store %arg10[%parallel_loop3A_434], %parallel_loop3A_429 {strides = array<i32>} : memref<40960xf32, #tpu.memory_space<vmem>>, vector<16xf32>,
          %parallel_loop3A_436 = arith.constant 336 : i32
          %parallel_loop3A_437 = tpu.memref_slice %arg12[%parallel_loop3A_436] : memref<20992xf32, #tpu.memory_space<vmem>> -> memref<20656xf32, #tpu.memory_space<vmem>>
          %parallel_loop3A_438 = tpu.vector_load_idx %parallel_loop3A_437[%parallel_loop3A_246] : memref<20656xf32, #tpu.memory_space<vmem>>[vector<16xi32>], vector<16xf32>,
          %parallel_loop3A_439 = arith.constant 512 : i32
          %parallel_loop3A_440 = arith.muli %parallel_loop3A_242, %parallel_loop3A_439 : i32
          %parallel_loop3A_441 = arith.constant 336 : i32
          %parallel_loop3A_442 = arith.addi %parallel_loop3A_440, %parallel_loop3A_441 : i32
          %parallel_loop3A_443 = arith.index_cast %parallel_loop3A_442 : i32 to index
          %parallel_loop3A_444 = tpu.vector_load %arg10[%parallel_loop3A_443] {strides = array<i32>} : memref<40960xf32, #tpu.memory_space<vmem>>, vector<16xf32>,
          tpu.vector_store %arg10[%parallel_loop3A_443], %parallel_loop3A_438 {strides = array<i32>} : memref<40960xf32, #tpu.memory_space<vmem>>, vector<16xf32>,
          %parallel_loop3A_445 = arith.constant 352 : i32
          %parallel_loop3A_446 = tpu.memref_slice %arg12[%parallel_loop3A_445] : memref<20992xf32, #tpu.memory_space<vmem>> -> memref<20640xf32, #tpu.memory_space<vmem>>
          %parallel_loop3A_447 = tpu.vector_load_idx %parallel_loop3A_446[%parallel_loop3A_246] : memref<20640xf32, #tpu.memory_space<vmem>>[vector<16xi32>], vector<16xf32>,
          %parallel_loop3A_448 = arith.constant 512 : i32
          %parallel_loop3A_449 = arith.muli %parallel_loop3A_242, %parallel_loop3A_448 : i32
          %parallel_loop3A_450 = arith.constant 352 : i32
          %parallel_loop3A_451 = arith.addi %parallel_loop3A_449, %parallel_loop3A_450 : i32
          %parallel_loop3A_452 = arith.index_cast %parallel_loop3A_451 : i32 to index
          %parallel_loop3A_453 = tpu.vector_load %arg10[%parallel_loop3A_452] {strides = array<i32>} : memref<40960xf32, #tpu.memory_space<vmem>>, vector<16xf32>,
          tpu.vector_store %arg10[%parallel_loop3A_452], %parallel_loop3A_447 {strides = array<i32>} : memref<40960xf32, #tpu.memory_space<vmem>>, vector<16xf32>,
          %parallel_loop3A_454 = arith.constant 368 : i32
          %parallel_loop3A_455 = tpu.memref_slice %arg12[%parallel_loop3A_454] : memref<20992xf32, #tpu.memory_space<vmem>> -> memref<20624xf32, #tpu.memory_space<vmem>>
          %parallel_loop3A_456 = tpu.vector_load_idx %parallel_loop3A_455[%parallel_loop3A_246] : memref<20624xf32, #tpu.memory_space<vmem>>[vector<16xi32>], vector<16xf32>,
          %parallel_loop3A_457 = arith.constant 512 : i32
          %parallel_loop3A_458 = arith.muli %parallel_loop3A_242, %parallel_loop3A_457 : i32
          %parallel_loop3A_459 = arith.constant 368 : i32
          %parallel_loop3A_460 = arith.addi %parallel_loop3A_458, %parallel_loop3A_459 : i32
          %parallel_loop3A_461 = arith.index_cast %parallel_loop3A_460 : i32 to index
          %parallel_loop3A_462 = tpu.vector_load %arg10[%parallel_loop3A_461] {strides = array<i32>} : memref<40960xf32, #tpu.memory_space<vmem>>, vector<16xf32>,
          tpu.vector_store %arg10[%parallel_loop3A_461], %parallel_loop3A_456 {strides = array<i32>} : memref<40960xf32, #tpu.memory_space<vmem>>, vector<16xf32>,
          %parallel_loop3A_463 = arith.constant 384 : i32
          %parallel_loop3A_464 = tpu.memref_slice %arg12[%parallel_loop3A_463] : memref<20992xf32, #tpu.memory_space<vmem>> -> memref<20608xf32, #tpu.memory_space<vmem>>
          %parallel_loop3A_465 = tpu.vector_load_idx %parallel_loop3A_464[%parallel_loop3A_246] : memref<20608xf32, #tpu.memory_space<vmem>>[vector<16xi32>], vector<16xf32>,
          %parallel_loop3A_466 = arith.constant 512 : i32
          %parallel_loop3A_467 = arith.muli %parallel_loop3A_242, %parallel_loop3A_466 : i32
          %parallel_loop3A_468 = arith.constant 384 : i32
          %parallel_loop3A_469 = arith.addi %parallel_loop3A_467, %parallel_loop3A_468 : i32
          %parallel_loop3A_470 = arith.index_cast %parallel_loop3A_469 : i32 to index
          %parallel_loop3A_471 = tpu.vector_load %arg10[%parallel_loop3A_470] {strides = array<i32>} : memref<40960xf32, #tpu.memory_space<vmem>>, vector<16xf32>,
          tpu.vector_store %arg10[%parallel_loop3A_470], %parallel_loop3A_465 {strides = array<i32>} : memref<40960xf32, #tpu.memory_space<vmem>>, vector<16xf32>,
          %parallel_loop3A_472 = arith.constant 400 : i32
          %parallel_loop3A_473 = tpu.memref_slice %arg12[%parallel_loop3A_472] : memref<20992xf32, #tpu.memory_space<vmem>> -> memref<20592xf32, #tpu.memory_space<vmem>>
          %parallel_loop3A_474 = tpu.vector_load_idx %parallel_loop3A_473[%parallel_loop3A_246] : memref<20592xf32, #tpu.memory_space<vmem>>[vector<16xi32>], vector<16xf32>,
          %parallel_loop3A_475 = arith.constant 512 : i32
          %parallel_loop3A_476 = arith.muli %parallel_loop3A_242, %parallel_loop3A_475 : i32
          %parallel_loop3A_477 = arith.constant 400 : i32
          %parallel_loop3A_478 = arith.addi %parallel_loop3A_476, %parallel_loop3A_477 : i32
          %parallel_loop3A_479 = arith.index_cast %parallel_loop3A_478 : i32 to index
          %parallel_loop3A_480 = tpu.vector_load %arg10[%parallel_loop3A_479] {strides = array<i32>} : memref<40960xf32, #tpu.memory_space<vmem>>, vector<16xf32>,
          tpu.vector_store %arg10[%parallel_loop3A_479], %parallel_loop3A_474 {strides = array<i32>} : memref<40960xf32, #tpu.memory_space<vmem>>, vector<16xf32>,
          %parallel_loop3A_481 = arith.constant 416 : i32
          %parallel_loop3A_482 = tpu.memref_slice %arg12[%parallel_loop3A_481] : memref<20992xf32, #tpu.memory_space<vmem>> -> memref<20576xf32, #tpu.memory_space<vmem>>
          %parallel_loop3A_483 = tpu.vector_load_idx %parallel_loop3A_482[%parallel_loop3A_246] : memref<20576xf32, #tpu.memory_space<vmem>>[vector<16xi32>], vector<16xf32>,
          %parallel_loop3A_484 = arith.constant 512 : i32
          %parallel_loop3A_485 = arith.muli %parallel_loop3A_242, %parallel_loop3A_484 : i32
          %parallel_loop3A_486 = arith.constant 416 : i32
          %parallel_loop3A_487 = arith.addi %parallel_loop3A_485, %parallel_loop3A_486 : i32
          %parallel_loop3A_488 = arith.index_cast %parallel_loop3A_487 : i32 to index
          %parallel_loop3A_489 = tpu.vector_load %arg10[%parallel_loop3A_488] {strides = array<i32>} : memref<40960xf32, #tpu.memory_space<vmem>>, vector<16xf32>,
          tpu.vector_store %arg10[%parallel_loop3A_488], %parallel_loop3A_483 {strides = array<i32>} : memref<40960xf32, #tpu.memory_space<vmem>>, vector<16xf32>,
          %parallel_loop3A_490 = arith.constant 432 : i32
          %parallel_loop3A_491 = tpu.memref_slice %arg12[%parallel_loop3A_490] : memref<20992xf32, #tpu.memory_space<vmem>> -> memref<20560xf32, #tpu.memory_space<vmem>>
          %parallel_loop3A_492 = tpu.vector_load_idx %parallel_loop3A_491[%parallel_loop3A_246] : memref<20560xf32, #tpu.memory_space<vmem>>[vector<16xi32>], vector<16xf32>,
          %parallel_loop3A_493 = arith.constant 512 : i32
          %parallel_loop3A_494 = arith.muli %parallel_loop3A_242, %parallel_loop3A_493 : i32
          %parallel_loop3A_495 = arith.constant 432 : i32
          %parallel_loop3A_496 = arith.addi %parallel_loop3A_494, %parallel_loop3A_495 : i32
          %parallel_loop3A_497 = arith.index_cast %parallel_loop3A_496 : i32 to index
          %parallel_loop3A_498 = tpu.vector_load %arg10[%parallel_loop3A_497] {strides = array<i32>} : memref<40960xf32, #tpu.memory_space<vmem>>, vector<16xf32>,
          tpu.vector_store %arg10[%parallel_loop3A_497], %parallel_loop3A_492 {strides = array<i32>} : memref<40960xf32, #tpu.memory_space<vmem>>, vector<16xf32>,
          %parallel_loop3A_499 = arith.constant 448 : i32
          %parallel_loop3A_500 = tpu.memref_slice %arg12[%parallel_loop3A_499] : memref<20992xf32, #tpu.memory_space<vmem>> -> memref<20544xf32, #tpu.memory_space<vmem>>
          %parallel_loop3A_501 = tpu.vector_load_idx %parallel_loop3A_500[%parallel_loop3A_246] : memref<20544xf32, #tpu.memory_space<vmem>>[vector<16xi32>], vector<16xf32>,
          %parallel_loop3A_502 = arith.constant 512 : i32
          %parallel_loop3A_503 = arith.muli %parallel_loop3A_242, %parallel_loop3A_502 : i32
          %parallel_loop3A_504 = arith.constant 448 : i32
          %parallel_loop3A_505 = arith.addi %parallel_loop3A_503, %parallel_loop3A_504 : i32
          %parallel_loop3A_506 = arith.index_cast %parallel_loop3A_505 : i32 to index
          %parallel_loop3A_507 = tpu.vector_load %arg10[%parallel_loop3A_506] {strides = array<i32>} : memref<40960xf32, #tpu.memory_space<vmem>>, vector<16xf32>,
          tpu.vector_store %arg10[%parallel_loop3A_506], %parallel_loop3A_501 {strides = array<i32>} : memref<40960xf32, #tpu.memory_space<vmem>>, vector<16xf32>,
          %parallel_loop3A_508 = arith.constant 464 : i32
          %parallel_loop3A_509 = tpu.memref_slice %arg12[%parallel_loop3A_508] : memref<20992xf32, #tpu.memory_space<vmem>> -> memref<20528xf32, #tpu.memory_space<vmem>>
          %parallel_loop3A_510 = tpu.vector_load_idx %parallel_loop3A_509[%parallel_loop3A_246] : memref<20528xf32, #tpu.memory_space<vmem>>[vector<16xi32>], vector<16xf32>,
          %parallel_loop3A_511 = arith.constant 512 : i32
          %parallel_loop3A_512 = arith.muli %parallel_loop3A_242, %parallel_loop3A_511 : i32
          %parallel_loop3A_513 = arith.constant 464 : i32
          %parallel_loop3A_514 = arith.addi %parallel_loop3A_512, %parallel_loop3A_513 : i32
          %parallel_loop3A_515 = arith.index_cast %parallel_loop3A_514 : i32 to index
          %parallel_loop3A_516 = tpu.vector_load %arg10[%parallel_loop3A_515] {strides = array<i32>} : memref<40960xf32, #tpu.memory_space<vmem>>, vector<16xf32>,
          tpu.vector_store %arg10[%parallel_loop3A_515], %parallel_loop3A_510 {strides = array<i32>} : memref<40960xf32, #tpu.memory_space<vmem>>, vector<16xf32>,
          %parallel_loop3A_517 = arith.constant 480 : i32
          %parallel_loop3A_518 = tpu.memref_slice %arg12[%parallel_loop3A_517] : memref<20992xf32, #tpu.memory_space<vmem>> -> memref<20512xf32, #tpu.memory_space<vmem>>
          %parallel_loop3A_519 = tpu.vector_load_idx %parallel_loop3A_518[%parallel_loop3A_246] : memref<20512xf32, #tpu.memory_space<vmem>>[vector<16xi32>], vector<16xf32>,
          %parallel_loop3A_520 = arith.constant 512 : i32
          %parallel_loop3A_521 = arith.muli %parallel_loop3A_242, %parallel_loop3A_520 : i32
          %parallel_loop3A_522 = arith.constant 480 : i32
          %parallel_loop3A_523 = arith.addi %parallel_loop3A_521, %parallel_loop3A_522 : i32
          %parallel_loop3A_524 = arith.index_cast %parallel_loop3A_523 : i32 to index
          %parallel_loop3A_525 = tpu.vector_load %arg10[%parallel_loop3A_524] {strides = array<i32>} : memref<40960xf32, #tpu.memory_space<vmem>>, vector<16xf32>,
          tpu.vector_store %arg10[%parallel_loop3A_524], %parallel_loop3A_519 {strides = array<i32>} : memref<40960xf32, #tpu.memory_space<vmem>>, vector<16xf32>,
          %parallel_loop3A_526 = arith.constant 496 : i32
          %parallel_loop3A_527 = tpu.memref_slice %arg12[%parallel_loop3A_526] : memref<20992xf32, #tpu.memory_space<vmem>> -> memref<20496xf32, #tpu.memory_space<vmem>>
          %parallel_loop3A_528 = tpu.vector_load_idx %parallel_loop3A_527[%parallel_loop3A_246] : memref<20496xf32, #tpu.memory_space<vmem>>[vector<16xi32>], vector<16xf32>,
          %parallel_loop3A_529 = arith.constant 512 : i32
          %parallel_loop3A_530 = arith.muli %parallel_loop3A_242, %parallel_loop3A_529 : i32
          %parallel_loop3A_531 = arith.constant 496 : i32
          %parallel_loop3A_532 = arith.addi %parallel_loop3A_530, %parallel_loop3A_531 : i32
          %parallel_loop3A_533 = arith.index_cast %parallel_loop3A_532 : i32 to index
          %parallel_loop3A_534 = tpu.vector_load %arg10[%parallel_loop3A_533] {strides = array<i32>} : memref<40960xf32, #tpu.memory_space<vmem>>, vector<16xf32>,
          tpu.vector_store %arg10[%parallel_loop3A_533], %parallel_loop3A_528 {strides = array<i32>} : memref<40960xf32, #tpu.memory_space<vmem>>, vector<16xf32>,
        } {sc.loop_unroll_factor = 8 : i64, sc.parallel_access}
        %mul3A_232 = arith.constant 32 : i32
        %mul3A_233 = arith.muli %mul3A_76, %mul3A_232 : i32
        %add3A_234 = arith.addi %add3A, %mul3A_233 : i32
        %mul3A_235 = arith.constant 40960 : i32
        %mul3A_236 = arith.muli %add3A_234, %mul3A_235 : i32
        %dma_start3A_237 = arith.constant 0 : i32
        %dma_start3A_238 = tpu.memref_slice %arg5[%mul3A_236] : memref<51200000xf32, #tpu.memory_space<hbm>> -> memref<40960xf32, #tpu.memory_space<hbm>>
        %dma_start3A_239 = tpu.memref_slice %arg14[%dma_start3A_237] : memref<2x!tpu.dma_semaphore, #tpu.memory_space<semaphore_mem>> -> memref<1x!tpu.dma_semaphore, #tpu.memory_space<semaphore_mem>>
        %dma_start3A_240 = tpu.memref_squeeze %dma_start3A_239 : memref<1x!tpu.dma_semaphore, #tpu.memory_space<semaphore_mem>> -> memref<!tpu.dma_semaphore, #tpu.memory_space<semaphore_mem>>
        %dma_start3A_241 = tpu.memref_slice %arg5[%mul3A_236] : memref<51200000xf32, #tpu.memory_space<hbm>> -> memref<40960xf32, #tpu.memory_space<hbm>>
        tpu.enqueue_dma source(%arg10 : memref<40960xf32, #tpu.memory_space<vmem>>) target(%dma_start3A_241 : memref<40960xf32, #tpu.memory_space<hbm>>) target_semaphore(%dma_start3A_240 : memref<!tpu.dma_semaphore, #tpu.memory_space<semaphore_mem>>)
      } else {
      }
      %mul3A_85 = arith.constant 2 : i32
      %mul3A_86 = arith.muli %mul3A_85, %scan3A_74 : i32
      %add3A_87 = arith.constant 1 : i32
      %add3A_88 = arith.addi %mul3A_86, %add3A_87 : i32
      %mul3A_89 = arith.constant 32 : i32
      %mul3A_90 = arith.muli %add3A_88, %mul3A_89 : i32
      %add3A_91 = arith.addi %add3A, %mul3A_90 : i32
      %lt3A_92 = arith.constant 1250 : i32
      %lt3A_93 = arith.cmpi slt, %add3A_91, %lt3A_92 : i32
      %convert_element_type3A_94 = arith.extui %lt3A_93 : i1 to i32
      %cond3A_95 = arith.constant 0 : i32
      %cond3A_96 = arith.cmpi ne, %convert_element_type3A_94, %cond3A_95 : i32
      scf.if %cond3A_96 {
        %mul3A_97 = arith.constant 32 : i32
        %mul3A_98 = arith.muli %add3A_88, %mul3A_97 : i32
        %add3A_99 = arith.addi %add3A, %mul3A_98 : i32
        %mul3A_100 = arith.constant 80 : i32
        %mul3A_101 = arith.muli %add3A_99, %mul3A_100 : i32
        %dma_wait3A = arith.constant 1 : i32
        %dma_wait3A_102 = arith.constant 1 : i32
        %dma_wait3A_103 = arith.constant 0 : i32
        %dma_wait3A_104 = tpu.memref_slice %arg6[%dma_wait3A, %dma_wait3A_103] : memref<2x80xi32, #tpu.memory_space<vmem>> -> memref<1x80xi32, #tpu.memory_space<vmem>>
        %dma_wait3A_105 = tpu.memref_squeeze %dma_wait3A_104 : memref<1x80xi32, #tpu.memory_space<vmem>> -> memref<80xi32, #tpu.memory_space<vmem>>
        %dma_wait3A_106 = tpu.memref_slice %arg2[%mul3A_101] : memref<100000xi32, #tpu.memory_space<hbm>> -> memref<80xi32, #tpu.memory_space<hbm>>
        %dma_wait3A_107 = tpu.memref_slice %arg13[%dma_wait3A_102] : memref<2x!tpu.dma_semaphore, #tpu.memory_space<semaphore_mem>> -> memref<1x!tpu.dma_semaphore, #tpu.memory_space<semaphore_mem>>
        %dma_wait3A_108 = tpu.memref_squeeze %dma_wait3A_107 : memref<1x!tpu.dma_semaphore, #tpu.memory_space<semaphore_mem>> -> memref<!tpu.dma_semaphore, #tpu.memory_space<semaphore_mem>>
        %dma_wait3A_109 = arith.constant 0 : i32
        %dma_wait3A_110 = tpu.memref_slice %arg6[%dma_wait3A, %dma_wait3A_109] : memref<2x80xi32, #tpu.memory_space<vmem>> -> memref<1x80xi32, #tpu.memory_space<vmem>>
        %dma_wait3A_111 = tpu.memref_squeeze %dma_wait3A_110 : memref<1x80xi32, #tpu.memory_space<vmem>> -> memref<80xi32, #tpu.memory_space<vmem>>
        %dma_wait3A_112 = tpu.memref_slice %arg2[%mul3A_101] : memref<100000xi32, #tpu.memory_space<hbm>> -> memref<80xi32, #tpu.memory_space<hbm>>
        tpu.wait_dma2 semaphore(%dma_wait3A_108 : memref<!tpu.dma_semaphore, #tpu.memory_space<semaphore_mem>>) src(%dma_wait3A_112 : memref<80xi32, #tpu.memory_space<hbm>>) dst(%dma_wait3A_111 : memref<80xi32, #tpu.memory_space<vmem>>)
        %dma_wait3A_113 = arith.constant 1 : i32
        %dma_wait3A_114 = arith.constant 1 : i32
        %dma_wait3A_115 = arith.constant 0 : i32
        %dma_wait3A_116 = tpu.memref_slice %arg7[%dma_wait3A_113, %dma_wait3A_115] : memref<2x80xi32, #tpu.memory_space<vmem>> -> memref<1x80xi32, #tpu.memory_space<vmem>>
        %dma_wait3A_117 = tpu.memref_squeeze %dma_wait3A_116 : memref<1x80xi32, #tpu.memory_space<vmem>> -> memref<80xi32, #tpu.memory_space<vmem>>
        %dma_wait3A_118 = tpu.memref_slice %arg3[%mul3A_101] : memref<100000xi32, #tpu.memory_space<hbm>> -> memref<80xi32, #tpu.memory_space<hbm>>
        %dma_wait3A_119 = tpu.memref_slice %arg13[%dma_wait3A_114] : memref<2x!tpu.dma_semaphore, #tpu.memory_space<semaphore_mem>> -> memref<1x!tpu.dma_semaphore, #tpu.memory_space<semaphore_mem>>
        %dma_wait3A_120 = tpu.memref_squeeze %dma_wait3A_119 : memref<1x!tpu.dma_semaphore, #tpu.memory_space<semaphore_mem>> -> memref<!tpu.dma_semaphore, #tpu.memory_space<semaphore_mem>>
        %dma_wait3A_121 = arith.constant 0 : i32
        %dma_wait3A_122 = tpu.memref_slice %arg7[%dma_wait3A_113, %dma_wait3A_121] : memref<2x80xi32, #tpu.memory_space<vmem>> -> memref<1x80xi32, #tpu.memory_space<vmem>>
        %dma_wait3A_123 = tpu.memref_squeeze %dma_wait3A_122 : memref<1x80xi32, #tpu.memory_space<vmem>> -> memref<80xi32, #tpu.memory_space<vmem>>
        %dma_wait3A_124 = tpu.memref_slice %arg3[%mul3A_101] : memref<100000xi32, #tpu.memory_space<hbm>> -> memref<80xi32, #tpu.memory_space<hbm>>
        tpu.wait_dma2 semaphore(%dma_wait3A_120 : memref<!tpu.dma_semaphore, #tpu.memory_space<semaphore_mem>>) src(%dma_wait3A_124 : memref<80xi32, #tpu.memory_space<hbm>>) dst(%dma_wait3A_123 : memref<80xi32, #tpu.memory_space<vmem>>)
        %get3A = arith.constant 1 : i32
        %get3A_125 = arith.index_cast %get3A : i32 to index
        %get3A_126 = arith.constant 0 : index
        %get3A_127 = tpu.vector_load %arg7[%get3A_125, %get3A_126] {strides = array<i32>} : memref<2x80xi32, #tpu.memory_space<vmem>>, vector<16xi32>,
        %ne3A = arith.constant 0 : i32
        %ne3A_128 = vector.broadcast %ne3A : i32 to vector<16xi32>
        %ne3A_129 = arith.cmpi ne, %get3A_127, %ne3A_128 : vector<16xi32>
        %get3A_130 = arith.constant 1 : i32
        %get3A_131 = arith.index_cast %get3A_130 : i32 to index
        %get3A_132 = arith.constant 0 : index
        %get3A_133 = tpu.vector_load %arg6[%get3A_131, %get3A_132] {strides = array<i32>} : memref<2x80xi32, #tpu.memory_space<vmem>>, vector<16xi32>,
        %jit3A = arith.constant 40 : i32
        %broadcast_in_dim3A = vector.broadcast %jit3A : i32 to vector<16xi32>
        %select_n3A = arith.select %ne3A_129, %get3A_133, %broadcast_in_dim3A : vector<16xi1>, vector<16xi32>
        %mul3A_134 = arith.constant 512 : i32
        %mul3A_135 = vector.broadcast %mul3A_134 : i32 to vector<16xi32>
        %mul3A_136 = arith.muli %select_n3A, %mul3A_135 : vector<16xi32>
        %swap3A = arith.constant 0 : index
        %swap3A_137 = tpu.vector_load %arg9[%swap3A] {strides = array<i32>} : memref<80xi32, #tpu.memory_space<vmem>>, vector<16xi32>,
        tpu.vector_store %arg9[%swap3A], %mul3A_136 {strides = array<i32>} : memref<80xi32, #tpu.memory_space<vmem>>, vector<16xi32>,
        %get3A_138 = arith.constant 1 : i32
        %get3A_139 = arith.index_cast %get3A_138 : i32 to index
        %get3A_140 = arith.constant 16 : index
        %get3A_141 = tpu.vector_load %arg7[%get3A_139, %get3A_140] {strides = array<i32>} : memref<2x80xi32, #tpu.memory_space<vmem>>, vector<16xi32>,
        %ne3A_142 = arith.constant 0 : i32
        %ne3A_143 = vector.broadcast %ne3A_142 : i32 to vector<16xi32>
        %ne3A_144 = arith.cmpi ne, %get3A_141, %ne3A_143 : vector<16xi32>
        %get3A_145 = arith.constant 1 : i32
        %get3A_146 = arith.index_cast %get3A_145 : i32 to index
        %get3A_147 = arith.constant 16 : index
        %get3A_148 = tpu.vector_load %arg6[%get3A_146, %get3A_147] {strides = array<i32>} : memref<2x80xi32, #tpu.memory_space<vmem>>, vector<16xi32>,
        %jit3A_149 = arith.constant 40 : i32
        %broadcast_in_dim3A_150 = vector.broadcast %jit3A_149 : i32 to vector<16xi32>
        %select_n3A_151 = arith.select %ne3A_144, %get3A_148, %broadcast_in_dim3A_150 : vector<16xi1>, vector<16xi32>
        %mul3A_152 = arith.constant 512 : i32
        %mul3A_153 = vector.broadcast %mul3A_152 : i32 to vector<16xi32>
        %mul3A_154 = arith.muli %select_n3A_151, %mul3A_153 : vector<16xi32>
        %swap3A_155 = arith.constant 16 : index
        %swap3A_156 = tpu.vector_load %arg9[%swap3A_155] {strides = array<i32>} : memref<80xi32, #tpu.memory_space<vmem>>, vector<16xi32>,
        tpu.vector_store %arg9[%swap3A_155], %mul3A_154 {strides = array<i32>} : memref<80xi32, #tpu.memory_space<vmem>>, vector<16xi32>,
        %get3A_157 = arith.constant 1 : i32
        %get3A_158 = arith.index_cast %get3A_157 : i32 to index
        %get3A_159 = arith.constant 32 : index
        %get3A_160 = tpu.vector_load %arg7[%get3A_158, %get3A_159] {strides = array<i32>} : memref<2x80xi32, #tpu.memory_space<vmem>>, vector<16xi32>,
        %ne3A_161 = arith.constant 0 : i32
        %ne3A_162 = vector.broadcast %ne3A_161 : i32 to vector<16xi32>
        %ne3A_163 = arith.cmpi ne, %get3A_160, %ne3A_162 : vector<16xi32>
        %get3A_164 = arith.constant 1 : i32
        %get3A_165 = arith.index_cast %get3A_164 : i32 to index
        %get3A_166 = arith.constant 32 : index
        %get3A_167 = tpu.vector_load %arg6[%get3A_165, %get3A_166] {strides = array<i32>} : memref<2x80xi32, #tpu.memory_space<vmem>>, vector<16xi32>,
        %jit3A_168 = arith.constant 40 : i32
        %broadcast_in_dim3A_169 = vector.broadcast %jit3A_168 : i32 to vector<16xi32>
        %select_n3A_170 = arith.select %ne3A_163, %get3A_167, %broadcast_in_dim3A_169 : vector<16xi1>, vector<16xi32>
        %mul3A_171 = arith.constant 512 : i32
        %mul3A_172 = vector.broadcast %mul3A_171 : i32 to vector<16xi32>
        %mul3A_173 = arith.muli %select_n3A_170, %mul3A_172 : vector<16xi32>
        %swap3A_174 = arith.constant 32 : index
        %swap3A_175 = tpu.vector_load %arg9[%swap3A_174] {strides = array<i32>} : memref<80xi32, #tpu.memory_space<vmem>>, vector<16xi32>,
        tpu.vector_store %arg9[%swap3A_174], %mul3A_173 {strides = array<i32>} : memref<80xi32, #tpu.memory_space<vmem>>, vector<16xi32>,
        %get3A_176 = arith.constant 1 : i32
        %get3A_177 = arith.index_cast %get3A_176 : i32 to index
        %get3A_178 = arith.constant 48 : index
        %get3A_179 = tpu.vector_load %arg7[%get3A_177, %get3A_178] {strides = array<i32>} : memref<2x80xi32, #tpu.memory_space<vmem>>, vector<16xi32>,
        %ne3A_180 = arith.constant 0 : i32
        %ne3A_181 = vector.broadcast %ne3A_180 : i32 to vector<16xi32>
        %ne3A_182 = arith.cmpi ne, %get3A_179, %ne3A_181 : vector<16xi32>
        %get3A_183 = arith.constant 1 : i32
        %get3A_184 = arith.index_cast %get3A_183 : i32 to index
        %get3A_185 = arith.constant 48 : index
        %get3A_186 = tpu.vector_load %arg6[%get3A_184, %get3A_185] {strides = array<i32>} : memref<2x80xi32, #tpu.memory_space<vmem>>, vector<16xi32>,
        %jit3A_187 = arith.constant 40 : i32
        %broadcast_in_dim3A_188 = vector.broadcast %jit3A_187 : i32 to vector<16xi32>
        %select_n3A_189 = arith.select %ne3A_182, %get3A_186, %broadcast_in_dim3A_188 : vector<16xi1>, vector<16xi32>
        %mul3A_190 = arith.constant 512 : i32
        %mul3A_191 = vector.broadcast %mul3A_190 : i32 to vector<16xi32>
        %mul3A_192 = arith.muli %select_n3A_189, %mul3A_191 : vector<16xi32>
        %swap3A_193 = arith.constant 48 : index
        %swap3A_194 = tpu.vector_load %arg9[%swap3A_193] {strides = array<i32>} : memref<80xi32, #tpu.memory_space<vmem>>, vector<16xi32>,
        tpu.vector_store %arg9[%swap3A_193], %mul3A_192 {strides = array<i32>} : memref<80xi32, #tpu.memory_space<vmem>>, vector<16xi32>,
        %get3A_195 = arith.constant 1 : i32
        %get3A_196 = arith.index_cast %get3A_195 : i32 to index
        %get3A_197 = arith.constant 64 : index
        %get3A_198 = tpu.vector_load %arg7[%get3A_196, %get3A_197] {strides = array<i32>} : memref<2x80xi32, #tpu.memory_space<vmem>>, vector<16xi32>,
        %ne3A_199 = arith.constant 0 : i32
        %ne3A_200 = vector.broadcast %ne3A_199 : i32 to vector<16xi32>
        %ne3A_201 = arith.cmpi ne, %get3A_198, %ne3A_200 : vector<16xi32>
        %get3A_202 = arith.constant 1 : i32
        %get3A_203 = arith.index_cast %get3A_202 : i32 to index
        %get3A_204 = arith.constant 64 : index
        %get3A_205 = tpu.vector_load %arg6[%get3A_203, %get3A_204] {strides = array<i32>} : memref<2x80xi32, #tpu.memory_space<vmem>>, vector<16xi32>,
        %jit3A_206 = arith.constant 40 : i32
        %broadcast_in_dim3A_207 = vector.broadcast %jit3A_206 : i32 to vector<16xi32>
        %select_n3A_208 = arith.select %ne3A_201, %get3A_205, %broadcast_in_dim3A_207 : vector<16xi1>, vector<16xi32>
        %mul3A_209 = arith.constant 512 : i32
        %mul3A_210 = vector.broadcast %mul3A_209 : i32 to vector<16xi32>
        %mul3A_211 = arith.muli %select_n3A_208, %mul3A_210 : vector<16xi32>
        %swap3A_212 = arith.constant 64 : index
        %swap3A_213 = tpu.vector_load %arg9[%swap3A_212] {strides = array<i32>} : memref<80xi32, #tpu.memory_space<vmem>>, vector<16xi32>,
        tpu.vector_store %arg9[%swap3A_212], %mul3A_211 {strides = array<i32>} : memref<80xi32, #tpu.memory_space<vmem>>, vector<16xi32>,
        %ge3A = arith.constant 2 : i32
        %ge3A_214 = arith.cmpi sge, %add3A_88, %ge3A : i32
        %convert_element_type3A_215 = arith.extui %ge3A_214 : i1 to i32
        %cond3A_216 = arith.constant 0 : i32
        %cond3A_217 = arith.cmpi ne, %convert_element_type3A_215, %cond3A_216 : i32
        scf.if %cond3A_217 {
          %sub3A = arith.constant 2 : i32
          %sub3A_242 = arith.subi %add3A_88, %sub3A : i32
          %mul3A_243 = arith.constant 32 : i32
          %mul3A_244 = arith.muli %sub3A_242, %mul3A_243 : i32
          %add3A_245 = arith.addi %add3A, %mul3A_244 : i32
          %mul3A_246 = arith.constant 40960 : i32
          %mul3A_247 = arith.muli %add3A_245, %mul3A_246 : i32
          %dma_wait3A_248 = arith.constant 1 : i32
          %dma_wait3A_249 = tpu.memref_slice %arg5[%mul3A_247] : memref<51200000xf32, #tpu.memory_space<hbm>> -> memref<40960xf32, #tpu.memory_space<hbm>>
          %dma_wait3A_250 = tpu.memref_slice %arg14[%dma_wait3A_248] : memref<2x!tpu.dma_semaphore, #tpu.memory_space<semaphore_mem>> -> memref<1x!tpu.dma_semaphore, #tpu.memory_space<semaphore_mem>>
          %dma_wait3A_251 = tpu.memref_squeeze %dma_wait3A_250 : memref<1x!tpu.dma_semaphore, #tpu.memory_space<semaphore_mem>> -> memref<!tpu.dma_semaphore, #tpu.memory_space<semaphore_mem>>
          %dma_wait3A_252 = tpu.memref_slice %arg5[%mul3A_247] : memref<51200000xf32, #tpu.memory_space<hbm>> -> memref<40960xf32, #tpu.memory_space<hbm>>
          tpu.wait_dma2 semaphore(%dma_wait3A_251 : memref<!tpu.dma_semaphore, #tpu.memory_space<semaphore_mem>>) src(%arg11 : memref<40960xf32, #tpu.memory_space<vmem>>) dst(%dma_wait3A_252 : memref<40960xf32, #tpu.memory_space<hbm>>)
        } else {
        }
        %add3A_218 = arith.constant 2 : i32
        %add3A_219 = arith.addi %add3A_88, %add3A_218 : i32
        %mul3A_220 = arith.constant 32 : i32
        %mul3A_221 = arith.muli %add3A_219, %mul3A_220 : i32
        %add3A_222 = arith.addi %add3A, %mul3A_221 : i32
        %lt3A_223 = arith.constant 1250 : i32
        %lt3A_224 = arith.cmpi slt, %add3A_222, %lt3A_223 : i32
        %convert_element_type3A_225 = arith.extui %lt3A_224 : i1 to i32
        %cond3A_226 = arith.constant 0 : i32
        %cond3A_227 = arith.cmpi ne, %convert_element_type3A_225, %cond3A_226 : i32
        scf.if %cond3A_227 {
          %add3A_242 = arith.constant 2 : i32
          %add3A_243 = arith.addi %add3A_88, %add3A_242 : i32
          %mul3A_244 = arith.constant 32 : i32
          %mul3A_245 = arith.muli %add3A_243, %mul3A_244 : i32
          %add3A_246 = arith.addi %add3A, %mul3A_245 : i32
          %mul3A_247 = arith.constant 80 : i32
          %mul3A_248 = arith.muli %add3A_246, %mul3A_247 : i32
          %dma_start3A_249 = arith.constant 1 : i32
          %dma_start3A_250 = arith.constant 1 : i32
          %dma_start3A_251 = arith.constant 0 : i32
          %dma_start3A_252 = tpu.memref_slice %arg6[%dma_start3A_249, %dma_start3A_251] : memref<2x80xi32, #tpu.memory_space<vmem>> -> memref<1x80xi32, #tpu.memory_space<vmem>>
          %dma_start3A_253 = tpu.memref_squeeze %dma_start3A_252 : memref<1x80xi32, #tpu.memory_space<vmem>> -> memref<80xi32, #tpu.memory_space<vmem>>
          %dma_start3A_254 = tpu.memref_slice %arg2[%mul3A_248] : memref<100000xi32, #tpu.memory_space<hbm>> -> memref<80xi32, #tpu.memory_space<hbm>>
          %dma_start3A_255 = tpu.memref_slice %arg13[%dma_start3A_250] : memref<2x!tpu.dma_semaphore, #tpu.memory_space<semaphore_mem>> -> memref<1x!tpu.dma_semaphore, #tpu.memory_space<semaphore_mem>>
          %dma_start3A_256 = tpu.memref_squeeze %dma_start3A_255 : memref<1x!tpu.dma_semaphore, #tpu.memory_space<semaphore_mem>> -> memref<!tpu.dma_semaphore, #tpu.memory_space<semaphore_mem>>
          %dma_start3A_257 = arith.constant 0 : i32
          %dma_start3A_258 = tpu.memref_slice %arg6[%dma_start3A_249, %dma_start3A_257] : memref<2x80xi32, #tpu.memory_space<vmem>> -> memref<1x80xi32, #tpu.memory_space<vmem>>
          %dma_start3A_259 = tpu.memref_squeeze %dma_start3A_258 : memref<1x80xi32, #tpu.memory_space<vmem>> -> memref<80xi32, #tpu.memory_space<vmem>>
          %dma_start3A_260 = tpu.memref_slice %arg2[%mul3A_248] : memref<100000xi32, #tpu.memory_space<hbm>> -> memref<80xi32, #tpu.memory_space<hbm>>
          tpu.enqueue_dma source(%dma_start3A_260 : memref<80xi32, #tpu.memory_space<hbm>>) target(%dma_start3A_259 : memref<80xi32, #tpu.memory_space<vmem>>) target_semaphore(%dma_start3A_256 : memref<!tpu.dma_semaphore, #tpu.memory_space<semaphore_mem>>)
          %dma_start3A_261 = arith.constant 1 : i32
          %dma_start3A_262 = arith.constant 1 : i32
          %dma_start3A_263 = arith.constant 0 : i32
          %dma_start3A_264 = tpu.memref_slice %arg7[%dma_start3A_261, %dma_start3A_263] : memref<2x80xi32, #tpu.memory_space<vmem>> -> memref<1x80xi32, #tpu.memory_space<vmem>>
          %dma_start3A_265 = tpu.memref_squeeze %dma_start3A_264 : memref<1x80xi32, #tpu.memory_space<vmem>> -> memref<80xi32, #tpu.memory_space<vmem>>
          %dma_start3A_266 = tpu.memref_slice %arg3[%mul3A_248] : memref<100000xi32, #tpu.memory_space<hbm>> -> memref<80xi32, #tpu.memory_space<hbm>>
          %dma_start3A_267 = tpu.memref_slice %arg13[%dma_start3A_262] : memref<2x!tpu.dma_semaphore, #tpu.memory_space<semaphore_mem>> -> memref<1x!tpu.dma_semaphore, #tpu.memory_space<semaphore_mem>>
          %dma_start3A_268 = tpu.memref_squeeze %dma_start3A_267 : memref<1x!tpu.dma_semaphore, #tpu.memory_space<semaphore_mem>> -> memref<!tpu.dma_semaphore, #tpu.memory_space<semaphore_mem>>
          %dma_start3A_269 = arith.constant 0 : i32
          %dma_start3A_270 = tpu.memref_slice %arg7[%dma_start3A_261, %dma_start3A_269] : memref<2x80xi32, #tpu.memory_space<vmem>> -> memref<1x80xi32, #tpu.memory_space<vmem>>
          %dma_start3A_271 = tpu.memref_squeeze %dma_start3A_270 : memref<1x80xi32, #tpu.memory_space<vmem>> -> memref<80xi32, #tpu.memory_space<vmem>>
          %dma_start3A_272 = tpu.memref_slice %arg3[%mul3A_248] : memref<100000xi32, #tpu.memory_space<hbm>> -> memref<80xi32, #tpu.memory_space<hbm>>
          tpu.enqueue_dma source(%dma_start3A_272 : memref<80xi32, #tpu.memory_space<hbm>>) target(%dma_start3A_271 : memref<80xi32, #tpu.memory_space<vmem>>) target_semaphore(%dma_start3A_268 : memref<!tpu.dma_semaphore, #tpu.memory_space<semaphore_mem>>)
        } else {
        }
        %broadcast_in_dim3A_228 = arith.constant 0 : i32
        %broadcast_in_dim3A_229 = vector.broadcast %broadcast_in_dim3A_228 : i32 to vector<16xi32>
        %parallel_loop3A = arith.constant 0 : i32
        %parallel_loop3A_230 = arith.constant 80 : i32
        %parallel_loop3A_231 = arith.constant 1 : i32
        scf.for %parallel_loop3A_242 = %parallel_loop3A to %parallel_loop3A_230 step %parallel_loop3A_231  : i32 {
          %parallel_loop3A_243 = vector.broadcast %parallel_loop3A_242 : i32 to vector<16xi32>
          %parallel_loop3A_244 = arith.addi %broadcast_in_dim3A_229, %parallel_loop3A_243 : vector<16xi32>
          %parallel_loop3A_245 = tpu.vector_load_idx %arg9[%parallel_loop3A_244] : memref<80xi32, #tpu.memory_space<vmem>>[vector<16xi32>], vector<16xi32>,
          %parallel_loop3A_246 = arith.addi %parallel_loop3A_245, %iota3A : vector<16xi32>
          %parallel_loop3A_247 = arith.constant 0 : i32
          %parallel_loop3A_248 = tpu.memref_slice %arg12[%parallel_loop3A_247] : memref<20992xf32, #tpu.memory_space<vmem>> -> memref<20992xf32, #tpu.memory_space<vmem>>
          %parallel_loop3A_249 = tpu.vector_load_idx %parallel_loop3A_248[%parallel_loop3A_246] : memref<20992xf32, #tpu.memory_space<vmem>>[vector<16xi32>], vector<16xf32>,
          %parallel_loop3A_250 = arith.constant 512 : i32
          %parallel_loop3A_251 = arith.muli %parallel_loop3A_242, %parallel_loop3A_250 : i32
          %parallel_loop3A_252 = arith.constant 0 : i32
          %parallel_loop3A_253 = arith.addi %parallel_loop3A_251, %parallel_loop3A_252 : i32
          %parallel_loop3A_254 = arith.index_cast %parallel_loop3A_253 : i32 to index
          %parallel_loop3A_255 = tpu.vector_load %arg11[%parallel_loop3A_254] {strides = array<i32>} : memref<40960xf32, #tpu.memory_space<vmem>>, vector<16xf32>,
          tpu.vector_store %arg11[%parallel_loop3A_254], %parallel_loop3A_249 {strides = array<i32>} : memref<40960xf32, #tpu.memory_space<vmem>>, vector<16xf32>,
          %parallel_loop3A_256 = arith.constant 16 : i32
          %parallel_loop3A_257 = tpu.memref_slice %arg12[%parallel_loop3A_256] : memref<20992xf32, #tpu.memory_space<vmem>> -> memref<20976xf32, #tpu.memory_space<vmem>>
          %parallel_loop3A_258 = tpu.vector_load_idx %parallel_loop3A_257[%parallel_loop3A_246] : memref<20976xf32, #tpu.memory_space<vmem>>[vector<16xi32>], vector<16xf32>,
          %parallel_loop3A_259 = arith.constant 512 : i32
          %parallel_loop3A_260 = arith.muli %parallel_loop3A_242, %parallel_loop3A_259 : i32
          %parallel_loop3A_261 = arith.constant 16 : i32
          %parallel_loop3A_262 = arith.addi %parallel_loop3A_260, %parallel_loop3A_261 : i32
          %parallel_loop3A_263 = arith.index_cast %parallel_loop3A_262 : i32 to index
          %parallel_loop3A_264 = tpu.vector_load %arg11[%parallel_loop3A_263] {strides = array<i32>} : memref<40960xf32, #tpu.memory_space<vmem>>, vector<16xf32>,
          tpu.vector_store %arg11[%parallel_loop3A_263], %parallel_loop3A_258 {strides = array<i32>} : memref<40960xf32, #tpu.memory_space<vmem>>, vector<16xf32>,
          %parallel_loop3A_265 = arith.constant 32 : i32
          %parallel_loop3A_266 = tpu.memref_slice %arg12[%parallel_loop3A_265] : memref<20992xf32, #tpu.memory_space<vmem>> -> memref<20960xf32, #tpu.memory_space<vmem>>
          %parallel_loop3A_267 = tpu.vector_load_idx %parallel_loop3A_266[%parallel_loop3A_246] : memref<20960xf32, #tpu.memory_space<vmem>>[vector<16xi32>], vector<16xf32>,
          %parallel_loop3A_268 = arith.constant 512 : i32
          %parallel_loop3A_269 = arith.muli %parallel_loop3A_242, %parallel_loop3A_268 : i32
          %parallel_loop3A_270 = arith.constant 32 : i32
          %parallel_loop3A_271 = arith.addi %parallel_loop3A_269, %parallel_loop3A_270 : i32
          %parallel_loop3A_272 = arith.index_cast %parallel_loop3A_271 : i32 to index
          %parallel_loop3A_273 = tpu.vector_load %arg11[%parallel_loop3A_272] {strides = array<i32>} : memref<40960xf32, #tpu.memory_space<vmem>>, vector<16xf32>,
          tpu.vector_store %arg11[%parallel_loop3A_272], %parallel_loop3A_267 {strides = array<i32>} : memref<40960xf32, #tpu.memory_space<vmem>>, vector<16xf32>,
          %parallel_loop3A_274 = arith.constant 48 : i32
          %parallel_loop3A_275 = tpu.memref_slice %arg12[%parallel_loop3A_274] : memref<20992xf32, #tpu.memory_space<vmem>> -> memref<20944xf32, #tpu.memory_space<vmem>>
          %parallel_loop3A_276 = tpu.vector_load_idx %parallel_loop3A_275[%parallel_loop3A_246] : memref<20944xf32, #tpu.memory_space<vmem>>[vector<16xi32>], vector<16xf32>,
          %parallel_loop3A_277 = arith.constant 512 : i32
          %parallel_loop3A_278 = arith.muli %parallel_loop3A_242, %parallel_loop3A_277 : i32
          %parallel_loop3A_279 = arith.constant 48 : i32
          %parallel_loop3A_280 = arith.addi %parallel_loop3A_278, %parallel_loop3A_279 : i32
          %parallel_loop3A_281 = arith.index_cast %parallel_loop3A_280 : i32 to index
          %parallel_loop3A_282 = tpu.vector_load %arg11[%parallel_loop3A_281] {strides = array<i32>} : memref<40960xf32, #tpu.memory_space<vmem>>, vector<16xf32>,
          tpu.vector_store %arg11[%parallel_loop3A_281], %parallel_loop3A_276 {strides = array<i32>} : memref<40960xf32, #tpu.memory_space<vmem>>, vector<16xf32>,
          %parallel_loop3A_283 = arith.constant 64 : i32
          %parallel_loop3A_284 = tpu.memref_slice %arg12[%parallel_loop3A_283] : memref<20992xf32, #tpu.memory_space<vmem>> -> memref<20928xf32, #tpu.memory_space<vmem>>
          %parallel_loop3A_285 = tpu.vector_load_idx %parallel_loop3A_284[%parallel_loop3A_246] : memref<20928xf32, #tpu.memory_space<vmem>>[vector<16xi32>], vector<16xf32>,
          %parallel_loop3A_286 = arith.constant 512 : i32
          %parallel_loop3A_287 = arith.muli %parallel_loop3A_242, %parallel_loop3A_286 : i32
          %parallel_loop3A_288 = arith.constant 64 : i32
          %parallel_loop3A_289 = arith.addi %parallel_loop3A_287, %parallel_loop3A_288 : i32
          %parallel_loop3A_290 = arith.index_cast %parallel_loop3A_289 : i32 to index
          %parallel_loop3A_291 = tpu.vector_load %arg11[%parallel_loop3A_290] {strides = array<i32>} : memref<40960xf32, #tpu.memory_space<vmem>>, vector<16xf32>,
          tpu.vector_store %arg11[%parallel_loop3A_290], %parallel_loop3A_285 {strides = array<i32>} : memref<40960xf32, #tpu.memory_space<vmem>>, vector<16xf32>,
          %parallel_loop3A_292 = arith.constant 80 : i32
          %parallel_loop3A_293 = tpu.memref_slice %arg12[%parallel_loop3A_292] : memref<20992xf32, #tpu.memory_space<vmem>> -> memref<20912xf32, #tpu.memory_space<vmem>>
          %parallel_loop3A_294 = tpu.vector_load_idx %parallel_loop3A_293[%parallel_loop3A_246] : memref<20912xf32, #tpu.memory_space<vmem>>[vector<16xi32>], vector<16xf32>,
          %parallel_loop3A_295 = arith.constant 512 : i32
          %parallel_loop3A_296 = arith.muli %parallel_loop3A_242, %parallel_loop3A_295 : i32
          %parallel_loop3A_297 = arith.constant 80 : i32
          %parallel_loop3A_298 = arith.addi %parallel_loop3A_296, %parallel_loop3A_297 : i32
          %parallel_loop3A_299 = arith.index_cast %parallel_loop3A_298 : i32 to index
          %parallel_loop3A_300 = tpu.vector_load %arg11[%parallel_loop3A_299] {strides = array<i32>} : memref<40960xf32, #tpu.memory_space<vmem>>, vector<16xf32>,
          tpu.vector_store %arg11[%parallel_loop3A_299], %parallel_loop3A_294 {strides = array<i32>} : memref<40960xf32, #tpu.memory_space<vmem>>, vector<16xf32>,
          %parallel_loop3A_301 = arith.constant 96 : i32
          %parallel_loop3A_302 = tpu.memref_slice %arg12[%parallel_loop3A_301] : memref<20992xf32, #tpu.memory_space<vmem>> -> memref<20896xf32, #tpu.memory_space<vmem>>
          %parallel_loop3A_303 = tpu.vector_load_idx %parallel_loop3A_302[%parallel_loop3A_246] : memref<20896xf32, #tpu.memory_space<vmem>>[vector<16xi32>], vector<16xf32>,
          %parallel_loop3A_304 = arith.constant 512 : i32
          %parallel_loop3A_305 = arith.muli %parallel_loop3A_242, %parallel_loop3A_304 : i32
          %parallel_loop3A_306 = arith.constant 96 : i32
          %parallel_loop3A_307 = arith.addi %parallel_loop3A_305, %parallel_loop3A_306 : i32
          %parallel_loop3A_308 = arith.index_cast %parallel_loop3A_307 : i32 to index
          %parallel_loop3A_309 = tpu.vector_load %arg11[%parallel_loop3A_308] {strides = array<i32>} : memref<40960xf32, #tpu.memory_space<vmem>>, vector<16xf32>,
          tpu.vector_store %arg11[%parallel_loop3A_308], %parallel_loop3A_303 {strides = array<i32>} : memref<40960xf32, #tpu.memory_space<vmem>>, vector<16xf32>,
          %parallel_loop3A_310 = arith.constant 112 : i32
          %parallel_loop3A_311 = tpu.memref_slice %arg12[%parallel_loop3A_310] : memref<20992xf32, #tpu.memory_space<vmem>> -> memref<20880xf32, #tpu.memory_space<vmem>>
          %parallel_loop3A_312 = tpu.vector_load_idx %parallel_loop3A_311[%parallel_loop3A_246] : memref<20880xf32, #tpu.memory_space<vmem>>[vector<16xi32>], vector<16xf32>,
          %parallel_loop3A_313 = arith.constant 512 : i32
          %parallel_loop3A_314 = arith.muli %parallel_loop3A_242, %parallel_loop3A_313 : i32
          %parallel_loop3A_315 = arith.constant 112 : i32
          %parallel_loop3A_316 = arith.addi %parallel_loop3A_314, %parallel_loop3A_315 : i32
          %parallel_loop3A_317 = arith.index_cast %parallel_loop3A_316 : i32 to index
          %parallel_loop3A_318 = tpu.vector_load %arg11[%parallel_loop3A_317] {strides = array<i32>} : memref<40960xf32, #tpu.memory_space<vmem>>, vector<16xf32>,
          tpu.vector_store %arg11[%parallel_loop3A_317], %parallel_loop3A_312 {strides = array<i32>} : memref<40960xf32, #tpu.memory_space<vmem>>, vector<16xf32>,
          %parallel_loop3A_319 = arith.constant 128 : i32
          %parallel_loop3A_320 = tpu.memref_slice %arg12[%parallel_loop3A_319] : memref<20992xf32, #tpu.memory_space<vmem>> -> memref<20864xf32, #tpu.memory_space<vmem>>
          %parallel_loop3A_321 = tpu.vector_load_idx %parallel_loop3A_320[%parallel_loop3A_246] : memref<20864xf32, #tpu.memory_space<vmem>>[vector<16xi32>], vector<16xf32>,
          %parallel_loop3A_322 = arith.constant 512 : i32
          %parallel_loop3A_323 = arith.muli %parallel_loop3A_242, %parallel_loop3A_322 : i32
          %parallel_loop3A_324 = arith.constant 128 : i32
          %parallel_loop3A_325 = arith.addi %parallel_loop3A_323, %parallel_loop3A_324 : i32
          %parallel_loop3A_326 = arith.index_cast %parallel_loop3A_325 : i32 to index
          %parallel_loop3A_327 = tpu.vector_load %arg11[%parallel_loop3A_326] {strides = array<i32>} : memref<40960xf32, #tpu.memory_space<vmem>>, vector<16xf32>,
          tpu.vector_store %arg11[%parallel_loop3A_326], %parallel_loop3A_321 {strides = array<i32>} : memref<40960xf32, #tpu.memory_space<vmem>>, vector<16xf32>,
          %parallel_loop3A_328 = arith.constant 144 : i32
          %parallel_loop3A_329 = tpu.memref_slice %arg12[%parallel_loop3A_328] : memref<20992xf32, #tpu.memory_space<vmem>> -> memref<20848xf32, #tpu.memory_space<vmem>>
          %parallel_loop3A_330 = tpu.vector_load_idx %parallel_loop3A_329[%parallel_loop3A_246] : memref<20848xf32, #tpu.memory_space<vmem>>[vector<16xi32>], vector<16xf32>,
          %parallel_loop3A_331 = arith.constant 512 : i32
          %parallel_loop3A_332 = arith.muli %parallel_loop3A_242, %parallel_loop3A_331 : i32
          %parallel_loop3A_333 = arith.constant 144 : i32
          %parallel_loop3A_334 = arith.addi %parallel_loop3A_332, %parallel_loop3A_333 : i32
          %parallel_loop3A_335 = arith.index_cast %parallel_loop3A_334 : i32 to index
          %parallel_loop3A_336 = tpu.vector_load %arg11[%parallel_loop3A_335] {strides = array<i32>} : memref<40960xf32, #tpu.memory_space<vmem>>, vector<16xf32>,
          tpu.vector_store %arg11[%parallel_loop3A_335], %parallel_loop3A_330 {strides = array<i32>} : memref<40960xf32, #tpu.memory_space<vmem>>, vector<16xf32>,
          %parallel_loop3A_337 = arith.constant 160 : i32
          %parallel_loop3A_338 = tpu.memref_slice %arg12[%parallel_loop3A_337] : memref<20992xf32, #tpu.memory_space<vmem>> -> memref<20832xf32, #tpu.memory_space<vmem>>
          %parallel_loop3A_339 = tpu.vector_load_idx %parallel_loop3A_338[%parallel_loop3A_246] : memref<20832xf32, #tpu.memory_space<vmem>>[vector<16xi32>], vector<16xf32>,
          %parallel_loop3A_340 = arith.constant 512 : i32
          %parallel_loop3A_341 = arith.muli %parallel_loop3A_242, %parallel_loop3A_340 : i32
          %parallel_loop3A_342 = arith.constant 160 : i32
          %parallel_loop3A_343 = arith.addi %parallel_loop3A_341, %parallel_loop3A_342 : i32
          %parallel_loop3A_344 = arith.index_cast %parallel_loop3A_343 : i32 to index
          %parallel_loop3A_345 = tpu.vector_load %arg11[%parallel_loop3A_344] {strides = array<i32>} : memref<40960xf32, #tpu.memory_space<vmem>>, vector<16xf32>,
          tpu.vector_store %arg11[%parallel_loop3A_344], %parallel_loop3A_339 {strides = array<i32>} : memref<40960xf32, #tpu.memory_space<vmem>>, vector<16xf32>,
          %parallel_loop3A_346 = arith.constant 176 : i32
          %parallel_loop3A_347 = tpu.memref_slice %arg12[%parallel_loop3A_346] : memref<20992xf32, #tpu.memory_space<vmem>> -> memref<20816xf32, #tpu.memory_space<vmem>>
          %parallel_loop3A_348 = tpu.vector_load_idx %parallel_loop3A_347[%parallel_loop3A_246] : memref<20816xf32, #tpu.memory_space<vmem>>[vector<16xi32>], vector<16xf32>,
          %parallel_loop3A_349 = arith.constant 512 : i32
          %parallel_loop3A_350 = arith.muli %parallel_loop3A_242, %parallel_loop3A_349 : i32
          %parallel_loop3A_351 = arith.constant 176 : i32
          %parallel_loop3A_352 = arith.addi %parallel_loop3A_350, %parallel_loop3A_351 : i32
          %parallel_loop3A_353 = arith.index_cast %parallel_loop3A_352 : i32 to index
          %parallel_loop3A_354 = tpu.vector_load %arg11[%parallel_loop3A_353] {strides = array<i32>} : memref<40960xf32, #tpu.memory_space<vmem>>, vector<16xf32>,
          tpu.vector_store %arg11[%parallel_loop3A_353], %parallel_loop3A_348 {strides = array<i32>} : memref<40960xf32, #tpu.memory_space<vmem>>, vector<16xf32>,
          %parallel_loop3A_355 = arith.constant 192 : i32
          %parallel_loop3A_356 = tpu.memref_slice %arg12[%parallel_loop3A_355] : memref<20992xf32, #tpu.memory_space<vmem>> -> memref<20800xf32, #tpu.memory_space<vmem>>
          %parallel_loop3A_357 = tpu.vector_load_idx %parallel_loop3A_356[%parallel_loop3A_246] : memref<20800xf32, #tpu.memory_space<vmem>>[vector<16xi32>], vector<16xf32>,
          %parallel_loop3A_358 = arith.constant 512 : i32
          %parallel_loop3A_359 = arith.muli %parallel_loop3A_242, %parallel_loop3A_358 : i32
          %parallel_loop3A_360 = arith.constant 192 : i32
          %parallel_loop3A_361 = arith.addi %parallel_loop3A_359, %parallel_loop3A_360 : i32
          %parallel_loop3A_362 = arith.index_cast %parallel_loop3A_361 : i32 to index
          %parallel_loop3A_363 = tpu.vector_load %arg11[%parallel_loop3A_362] {strides = array<i32>} : memref<40960xf32, #tpu.memory_space<vmem>>, vector<16xf32>,
          tpu.vector_store %arg11[%parallel_loop3A_362], %parallel_loop3A_357 {strides = array<i32>} : memref<40960xf32, #tpu.memory_space<vmem>>, vector<16xf32>,
          %parallel_loop3A_364 = arith.constant 208 : i32
          %parallel_loop3A_365 = tpu.memref_slice %arg12[%parallel_loop3A_364] : memref<20992xf32, #tpu.memory_space<vmem>> -> memref<20784xf32, #tpu.memory_space<vmem>>
          %parallel_loop3A_366 = tpu.vector_load_idx %parallel_loop3A_365[%parallel_loop3A_246] : memref<20784xf32, #tpu.memory_space<vmem>>[vector<16xi32>], vector<16xf32>,
          %parallel_loop3A_367 = arith.constant 512 : i32
          %parallel_loop3A_368 = arith.muli %parallel_loop3A_242, %parallel_loop3A_367 : i32
          %parallel_loop3A_369 = arith.constant 208 : i32
          %parallel_loop3A_370 = arith.addi %parallel_loop3A_368, %parallel_loop3A_369 : i32
          %parallel_loop3A_371 = arith.index_cast %parallel_loop3A_370 : i32 to index
          %parallel_loop3A_372 = tpu.vector_load %arg11[%parallel_loop3A_371] {strides = array<i32>} : memref<40960xf32, #tpu.memory_space<vmem>>, vector<16xf32>,
          tpu.vector_store %arg11[%parallel_loop3A_371], %parallel_loop3A_366 {strides = array<i32>} : memref<40960xf32, #tpu.memory_space<vmem>>, vector<16xf32>,
          %parallel_loop3A_373 = arith.constant 224 : i32
          %parallel_loop3A_374 = tpu.memref_slice %arg12[%parallel_loop3A_373] : memref<20992xf32, #tpu.memory_space<vmem>> -> memref<20768xf32, #tpu.memory_space<vmem>>
          %parallel_loop3A_375 = tpu.vector_load_idx %parallel_loop3A_374[%parallel_loop3A_246] : memref<20768xf32, #tpu.memory_space<vmem>>[vector<16xi32>], vector<16xf32>,
          %parallel_loop3A_376 = arith.constant 512 : i32
          %parallel_loop3A_377 = arith.muli %parallel_loop3A_242, %parallel_loop3A_376 : i32
          %parallel_loop3A_378 = arith.constant 224 : i32
          %parallel_loop3A_379 = arith.addi %parallel_loop3A_377, %parallel_loop3A_378 : i32
          %parallel_loop3A_380 = arith.index_cast %parallel_loop3A_379 : i32 to index
          %parallel_loop3A_381 = tpu.vector_load %arg11[%parallel_loop3A_380] {strides = array<i32>} : memref<40960xf32, #tpu.memory_space<vmem>>, vector<16xf32>,
          tpu.vector_store %arg11[%parallel_loop3A_380], %parallel_loop3A_375 {strides = array<i32>} : memref<40960xf32, #tpu.memory_space<vmem>>, vector<16xf32>,
          %parallel_loop3A_382 = arith.constant 240 : i32
          %parallel_loop3A_383 = tpu.memref_slice %arg12[%parallel_loop3A_382] : memref<20992xf32, #tpu.memory_space<vmem>> -> memref<20752xf32, #tpu.memory_space<vmem>>
          %parallel_loop3A_384 = tpu.vector_load_idx %parallel_loop3A_383[%parallel_loop3A_246] : memref<20752xf32, #tpu.memory_space<vmem>>[vector<16xi32>], vector<16xf32>,
          %parallel_loop3A_385 = arith.constant 512 : i32
          %parallel_loop3A_386 = arith.muli %parallel_loop3A_242, %parallel_loop3A_385 : i32
          %parallel_loop3A_387 = arith.constant 240 : i32
          %parallel_loop3A_388 = arith.addi %parallel_loop3A_386, %parallel_loop3A_387 : i32
          %parallel_loop3A_389 = arith.index_cast %parallel_loop3A_388 : i32 to index
          %parallel_loop3A_390 = tpu.vector_load %arg11[%parallel_loop3A_389] {strides = array<i32>} : memref<40960xf32, #tpu.memory_space<vmem>>, vector<16xf32>,
          tpu.vector_store %arg11[%parallel_loop3A_389], %parallel_loop3A_384 {strides = array<i32>} : memref<40960xf32, #tpu.memory_space<vmem>>, vector<16xf32>,
          %parallel_loop3A_391 = arith.constant 256 : i32
          %parallel_loop3A_392 = tpu.memref_slice %arg12[%parallel_loop3A_391] : memref<20992xf32, #tpu.memory_space<vmem>> -> memref<20736xf32, #tpu.memory_space<vmem>>
          %parallel_loop3A_393 = tpu.vector_load_idx %parallel_loop3A_392[%parallel_loop3A_246] : memref<20736xf32, #tpu.memory_space<vmem>>[vector<16xi32>], vector<16xf32>,
          %parallel_loop3A_394 = arith.constant 512 : i32
          %parallel_loop3A_395 = arith.muli %parallel_loop3A_242, %parallel_loop3A_394 : i32
          %parallel_loop3A_396 = arith.constant 256 : i32
          %parallel_loop3A_397 = arith.addi %parallel_loop3A_395, %parallel_loop3A_396 : i32
          %parallel_loop3A_398 = arith.index_cast %parallel_loop3A_397 : i32 to index
          %parallel_loop3A_399 = tpu.vector_load %arg11[%parallel_loop3A_398] {strides = array<i32>} : memref<40960xf32, #tpu.memory_space<vmem>>, vector<16xf32>,
          tpu.vector_store %arg11[%parallel_loop3A_398], %parallel_loop3A_393 {strides = array<i32>} : memref<40960xf32, #tpu.memory_space<vmem>>, vector<16xf32>,
          %parallel_loop3A_400 = arith.constant 272 : i32
          %parallel_loop3A_401 = tpu.memref_slice %arg12[%parallel_loop3A_400] : memref<20992xf32, #tpu.memory_space<vmem>> -> memref<20720xf32, #tpu.memory_space<vmem>>
          %parallel_loop3A_402 = tpu.vector_load_idx %parallel_loop3A_401[%parallel_loop3A_246] : memref<20720xf32, #tpu.memory_space<vmem>>[vector<16xi32>], vector<16xf32>,
          %parallel_loop3A_403 = arith.constant 512 : i32
          %parallel_loop3A_404 = arith.muli %parallel_loop3A_242, %parallel_loop3A_403 : i32
          %parallel_loop3A_405 = arith.constant 272 : i32
          %parallel_loop3A_406 = arith.addi %parallel_loop3A_404, %parallel_loop3A_405 : i32
          %parallel_loop3A_407 = arith.index_cast %parallel_loop3A_406 : i32 to index
          %parallel_loop3A_408 = tpu.vector_load %arg11[%parallel_loop3A_407] {strides = array<i32>} : memref<40960xf32, #tpu.memory_space<vmem>>, vector<16xf32>,
          tpu.vector_store %arg11[%parallel_loop3A_407], %parallel_loop3A_402 {strides = array<i32>} : memref<40960xf32, #tpu.memory_space<vmem>>, vector<16xf32>,
          %parallel_loop3A_409 = arith.constant 288 : i32
          %parallel_loop3A_410 = tpu.memref_slice %arg12[%parallel_loop3A_409] : memref<20992xf32, #tpu.memory_space<vmem>> -> memref<20704xf32, #tpu.memory_space<vmem>>
          %parallel_loop3A_411 = tpu.vector_load_idx %parallel_loop3A_410[%parallel_loop3A_246] : memref<20704xf32, #tpu.memory_space<vmem>>[vector<16xi32>], vector<16xf32>,
          %parallel_loop3A_412 = arith.constant 512 : i32
          %parallel_loop3A_413 = arith.muli %parallel_loop3A_242, %parallel_loop3A_412 : i32
          %parallel_loop3A_414 = arith.constant 288 : i32
          %parallel_loop3A_415 = arith.addi %parallel_loop3A_413, %parallel_loop3A_414 : i32
          %parallel_loop3A_416 = arith.index_cast %parallel_loop3A_415 : i32 to index
          %parallel_loop3A_417 = tpu.vector_load %arg11[%parallel_loop3A_416] {strides = array<i32>} : memref<40960xf32, #tpu.memory_space<vmem>>, vector<16xf32>,
          tpu.vector_store %arg11[%parallel_loop3A_416], %parallel_loop3A_411 {strides = array<i32>} : memref<40960xf32, #tpu.memory_space<vmem>>, vector<16xf32>,
          %parallel_loop3A_418 = arith.constant 304 : i32
          %parallel_loop3A_419 = tpu.memref_slice %arg12[%parallel_loop3A_418] : memref<20992xf32, #tpu.memory_space<vmem>> -> memref<20688xf32, #tpu.memory_space<vmem>>
          %parallel_loop3A_420 = tpu.vector_load_idx %parallel_loop3A_419[%parallel_loop3A_246] : memref<20688xf32, #tpu.memory_space<vmem>>[vector<16xi32>], vector<16xf32>,
          %parallel_loop3A_421 = arith.constant 512 : i32
          %parallel_loop3A_422 = arith.muli %parallel_loop3A_242, %parallel_loop3A_421 : i32
          %parallel_loop3A_423 = arith.constant 304 : i32
          %parallel_loop3A_424 = arith.addi %parallel_loop3A_422, %parallel_loop3A_423 : i32
          %parallel_loop3A_425 = arith.index_cast %parallel_loop3A_424 : i32 to index
          %parallel_loop3A_426 = tpu.vector_load %arg11[%parallel_loop3A_425] {strides = array<i32>} : memref<40960xf32, #tpu.memory_space<vmem>>, vector<16xf32>,
          tpu.vector_store %arg11[%parallel_loop3A_425], %parallel_loop3A_420 {strides = array<i32>} : memref<40960xf32, #tpu.memory_space<vmem>>, vector<16xf32>,
          %parallel_loop3A_427 = arith.constant 320 : i32
          %parallel_loop3A_428 = tpu.memref_slice %arg12[%parallel_loop3A_427] : memref<20992xf32, #tpu.memory_space<vmem>> -> memref<20672xf32, #tpu.memory_space<vmem>>
          %parallel_loop3A_429 = tpu.vector_load_idx %parallel_loop3A_428[%parallel_loop3A_246] : memref<20672xf32, #tpu.memory_space<vmem>>[vector<16xi32>], vector<16xf32>,
          %parallel_loop3A_430 = arith.constant 512 : i32
          %parallel_loop3A_431 = arith.muli %parallel_loop3A_242, %parallel_loop3A_430 : i32
          %parallel_loop3A_432 = arith.constant 320 : i32
          %parallel_loop3A_433 = arith.addi %parallel_loop3A_431, %parallel_loop3A_432 : i32
          %parallel_loop3A_434 = arith.index_cast %parallel_loop3A_433 : i32 to index
          %parallel_loop3A_435 = tpu.vector_load %arg11[%parallel_loop3A_434] {strides = array<i32>} : memref<40960xf32, #tpu.memory_space<vmem>>, vector<16xf32>,
          tpu.vector_store %arg11[%parallel_loop3A_434], %parallel_loop3A_429 {strides = array<i32>} : memref<40960xf32, #tpu.memory_space<vmem>>, vector<16xf32>,
          %parallel_loop3A_436 = arith.constant 336 : i32
          %parallel_loop3A_437 = tpu.memref_slice %arg12[%parallel_loop3A_436] : memref<20992xf32, #tpu.memory_space<vmem>> -> memref<20656xf32, #tpu.memory_space<vmem>>
          %parallel_loop3A_438 = tpu.vector_load_idx %parallel_loop3A_437[%parallel_loop3A_246] : memref<20656xf32, #tpu.memory_space<vmem>>[vector<16xi32>], vector<16xf32>,
          %parallel_loop3A_439 = arith.constant 512 : i32
          %parallel_loop3A_440 = arith.muli %parallel_loop3A_242, %parallel_loop3A_439 : i32
          %parallel_loop3A_441 = arith.constant 336 : i32
          %parallel_loop3A_442 = arith.addi %parallel_loop3A_440, %parallel_loop3A_441 : i32
          %parallel_loop3A_443 = arith.index_cast %parallel_loop3A_442 : i32 to index
          %parallel_loop3A_444 = tpu.vector_load %arg11[%parallel_loop3A_443] {strides = array<i32>} : memref<40960xf32, #tpu.memory_space<vmem>>, vector<16xf32>,
          tpu.vector_store %arg11[%parallel_loop3A_443], %parallel_loop3A_438 {strides = array<i32>} : memref<40960xf32, #tpu.memory_space<vmem>>, vector<16xf32>,
          %parallel_loop3A_445 = arith.constant 352 : i32
          %parallel_loop3A_446 = tpu.memref_slice %arg12[%parallel_loop3A_445] : memref<20992xf32, #tpu.memory_space<vmem>> -> memref<20640xf32, #tpu.memory_space<vmem>>
          %parallel_loop3A_447 = tpu.vector_load_idx %parallel_loop3A_446[%parallel_loop3A_246] : memref<20640xf32, #tpu.memory_space<vmem>>[vector<16xi32>], vector<16xf32>,
          %parallel_loop3A_448 = arith.constant 512 : i32
          %parallel_loop3A_449 = arith.muli %parallel_loop3A_242, %parallel_loop3A_448 : i32
          %parallel_loop3A_450 = arith.constant 352 : i32
          %parallel_loop3A_451 = arith.addi %parallel_loop3A_449, %parallel_loop3A_450 : i32
          %parallel_loop3A_452 = arith.index_cast %parallel_loop3A_451 : i32 to index
          %parallel_loop3A_453 = tpu.vector_load %arg11[%parallel_loop3A_452] {strides = array<i32>} : memref<40960xf32, #tpu.memory_space<vmem>>, vector<16xf32>,
          tpu.vector_store %arg11[%parallel_loop3A_452], %parallel_loop3A_447 {strides = array<i32>} : memref<40960xf32, #tpu.memory_space<vmem>>, vector<16xf32>,
          %parallel_loop3A_454 = arith.constant 368 : i32
          %parallel_loop3A_455 = tpu.memref_slice %arg12[%parallel_loop3A_454] : memref<20992xf32, #tpu.memory_space<vmem>> -> memref<20624xf32, #tpu.memory_space<vmem>>
          %parallel_loop3A_456 = tpu.vector_load_idx %parallel_loop3A_455[%parallel_loop3A_246] : memref<20624xf32, #tpu.memory_space<vmem>>[vector<16xi32>], vector<16xf32>,
          %parallel_loop3A_457 = arith.constant 512 : i32
          %parallel_loop3A_458 = arith.muli %parallel_loop3A_242, %parallel_loop3A_457 : i32
          %parallel_loop3A_459 = arith.constant 368 : i32
          %parallel_loop3A_460 = arith.addi %parallel_loop3A_458, %parallel_loop3A_459 : i32
          %parallel_loop3A_461 = arith.index_cast %parallel_loop3A_460 : i32 to index
          %parallel_loop3A_462 = tpu.vector_load %arg11[%parallel_loop3A_461] {strides = array<i32>} : memref<40960xf32, #tpu.memory_space<vmem>>, vector<16xf32>,
          tpu.vector_store %arg11[%parallel_loop3A_461], %parallel_loop3A_456 {strides = array<i32>} : memref<40960xf32, #tpu.memory_space<vmem>>, vector<16xf32>,
          %parallel_loop3A_463 = arith.constant 384 : i32
          %parallel_loop3A_464 = tpu.memref_slice %arg12[%parallel_loop3A_463] : memref<20992xf32, #tpu.memory_space<vmem>> -> memref<20608xf32, #tpu.memory_space<vmem>>
          %parallel_loop3A_465 = tpu.vector_load_idx %parallel_loop3A_464[%parallel_loop3A_246] : memref<20608xf32, #tpu.memory_space<vmem>>[vector<16xi32>], vector<16xf32>,
          %parallel_loop3A_466 = arith.constant 512 : i32
          %parallel_loop3A_467 = arith.muli %parallel_loop3A_242, %parallel_loop3A_466 : i32
          %parallel_loop3A_468 = arith.constant 384 : i32
          %parallel_loop3A_469 = arith.addi %parallel_loop3A_467, %parallel_loop3A_468 : i32
          %parallel_loop3A_470 = arith.index_cast %parallel_loop3A_469 : i32 to index
          %parallel_loop3A_471 = tpu.vector_load %arg11[%parallel_loop3A_470] {strides = array<i32>} : memref<40960xf32, #tpu.memory_space<vmem>>, vector<16xf32>,
          tpu.vector_store %arg11[%parallel_loop3A_470], %parallel_loop3A_465 {strides = array<i32>} : memref<40960xf32, #tpu.memory_space<vmem>>, vector<16xf32>,
          %parallel_loop3A_472 = arith.constant 400 : i32
          %parallel_loop3A_473 = tpu.memref_slice %arg12[%parallel_loop3A_472] : memref<20992xf32, #tpu.memory_space<vmem>> -> memref<20592xf32, #tpu.memory_space<vmem>>
          %parallel_loop3A_474 = tpu.vector_load_idx %parallel_loop3A_473[%parallel_loop3A_246] : memref<20592xf32, #tpu.memory_space<vmem>>[vector<16xi32>], vector<16xf32>,
          %parallel_loop3A_475 = arith.constant 512 : i32
          %parallel_loop3A_476 = arith.muli %parallel_loop3A_242, %parallel_loop3A_475 : i32
          %parallel_loop3A_477 = arith.constant 400 : i32
          %parallel_loop3A_478 = arith.addi %parallel_loop3A_476, %parallel_loop3A_477 : i32
          %parallel_loop3A_479 = arith.index_cast %parallel_loop3A_478 : i32 to index
          %parallel_loop3A_480 = tpu.vector_load %arg11[%parallel_loop3A_479] {strides = array<i32>} : memref<40960xf32, #tpu.memory_space<vmem>>, vector<16xf32>,
          tpu.vector_store %arg11[%parallel_loop3A_479], %parallel_loop3A_474 {strides = array<i32>} : memref<40960xf32, #tpu.memory_space<vmem>>, vector<16xf32>,
          %parallel_loop3A_481 = arith.constant 416 : i32
          %parallel_loop3A_482 = tpu.memref_slice %arg12[%parallel_loop3A_481] : memref<20992xf32, #tpu.memory_space<vmem>> -> memref<20576xf32, #tpu.memory_space<vmem>>
          %parallel_loop3A_483 = tpu.vector_load_idx %parallel_loop3A_482[%parallel_loop3A_246] : memref<20576xf32, #tpu.memory_space<vmem>>[vector<16xi32>], vector<16xf32>,
          %parallel_loop3A_484 = arith.constant 512 : i32
          %parallel_loop3A_485 = arith.muli %parallel_loop3A_242, %parallel_loop3A_484 : i32
          %parallel_loop3A_486 = arith.constant 416 : i32
          %parallel_loop3A_487 = arith.addi %parallel_loop3A_485, %parallel_loop3A_486 : i32
          %parallel_loop3A_488 = arith.index_cast %parallel_loop3A_487 : i32 to index
          %parallel_loop3A_489 = tpu.vector_load %arg11[%parallel_loop3A_488] {strides = array<i32>} : memref<40960xf32, #tpu.memory_space<vmem>>, vector<16xf32>,
          tpu.vector_store %arg11[%parallel_loop3A_488], %parallel_loop3A_483 {strides = array<i32>} : memref<40960xf32, #tpu.memory_space<vmem>>, vector<16xf32>,
          %parallel_loop3A_490 = arith.constant 432 : i32
          %parallel_loop3A_491 = tpu.memref_slice %arg12[%parallel_loop3A_490] : memref<20992xf32, #tpu.memory_space<vmem>> -> memref<20560xf32, #tpu.memory_space<vmem>>
          %parallel_loop3A_492 = tpu.vector_load_idx %parallel_loop3A_491[%parallel_loop3A_246] : memref<20560xf32, #tpu.memory_space<vmem>>[vector<16xi32>], vector<16xf32>,
          %parallel_loop3A_493 = arith.constant 512 : i32
          %parallel_loop3A_494 = arith.muli %parallel_loop3A_242, %parallel_loop3A_493 : i32
          %parallel_loop3A_495 = arith.constant 432 : i32
          %parallel_loop3A_496 = arith.addi %parallel_loop3A_494, %parallel_loop3A_495 : i32
          %parallel_loop3A_497 = arith.index_cast %parallel_loop3A_496 : i32 to index
          %parallel_loop3A_498 = tpu.vector_load %arg11[%parallel_loop3A_497] {strides = array<i32>} : memref<40960xf32, #tpu.memory_space<vmem>>, vector<16xf32>,
          tpu.vector_store %arg11[%parallel_loop3A_497], %parallel_loop3A_492 {strides = array<i32>} : memref<40960xf32, #tpu.memory_space<vmem>>, vector<16xf32>,
          %parallel_loop3A_499 = arith.constant 448 : i32
          %parallel_loop3A_500 = tpu.memref_slice %arg12[%parallel_loop3A_499] : memref<20992xf32, #tpu.memory_space<vmem>> -> memref<20544xf32, #tpu.memory_space<vmem>>
          %parallel_loop3A_501 = tpu.vector_load_idx %parallel_loop3A_500[%parallel_loop3A_246] : memref<20544xf32, #tpu.memory_space<vmem>>[vector<16xi32>], vector<16xf32>,
          %parallel_loop3A_502 = arith.constant 512 : i32
          %parallel_loop3A_503 = arith.muli %parallel_loop3A_242, %parallel_loop3A_502 : i32
          %parallel_loop3A_504 = arith.constant 448 : i32
          %parallel_loop3A_505 = arith.addi %parallel_loop3A_503, %parallel_loop3A_504 : i32
          %parallel_loop3A_506 = arith.index_cast %parallel_loop3A_505 : i32 to index
          %parallel_loop3A_507 = tpu.vector_load %arg11[%parallel_loop3A_506] {strides = array<i32>} : memref<40960xf32, #tpu.memory_space<vmem>>, vector<16xf32>,
          tpu.vector_store %arg11[%parallel_loop3A_506], %parallel_loop3A_501 {strides = array<i32>} : memref<40960xf32, #tpu.memory_space<vmem>>, vector<16xf32>,
          %parallel_loop3A_508 = arith.constant 464 : i32
          %parallel_loop3A_509 = tpu.memref_slice %arg12[%parallel_loop3A_508] : memref<20992xf32, #tpu.memory_space<vmem>> -> memref<20528xf32, #tpu.memory_space<vmem>>
          %parallel_loop3A_510 = tpu.vector_load_idx %parallel_loop3A_509[%parallel_loop3A_246] : memref<20528xf32, #tpu.memory_space<vmem>>[vector<16xi32>], vector<16xf32>,
          %parallel_loop3A_511 = arith.constant 512 : i32
          %parallel_loop3A_512 = arith.muli %parallel_loop3A_242, %parallel_loop3A_511 : i32
          %parallel_loop3A_513 = arith.constant 464 : i32
          %parallel_loop3A_514 = arith.addi %parallel_loop3A_512, %parallel_loop3A_513 : i32
          %parallel_loop3A_515 = arith.index_cast %parallel_loop3A_514 : i32 to index
          %parallel_loop3A_516 = tpu.vector_load %arg11[%parallel_loop3A_515] {strides = array<i32>} : memref<40960xf32, #tpu.memory_space<vmem>>, vector<16xf32>,
          tpu.vector_store %arg11[%parallel_loop3A_515], %parallel_loop3A_510 {strides = array<i32>} : memref<40960xf32, #tpu.memory_space<vmem>>, vector<16xf32>,
          %parallel_loop3A_517 = arith.constant 480 : i32
          %parallel_loop3A_518 = tpu.memref_slice %arg12[%parallel_loop3A_517] : memref<20992xf32, #tpu.memory_space<vmem>> -> memref<20512xf32, #tpu.memory_space<vmem>>
          %parallel_loop3A_519 = tpu.vector_load_idx %parallel_loop3A_518[%parallel_loop3A_246] : memref<20512xf32, #tpu.memory_space<vmem>>[vector<16xi32>], vector<16xf32>,
          %parallel_loop3A_520 = arith.constant 512 : i32
          %parallel_loop3A_521 = arith.muli %parallel_loop3A_242, %parallel_loop3A_520 : i32
          %parallel_loop3A_522 = arith.constant 480 : i32
          %parallel_loop3A_523 = arith.addi %parallel_loop3A_521, %parallel_loop3A_522 : i32
          %parallel_loop3A_524 = arith.index_cast %parallel_loop3A_523 : i32 to index
          %parallel_loop3A_525 = tpu.vector_load %arg11[%parallel_loop3A_524] {strides = array<i32>} : memref<40960xf32, #tpu.memory_space<vmem>>, vector<16xf32>,
          tpu.vector_store %arg11[%parallel_loop3A_524], %parallel_loop3A_519 {strides = array<i32>} : memref<40960xf32, #tpu.memory_space<vmem>>, vector<16xf32>,
          %parallel_loop3A_526 = arith.constant 496 : i32
          %parallel_loop3A_527 = tpu.memref_slice %arg12[%parallel_loop3A_526] : memref<20992xf32, #tpu.memory_space<vmem>> -> memref<20496xf32, #tpu.memory_space<vmem>>
          %parallel_loop3A_528 = tpu.vector_load_idx %parallel_loop3A_527[%parallel_loop3A_246] : memref<20496xf32, #tpu.memory_space<vmem>>[vector<16xi32>], vector<16xf32>,
          %parallel_loop3A_529 = arith.constant 512 : i32
          %parallel_loop3A_530 = arith.muli %parallel_loop3A_242, %parallel_loop3A_529 : i32
          %parallel_loop3A_531 = arith.constant 496 : i32
          %parallel_loop3A_532 = arith.addi %parallel_loop3A_530, %parallel_loop3A_531 : i32
          %parallel_loop3A_533 = arith.index_cast %parallel_loop3A_532 : i32 to index
          %parallel_loop3A_534 = tpu.vector_load %arg11[%parallel_loop3A_533] {strides = array<i32>} : memref<40960xf32, #tpu.memory_space<vmem>>, vector<16xf32>,
          tpu.vector_store %arg11[%parallel_loop3A_533], %parallel_loop3A_528 {strides = array<i32>} : memref<40960xf32, #tpu.memory_space<vmem>>, vector<16xf32>,
        } {sc.loop_unroll_factor = 8 : i64, sc.parallel_access}
        %mul3A_232 = arith.constant 32 : i32
        %mul3A_233 = arith.muli %add3A_88, %mul3A_232 : i32
        %add3A_234 = arith.addi %add3A, %mul3A_233 : i32
        %mul3A_235 = arith.constant 40960 : i32
        %mul3A_236 = arith.muli %add3A_234, %mul3A_235 : i32
        %dma_start3A_237 = arith.constant 1 : i32
        %dma_start3A_238 = tpu.memref_slice %arg5[%mul3A_236] : memref<51200000xf32, #tpu.memory_space<hbm>> -> memref<40960xf32, #tpu.memory_space<hbm>>
        %dma_start3A_239 = tpu.memref_slice %arg14[%dma_start3A_237] : memref<2x!tpu.dma_semaphore, #tpu.memory_space<semaphore_mem>> -> memref<1x!tpu.dma_semaphore, #tpu.memory_space<semaphore_mem>>
        %dma_start3A_240 = tpu.memref_squeeze %dma_start3A_239 : memref<1x!tpu.dma_semaphore, #tpu.memory_space<semaphore_mem>> -> memref<!tpu.dma_semaphore, #tpu.memory_space<semaphore_mem>>
        %dma_start3A_241 = tpu.memref_slice %arg5[%mul3A_236] : memref<51200000xf32, #tpu.memory_space<hbm>> -> memref<40960xf32, #tpu.memory_space<hbm>>
        tpu.enqueue_dma source(%arg11 : memref<40960xf32, #tpu.memory_space<vmem>>) target(%dma_start3A_241 : memref<40960xf32, #tpu.memory_space<hbm>>) target_semaphore(%dma_start3A_240 : memref<!tpu.dma_semaphore, #tpu.memory_space<semaphore_mem>>)
      } else {
      }
    }
    %scan3A_62 = arith.constant 20 : i32
    %add3A_63 = arith.constant 1216 : i32
    %add3A_64 = arith.addi %add3A, %add3A_63 : i32
    %lt3A = arith.constant 1250 : i32
    %lt3A_65 = arith.cmpi slt, %add3A_64, %lt3A : i32
    %convert_element_type3A = arith.extui %lt3A_65 : i1 to i32
    %cond3A = arith.constant 0 : i32
    %cond3A_66 = arith.cmpi ne, %convert_element_type3A, %cond3A : i32
    scf.if %cond3A_66 {
      %add3A_74 = arith.constant 1216 : i32
      %add3A_75 = arith.addi %add3A, %add3A_74 : i32
      %mul3A_76 = arith.constant 40960 : i32
      %mul3A_77 = arith.muli %add3A_75, %mul3A_76 : i32
      %dma_wait3A = arith.constant 0 : i32
      %dma_wait3A_78 = tpu.memref_slice %arg5[%mul3A_77] : memref<51200000xf32, #tpu.memory_space<hbm>> -> memref<40960xf32, #tpu.memory_space<hbm>>
      %dma_wait3A_79 = tpu.memref_slice %arg14[%dma_wait3A] : memref<2x!tpu.dma_semaphore, #tpu.memory_space<semaphore_mem>> -> memref<1x!tpu.dma_semaphore, #tpu.memory_space<semaphore_mem>>
      %dma_wait3A_80 = tpu.memref_squeeze %dma_wait3A_79 : memref<1x!tpu.dma_semaphore, #tpu.memory_space<semaphore_mem>> -> memref<!tpu.dma_semaphore, #tpu.memory_space<semaphore_mem>>
      %dma_wait3A_81 = tpu.memref_slice %arg5[%mul3A_77] : memref<51200000xf32, #tpu.memory_space<hbm>> -> memref<40960xf32, #tpu.memory_space<hbm>>
      tpu.wait_dma2 semaphore(%dma_wait3A_80 : memref<!tpu.dma_semaphore, #tpu.memory_space<semaphore_mem>>) src(%arg10 : memref<40960xf32, #tpu.memory_space<vmem>>) dst(%dma_wait3A_81 : memref<40960xf32, #tpu.memory_space<hbm>>)
    } else {
    }
    %add3A_67 = arith.constant 1248 : i32
    %add3A_68 = arith.addi %add3A, %add3A_67 : i32
    %lt3A_69 = arith.constant 1250 : i32
    %lt3A_70 = arith.cmpi slt, %add3A_68, %lt3A_69 : i32
    %convert_element_type3A_71 = arith.extui %lt3A_70 : i1 to i32
    %cond3A_72 = arith.constant 0 : i32
    %cond3A_73 = arith.cmpi ne, %convert_element_type3A_71, %cond3A_72 : i32
    scf.if %cond3A_73 {
      %add3A_74 = arith.constant 1248 : i32
      %add3A_75 = arith.addi %add3A, %add3A_74 : i32
      %mul3A_76 = arith.constant 40960 : i32
      %mul3A_77 = arith.muli %add3A_75, %mul3A_76 : i32
      %dma_wait3A = arith.constant 1 : i32
      %dma_wait3A_78 = tpu.memref_slice %arg5[%mul3A_77] : memref<51200000xf32, #tpu.memory_space<hbm>> -> memref<40960xf32, #tpu.memory_space<hbm>>
      %dma_wait3A_79 = tpu.memref_slice %arg14[%dma_wait3A] : memref<2x!tpu.dma_semaphore, #tpu.memory_space<semaphore_mem>> -> memref<1x!tpu.dma_semaphore, #tpu.memory_space<semaphore_mem>>
      %dma_wait3A_80 = tpu.memref_squeeze %dma_wait3A_79 : memref<1x!tpu.dma_semaphore, #tpu.memory_space<semaphore_mem>> -> memref<!tpu.dma_semaphore, #tpu.memory_space<semaphore_mem>>
      %dma_wait3A_81 = tpu.memref_slice %arg5[%mul3A_77] : memref<51200000xf32, #tpu.memory_space<hbm>> -> memref<40960xf32, #tpu.memory_space<hbm>>
      tpu.wait_dma2 semaphore(%dma_wait3A_80 : memref<!tpu.dma_semaphore, #tpu.memory_space<semaphore_mem>>) src(%arg11 : memref<40960xf32, #tpu.memory_space<vmem>>) dst(%dma_wait3A_81 : memref<40960xf32, #tpu.memory_space<hbm>>)
    } else {
    }
    return
  }
}

</mosaic_0001>

<sc_bundles>
// kernel: _masked_lookup.3.cloned.1.call-start
scs
__scs_entry_jumppad:
0x0: {  	(pc) =	sbr.rel $0x88, $3  }
0x1: {  	(tag) =	ssettag $0x0;
	lr =	simm.s32 $0x1  }
0x2: {  	[smem:$0x3F9E] =	sst lr;
	_ =	strace $0xD0000000  }
0x3: {  	_ = 	snop  }
0x4: {  	_ = 	snop  }
0x5: {  	_ = 	snop  }
0x6: {  	_ = 	snop  }
0x7: {  	_ = 	snop  }
__scs_overlays_trampoline_lowered:
0x8: {  	[smem:$0x3FAD] =	sst s0  }
0x9: {  	[smem:$0x3FAE] =	sst s1  }
0xa: {  	[smem:$0x3FAF] =	sst s2  }
0xb: {  	[smem:$0x3FB0] =	sst s3  }
0xc: {  	[smem:$0x3FB1] =	sst s4  }
0xd: {  	[smem:$0x3FB2] =	sst s5  }
0xe: {  	[smem:$0x3FB3] =	sst s6  }
0xf: {  	[smem:$0x3FB4] =	sst s7  }
0x10: {  	[smem:$0x3FB5] =	sst s8  }
0x11: {  	[smem:$0x3FB6] =	sst s9;
	s0 =	simm.s32 @!p0 $0x0  }
0x12: {  	s1 =	sld [smem:$0x3F9C];
	s0 =	simm.s32 @p0 $0x1  }
0x13: {  	[smem:$0x3FB7] =	sst s0;
	s0 =	simm.s32 @!p1 $0x0  }
0x14: {  	s2 =	sld [smem:$0x3F9B];
	s0 =	simm.s32 @p1 $0x1  }
0x15: {  	[smem:$0x3FB8] =	sst s0;
	s0 =	simm.s32 @!p2 $0x0  }
0x16: {  	s3 =	sld [smem:$0x3FDB];
	s0 =	simm.s32 @p2 $0x1  }
0x17: {  	s4 =	simm.s32 $0x1BF5;
	[smem:$0x3FBA] =	sst s0  }
0x18: {  	s0 =	sld [smem:$0x3F9D];
	_ =	swait.ge [sflag:s4], $0x0  }
0x19: {  	s7 =	sld [smem:$0x3F9E]  }
0x1a: {  	s8 =	sadd.s32 $0xFFFFE003, lr  }
0x1b: {  	s9 =	sadd.s32 $0xFFFFFEF7, lr;
	s5 =	simm.s32 $0xFFFFFFFF;
	p2 =	slt.u32 s8, $0xFFFFF086  }
0x1c: {  	p1 =	slt.u32 s9, $0xF7A;
	s5 =	simm.s32 @!p2 $0x0  }
0x1d: {  	s5 =	simm.s32 @p1 $0x1;
	p0 =	seq.s32 s7, s2  }
0x1e: {  	s7 =	smul.u32 @!p0 $0xF7A, s2;
	p2 =	seq.s32 @!p0 s5, $0x0  }
0x1f: {  	s9 =	smul.u32 $0xF7A, s1;
	s8 =	simm.s32 @!p0 $0x1BF5;
	p2 =	por !p2, p0  }
0x20: {  	[sflag:s8] =	ssyncset.s32 @!p0 $0xFFFFF086;
	s6 =	sadd.s32 @!p0 s3, s7;
	s7 =	simm.s32 @!p0 $0x108  }
0x21: {  	s3 =	sadd.s32 s3, s9;
	s6 =	sadd.s32 @!p0 $0x88, s6;
	s7 =	simm.s32 @p2 $0x1082  }
0x22: {  	[simem:s7], [sflag:s8] =	dma.local @!p0 [hbm:s6], $0xF7A  }
0x23: {  	s9 =	sor.u32 $0xD0000000, s2;
	s6 =	simm.s32 $0x108;
	_ =	swait.ge @!p0 [sflag:s8], $0x0  }
0x24: {  	s3 =	sadd.s32 $0x88, s3;
	s6 =	simm.s32 @!p1 $0x1082;
	[sflag:s4] =	ssyncset.s32 $0xFFFFF086  }
0x25: {  	[simem:s6], [sflag:s4] =	dma.local [hbm:s3], $0xF7A  }
0x26: {  	[smem:$0x3F9E] =	sst s1;
	(tag) =	ssettag s2;
	_ =	strace s9  }
0x27: {  	s1 =	sld [smem:$0x3FAE]  }
0x28: {  	s2 =	sld [smem:$0x3FAF]  }
0x29: {  	s4 =	sld [smem:$0x3FB1]  }
0x2a: {  	p0 =	seq.s32 s5, $0x0;
	s5 =	sld [smem:$0x3FB2]  }
0x2b: {  	s6 =	sld [smem:$0x3FB3]  }
0x2c: {  	s7 =	sld [smem:$0x3FB4]  }
0x2d: {  	s3 =	simm.s32 $0x108;
	s8 =	sld [smem:$0x3FB5]  }
0x2e: {  	s3 =	simm.s32 @!p0 $0x1082;
	s9 =	sld [smem:$0x3FB6]  }
0x2f: {  	lr =	sadd.s32 s0, s3;
	s0 =	sld [smem:$0x3FAD]  }
0x30: {  	s3 =	sld [smem:$0x3FB0]  }
0x31: {  	[smem:$0x3FB9] =	sst s10  }
0x32: {  	s10 =	sld [smem:$0x3FB7];
	_ =	sdelay $0x3  }
0x33: {  	p0 =	seq.s32 s10, $0x1;
	s10 =	sld [smem:$0x3FB9];
	_ =	sdelay $0x3  }
0x34: {  	[smem:$0x3FB9] =	sst s10  }
0x35: {  	s10 =	sld [smem:$0x3FB8];
	_ =	sdelay $0x3  }
0x36: {  	p1 =	seq.s32 s10, $0x1;
	s10 =	sld [smem:$0x3FB9];
	_ =	sdelay $0x3  }
0x37: {  	[smem:$0x3FB9] =	sst s10  }
0x38: {  	s10 =	sld [smem:$0x3FBA]  }
0x39: {  	_ = 	snop;
	(pc) =	sbr.ind lr, $3  }
0x3a: {  	_ = 	snop  }
0x3b: {  	_ = 	snop  }
0x3c: {  	p2 =	seq.s32 s10, $0x1;
	s10 =	sld [smem:$0x3FB9]  }
0x3d: {  	_ =	shalt  }
0x3e: {  	_ =	shalt  }
0x3f: {  	_ =	shalt  }
0x40: {  	_ =	shalt  }
0x41: {  	_ =	shalt  }
0x42: {  	_ =	shalt  }
0x43: {  	_ =	shalt  }
0x44: {  	_ =	shalt  }
0x45: {  	_ =	shalt  }
0x46: {  	_ =	shalt  }
0x47: {  	_ =	shalt  }
0x48: {  	_ =	shalt  }
0x49: {  	_ =	shalt  }
0x4a: {  	_ =	shalt  }
0x4b: {  	_ =	shalt  }
0x4c: {  	_ =	shalt  }
0x4d: {  	_ =	shalt  }
0x4e: {  	_ =	shalt  }
0x4f: {  	_ =	shalt  }
0x50: {  	_ =	shalt  }
0x51: {  	_ =	shalt  }
0x52: {  	_ =	shalt  }
0x53: {  	_ =	shalt  }
0x54: {  	_ =	shalt  }
0x55: {  	_ =	shalt  }
0x56: {  	_ =	shalt  }
0x57: {  	_ =	shalt  }
0x58: {  	_ =	shalt  }
0x59: {  	_ =	shalt  }
0x5a: {  	_ =	shalt  }
0x5b: {  	_ =	shalt  }
0x5c: {  	_ =	shalt  }
0x5d: {  	_ =	shalt  }
0x5e: {  	_ =	shalt  }
0x5f: {  	_ =	shalt  }
0x60: {  	_ =	shalt  }
0x61: {  	_ =	shalt  }
0x62: {  	_ =	shalt  }
0x63: {  	_ =	shalt  }
0x64: {  	_ =	shalt  }
0x65: {  	_ =	shalt  }
0x66: {  	_ =	shalt  }
0x67: {  	_ =	shalt  }
0x68: {  	_ =	shalt  }
0x69: {  	_ =	shalt  }
0x6a: {  	_ =	shalt  }
0x6b: {  	_ =	shalt  }
0x6c: {  	_ =	shalt  }
0x6d: {  	_ =	shalt  }
0x6e: {  	_ =	shalt  }
0x6f: {  	_ =	shalt  }
0x70: {  	_ =	shalt  }
0x71: {  	_ =	shalt  }
0x72: {  	_ =	shalt  }
0x73: {  	_ =	shalt  }
0x74: {  	_ =	shalt  }
0x75: {  	_ =	shalt  }
0x76: {  	_ =	shalt  }
0x77: {  	_ =	shalt  }
0x78: {  	_ =	shalt  }
0x79: {  	_ =	shalt  }
0x7a: {  	_ =	shalt  }
0x7b: {  	_ =	shalt  }
0x7c: {  	_ =	shalt  }
0x7d: {  	_ =	shalt  }
0x7e: {  	_ =	shalt  }
0x7f: {  	_ =	shalt  }
0x80: {  	_ =	shalt  }
0x81: {  	_ =	shalt  }
0x82: {  	_ =	shalt  }
0x83: {  	_ =	shalt  }
0x84: {  	_ =	shalt  }
0x85: {  	_ =	shalt  }
0x86: {  	_ =	shalt  }
0x87: {  	_ =	shalt  }
.Lfunc_end0:
.L_simem_size_0:
called_computation_lowered:
.L_overlay_start_0:
0x88: {  	s2 =	sld [smem:$0x3FD9]  }
0x89: {  	s3 =	sld [smem:$0x3FFE];
	_ =	sdelay $0x1  }
0x8a: {  	s1 =	srdreg.scid  }
0x8b: {  	s0 =	sand.u32 $0x1, s1  }
0x8c: {  	s17 =	sshll.u32 s0, $0xA;
	s2 =	sadd.s32 s3, s2  }
0x8d: {  	s2 =	sadd.s32 s2, s17  }
0x8e: {  	[smem:$0x3FC5] =	sst s2  }
0x8f: {  	_ = 	snop  }
0x90: {  	s2 =	sld [smem:$0x3FC9]  }
0x91: {  	s18 =	sld [smem:$0x3FC8]  }
0x92: {  	s4 =	sld [smem:$0x3FC7];
	(tm) =	ssettm $0x1  }
0x93: {  	s5 =	sld [smem:$0x3FFB];
	_ =	sdelay $0x3  }
0x94: {  	_ =	strace s5  }
0x95: {  	s5 =	sld [smem:$0x3FFC];
	_ =	sdelay $0x3  }
0x96: {  	_ =	strace s5  }
0x97: {  	s5 =	sld [smem:$0x3FFD];
	_ =	sdelay $0x3  }
0x98: {  	_ =	strace s5  }
0x99: {  	_ =	strace $0x8FFFFFFF  }
0x9a: {  	s19 =	sld [smem:$0x3FDB];
	_ =	sdelay $0x1  }
0x9b: {  	s6 =	simm.s32 $_scs_section_size  }
0x9c: {  	s7 =	simm.s32 $_size__tile_overlayer_lowered;
	s8 =	simm.s32 $_tile_overlayer_lowered  }
0x9d: {  	s22 =	simm.s32 $0x1BFF;
	s21 =	sshll.u32 s8, $0x1;
	s5 =	sadd.s32 s6, s19  }
0x9e: {  	s9 =	simm.s32 $0x0;
	s20 =	sshll.u32 s7, $0x1;
	s7 =	sadd.s32 s21, s5  }
0x9f: {  	[timem:s9], [sflag:s22] =	dma.local [hbm:s7], s20  }
0xa0: {  	_ =	swait.ge [sflag:s22], s20  }
0xa1: {  	s6 =	ssub.s32 $0x0, s20;
	[sflag:s22] =	ssyncset.done $0x0  }
0xa2: {  	[sflag:s22] =	ssyncadd.s32 s6;
	_ =	sdelay $0x1  }
0xa3: {  	s23 =	simm.s32 $0x1B8B  }
0xa4: {  	_ =	swait.ge [sflag:s23], $0x1  }
0xa5: {  	[sflag:s23] =	ssyncset.done $0x0  }
0xa6: {  	s25 =	simm.s32 $0x1B8E;
	s24 =	sld [smem:$0x3FFE];
	[sflag:s23] =	ssyncadd.s32 $0xFFFFFFFF  }
0xa7: {  	s26 =	simm.s32 $execute0_lowered;
	[smem:$0x3FD2] =	sst s25  }
0xa8: {  	s7 =	sshll.u32 s26, $0x1;
	_ =	strace $0x80000046;
	[dreg:$0x1] =	wrdreg $0xFFFFFFFF  }
0xa9: {  	s28 =	simm.s32 $_size_execute0_lowered;
	s5 =	sadd.s32 s5, s7;
	[dreg:$0x0] =	wrdreg $0x0  }
0xaa: {  	s7 =	sshll.u32 s28, $0x1;
	[dreg:$0x2] =	wrdreg s5  }
0xab: {  	[dreg:$0x3] =	wrdreg s7  }
0xac: {  	[dreg:$0x4] =	wrdreg $0xC0  }
0xad: {  	_ =	task [dreg:s9], $0x5FFFF  }
0xae: {  	[dreg:$0x1] =	wrdreg $0xFFFFFFFF  }
0xaf: {  	[dreg:$0x0] =	wrdreg $0x60  }
0xb0: {  	[dreg:$0x2] =	wrdreg s2  }
0xb1: {  	[dreg:$0x3] =	wrdreg s18  }
0xb2: {  	[dreg:$0x4] =	wrdreg s4  }
0xb3: {  	[dreg:$0x5] =	wrdreg s24  }
0xb4: {  	[dreg:$0x6] =	wrdreg $0x9  }
0xb5: {  	_ =	task.clear_ibuf [dreg:s9], $0x7FFFF;
	_ =	strace $0x90000046  }
0xb6: {  	s29 =	simm.s32 $0x9;
	_ =	strace $0x80000048  }
0xb7: {  	_ =	swait.ge [sflag:s29], $0x1  }
0xb8: {  	[sflag:s29] =	ssyncadd.s32 $0xFFFFFFFF  }
0xb9: {  	_ =	strace $0x90000048  }
0xba: {  	_ =	sfence  }
0xbb: {  	s30 =	sld [smem:$0x0];
	_ =	sdelay $0x2  }
0xbc: {  	s31 =	sshll.u32 s1, $0xD;
	s1 =	sshrl.u32 s1, $0x2  }
0xbd: {  	s3 =	sand.u32 $0x4000, s31;
	s1 =	sadd.s32 s1, s30  }
0xbe: {  	s0 =	sor.u32 s3, s0;
	s1 =	sshll.u32 s1, $0x11  }
0xbf: {  	s0 =	sor.u32 s1, s0  }
0xc0: {  	s0 =	sadd.s32 $0x8F2B, s0  }
0xc1: {  	[sflag:s0] =	ssyncadd.remote.s32 $0x1  }
0xc2: {  	_ =	sfence.sel $0xFFFF  }
0xc3: {  	[dreg:$0x0] =	wrdreg $0xFFFFFFFF;
	(pc) =	sbr.abs _section_cstart, $3  }
0xc4: {  	[dreg:$0x1] =	wrdreg $0xFFFFFFFF  }
0xc5: {  	_ =	task.clear_ibuf [dreg:s9], $0x2FFFF;
	_ =	strace $0x9FFFFFFF  }
0xc6: {  	(tm) =	ssettm $0x7FFFFFFF  }
0xc7: {  	_ =	shalt  }
tec
execute0_lowered:
.L_overlay_start_1:
0x0: {  	(tag) =	ssettag $0x1  }
0x1: {  	s8 =	rddreg [dreg:$0x0]  }
0x2: {  	s9 =	rddreg [dreg:$0x1]  }
0x3: {  	s0 =	srdreg.scid;
	s2 =	rddreg [dreg:$0x2]  }
0x4: {  	s1 =	stileid.u32;
	s4 =	rddreg [dreg:$0x3];
	s5 =	simm.s32 $0x0  }
0x5: {  	s31 =	simm.s32 $0x14300;
	s13 =	simm.s32 $0x14330;
	s15 =	simm.s32 $0x14340  }
0x6: {  	s12 =	simm.s32 $0x14350;
	s11 =	simm.s32 $0x143A0;
	s30 =	simm.s32 $0x14400  }
0x7: {  	s0 =	sand.u32 $0x1, s0;
	s3 =	sshll.u32 s1, $0x1;
	[smem:$0x7FF] =	sst s5  }
0x8: {  	s4 =	sadd.s32 $0x400, s4;
	p0 =	sne.s32 s1, $0x0;
	s1 =	simm.s32 $0x14370  }
0x9: {  	s5 =	simm.s32 $0x0;
	s10 =	sor.u32 s0, s3;
	s0 =	ssub.s32 $0x2, s0  }
0xa: {  	_ =	strace $0x80000047;
	[dreg:$0x6] =	wrdreg s4;
	s3 =	smul.u32 $0xA40, s10  }
0xb: {  	s4 =	simm.s32 $0x14380;
	s21 =	smul.u32 $0x50, s10;
	s6 =	sshrl.u32 s0, $0x1  }
0xc: {  	s7 =	smul.u32 $0xA, s10;
	s28 =	sor.u32 $0x40, s10;
	[dreg:$0x5] =	wrdreg s10  }
0xd: {  	s29 =	sor.u32 $0x60, s10;
	s10 =	simm.s32 $0x14320;
	[dreg:$0xc] =	wrdreg s28  }
0xe: {  	s0 =	ssub.s32 s0, s6;
	[dreg:$0xd] =	wrdreg s29;
	s2 =	sadd.s32 s2, s3  }
0xf: {  	s22 =	sshrl.u32 s21, $0x3;
	s23 =	sadd.s32 s8, s7;
	[dreg:$0x7] =	wrdreg s2  }
.Ltmp0:
0x10: {  	s25 =	sadd.s32 s9, s7;
	[dreg:$0x8] =	wrdreg s23;
	(pc) =	sbr.rel .LBB2_1-.Ltmp0, $4  }
0x11: {  	s0 =	smax.u32 s0, $0x1;
	s24 =	sadd.s32 $0x140, s22;
	[dreg:$0x9] =	wrdreg s25  }
0x12: {  	s3 =	simm.s32 $0x14390;
	[dreg:$0xe] =	wrdreg s0;
	s26 =	sadd.s32 s8, s24  }
0x13: {  	s0 =	simm.s32 $0x14360;
	s2 =	sadd.s32 s9, s24;
	[dreg:$0xa] =	wrdreg s26  }
0x14: {  	v0 =	vlaneseq.u32;
	s8 =	simm.s32 $0x200;
	s9 =	simm.s32 $0x14310;
	[dreg:$0xb] =	wrdreg s2  }
.LBB2_9:
0x15: {  	s2 =	simm.s32 $0x3  }
0x16: {  	_ =	swait.ge [sflag:s2], $0xA000  }
0x17: {  	[sflag:s2] =	ssyncset.done $0x0  }
0x18: {  	[sflag:s2] =	ssyncadd.s32 $0xFFFF6000;
	s2 =	simm.s32 @!p0 $0x4  }
0x19: {  	_ =	swait.ge @!p0 [sflag:s2], $0xA000  }
0x1a: {  	s5 =	rddreg [dreg:$0xf]  }
0x1b: {  	s6 =	rddreg [dreg:$0xe];
	s5 =	sadd.s32 $0x1, s5  }
0x1c: {  	p1 =	sne.s32 s5, s6  }
.Ltmp1:
0x1d: {  	_ = 	snop;
	(pc) =	sbr.rel @!p1 .LBB2_10-.Ltmp1, $3  }
0x1e: {  	_ =	sdelay $0x1  }
0x1f: {  	[sflag:s2] =	ssyncset.done @!p0 $0x0  }
0x20: {  	[sflag:s2] =	ssyncadd.s32 @!p0 $0xFFFF6000  }
.LBB2_1:
0x21: {  	[dreg:$0xf] =	wrdreg s5  }
0x22: {  	s2 =	simm.s32 $0x0;
	s6 =	rddreg [dreg:$0x7];
	s22 =	simm.s32 $0x5  }
0x23: {  	[tilespmem:s31], [sflag:$0x5] =	stream.linear.gather [hbm4b:s6+s2], $0x5200, $0x38;
	[tilespmem:$0x19500] =	vst v63  }
0x24: {  	_ =	swait.ge [sflag:s22], $0x5200  }
0x25: {  	[sflag:s22] =	ssyncset.done $0x0  }
0x26: {  	s23 =	rddreg [dreg:$0x8];
	[sflag:s22] =	ssyncadd.s32 $0xFFFFAE00  }
0x27: {  	[tilespmem:s2], [sflag:$0x1] =	stream.linear.gather [hbm4b:s23+s2], $0x50, $0x38;
	[tilespmem:$0x19500] =	vst v63  }
0x28: {  	s7 =	simm.s32 $0x100;
	s24 =	rddreg [dreg:$0x9]  }
0x29: {  	[tilespmem:s7], [sflag:$0x1] =	stream.linear.gather [hbm4b:s24+s2], $0x50, $0x38;
	[tilespmem:$0x19500] =	vst v63  }
.Ltmp2:
0x2a: {  	_ = 	snop;
	(pc) =	sbr.rel .LBB2_2-.Ltmp2, $4  }
0x2b: {  	s26 =	simm.s32 $0x80;
	s25 =	rddreg [dreg:$0xa]  }
0x2c: {  	[tilespmem:s26], [sflag:$0x2] =	stream.linear.gather [hbm4b:s25+s2], $0x50, $0x38;
	[tilespmem:$0x19500] =	vst v63  }
0x2d: {  	s29 =	simm.s32 $0x180;
	s5 =	simm.s32 $0x0;
	s28 =	rddreg [dreg:$0xb]  }
0x2e: {  	[tilespmem:s29], [sflag:$0x2] =	stream.linear.gather [hbm4b:s28+s2], $0x50, $0x38;
	[tilespmem:$0x19500] =	vst v63  }
.LBB2_8:
0x2f: {  	s5 =	rddreg [dreg:$0x10]  }
0x30: {  	s5 =	sadd.s32 $0x1, s5  }
0x31: {  	p1 =	sne.s32 s5, $0x14  }
.Ltmp3:
0x32: {  	_ = 	snop;
	(pc) =	sbr.rel @!p1 .LBB2_9-.Ltmp3, $2  }
0x33: {  	_ =	sdelay $0x2  }
0x34: {  	s8 =	simm.s32 $0x200;
	s30 =	simm.s32 $0x14400  }
.LBB2_2:
0x35: {  	s2 =	simm.s32 $0x1  }
0x36: {  	_ =	swait.ge [sflag:s2], $0x50  }
0x37: {  	[sflag:s2] =	ssyncset.done $0x0  }
0x38: {  	[sflag:s2] =	ssyncadd.s32 $0xFFFFFFB0  }
0x39: {  	_ =	swait.ge [sflag:s2], $0x50  }
0x3a: {  	[sflag:s2] =	ssyncset.done $0x0  }
0x3b: {  	[sflag:s2] =	ssyncadd.s32 $0xFFFFFFB0  }
0x3c: {  	v1 =	vld [tilespmem:$0x100]  }
0x3d: {  	v2 =	vld [tilespmem:$0x0]  }
0x3e: {  	v3 =	vld [tilespmem:$0x110]  }
0x3f: {  	v4 =	vld [tilespmem:$0x10]  }
0x40: {  	v5 =	vld [tilespmem:$0x120]  }
0x41: {  	v6 =	vld [tilespmem:$0x20]  }
0x42: {  	v7 =	vld [tilespmem:$0x130]  }
0x43: {  	v8 =	vld [tilespmem:$0x30]  }
0x44: {  	v9 =	vld [tilespmem:$0x140]  }
0x45: {  	v10 =	vld [tilespmem:$0x40]  }
0x46: {  	vm0 =	veq.s32 v1, $0x0;
	v1 =	vshll.u32 v2, $0x9  }
0x47: {  	vm12 =	veq.s32 v3, $0x0;
	v2 =	vshll.u32 v4, $0x9;
	v1 =	vsel vm0, $0x5000, v1  }
0x48: {  	vm13 =	veq.s32 v5, $0x0;
	[tilespmem:$0x200] =	vst v1;
	v1 =	vsel vm12, $0x5000, v2;
	v2 =	vshll.u32 v6, $0x9  }
0x49: {  	vm14 =	veq.s32 v7, $0x0;
	[tilespmem:$0x210] =	vst v1;
	v1 =	vsel vm13, $0x5000, v2;
	v2 =	vshll.u32 v8, $0x9  }
0x4a: {  	vm15 =	veq.s32 v9, $0x0;
	[tilespmem:$0x220] =	vst v1;
	v1 =	vsel vm14, $0x5000, v2;
	v2 =	vshll.u32 v10, $0x9  }
0x4b: {  	p1 =	seq.s32 s5, $0x0;
	[dreg:$0x10] =	wrdreg s5;
	[tilespmem:$0x230] =	vst v1;
	v1 =	vsel vm15, $0x5000, v2  }
0x4c: {  	s19 =	sshll.u32 s5, $0x6;
	s7 =	simm.s32 @!p1 $0x3;
	s6 =	rddreg [dreg:$0xc];
	[tilespmem:$0x240] =	vst v1  }
0x4d: {  	s26 =	simm.s32 $0x0;
	s6 =	sadd.s32 s6, s19;
	_ =	swait.ge @!p1 [sflag:s7], $0xA000  }
0x4e: {  	p2 =	sgt.u32 s6, $0x4E1;
	v2 =	vmov s26;
	[sflag:s7] =	ssyncset.done @!p1 $0x0  }
0x4f: {  	s6 =	smul.u32 @!p2 $0xA, s6;
	v1 =	vand.u32 $0xFFFFFFF8, v2;
	[sflag:s7] =	ssyncadd.s32 @!p1 $0xFFFF6000  }
0x50: {  	v1 =	vbroadcast v1, $0x0;
	s7 =	rddreg [dreg:$0x0]  }
0x51: {  	s16 =	simm.s32 @!p2 $0x0;
	s7 =	sadd.s32 @!p2 s7, s6  }
0x52: {  	[tilespmem:s16], [sflag:$0x1] =	stream.linear.gather @!p2 [hbm4b:s7+s16], $0x50, $0x38;
	[tilespmem:$0x19500] =	vst v63  }
0x53: {  	s7 =	rddreg [dreg:$0x1]  }
0x54: {  	s6 =	sadd.s32 @!p2 s7, s6;
	s7 =	simm.s32 @!p2 $0x100  }
0x55: {  	[tilespmem:s7], [sflag:$0x1] =	stream.linear.gather @!p2 [hbm4b:s6+s16], $0x50, $0x38;
	[tilespmem:$0x19500] =	vst v63  }
0x56: {  	v1 =	vld.idx.msk [tilespmem:v1+s8+$0x0], $0xffff;
	_ =	sdelay $0x4  }
0x57: {  	v1 =	vadd.s32 v0, v1;
	_ =	sdelay $0x4  }
0x58: {  	v2 =	vld.idx.msk [tilespmem:v1+s31+$0x0], $0xffff;
	_ =	sdelay $0x2  }
0x59: {  	s5 =	simm.s32 $0x0  }
0x5a: {  	s21 =	sand.u32 $0x3FFFFE00, s5  }
0x5b: {  	[tilespmem:s21+$0x300] =	vst v2  }
0x5c: {  	v2 =	vld.idx.msk [tilespmem:v1+s9+$0x0], $0xffff;
	_ =	sdelay $0x4  }
0x5d: {  	[tilespmem:s21+$0x310] =	vst v2  }
0x5e: {  	v2 =	vld.idx.msk [tilespmem:v1+s10+$0x0], $0xffff;
	_ =	sdelay $0x4  }
0x5f: {  	[tilespmem:s21+$0x320] =	vst v2  }
0x60: {  	v2 =	vld.idx.msk [tilespmem:v1+s13+$0x0], $0xffff;
	_ =	sdelay $0x4  }
0x61: {  	[tilespmem:s21+$0x330] =	vst v2  }
0x62: {  	v2 =	vld.idx.msk [tilespmem:v1+s15+$0x0], $0xffff;
	_ =	sdelay $0x4  }
0x63: {  	[tilespmem:s21+$0x340] =	vst v2  }
0x64: {  	v2 =	vld.idx.msk [tilespmem:v1+s12+$0x0], $0xffff  }
0x65: {  	s12 =	sor.u32 $0x3, s26  }
0x66: {  	v5 =	vmov s12  }
0x67: {  	v5 =	vand.u32 $0xFFFFFFFB, v5  }
0x68: {  	v5 =	vbroadcast v5, $0x0  }
0x69: {  	[tilespmem:s21+$0x350] =	vst v2  }
0x6a: {  	v2 =	vld.idx.msk [tilespmem:v1+s0+$0x0], $0xffff;
	_ =	sdelay $0x3  }
0x6b: {  	v5 =	vld.idx.msk [tilespmem:v5+s8+$0x0], $0xffff  }
0x6c: {  	[tilespmem:s21+$0x360] =	vst v2  }
0x6d: {  	v2 =	vld.idx.msk [tilespmem:v1+s1+$0x0], $0xffff;
	_ =	sdelay $0x2  }
0x6e: {  	v5 =	vadd.s32 v0, v5  }
0x6f: {  	s7 =	sor.u32 $0x1, s26  }
0x70: {  	v3 =	vmov s7;
	[tilespmem:s21+$0x370] =	vst v2  }
0x71: {  	s17 =	sor.u32 $0x7, s26;
	v3 =	vand.u32 $0xFFFFFFF9, v3;
	s9 =	sor.u32 $0x2, s26;
	v2 =	vld.idx.msk [tilespmem:v1+s4+$0x0], $0xffff  }
0x72: {  	v6 =	vmov s17;
	v3 =	vbroadcast v3, $0x0;
	v4 =	vmov s9  }
0x73: {  	s18 =	sor.u32 $0x4, s26;
	v4 =	vand.u32 $0xFFFFFFFA, v4;
	v13 =	vld.idx.msk [tilespmem:v5+s31+$0x0], $0xffff  }
0x74: {  	s22 =	sor.u32 $0x5, s26;
	v7 =	vmov s18;
	v4 =	vbroadcast v4, $0x0  }
0x75: {  	s2 =	sor.u32 $0x6, s26;
	v7 =	vand.u32 $0xFFFFFFFC, v7;
	v8 =	vmov s22  }
0x76: {  	s20 =	sshll.u32 s12, $0x9;
	[tilespmem:s21+$0x380] =	vst v2;
	v2 =	vbroadcast v7, $0x0;
	v7 =	vand.u32 $0xFFFFFFFD, v8;
	v8 =	vmov s2  }
0x77: {  	v6 =	vld.idx.msk [tilespmem:v6+s8+$0x0], $0xffff;
	s26 =	sand.u32 $0x3FFFFE00, s20;
	v7 =	vbroadcast v7, $0x0;
	v8 =	vand.u32 $0xFFFFFFFE, v8  }
0x78: {  	v3 =	vld.idx.msk [tilespmem:v3+s8+$0x0], $0xffff;
	s15 =	simm.s32 $0x14310;
	[tilespmem:s26+$0x300] =	vst v13;
	v10 =	vbroadcast v8, $0x0  }
0x79: {  	v13 =	vld.idx.msk [tilespmem:v5+s15+$0x0], $0xffff  }
0x7a: {  	v4 =	vld.idx.msk [tilespmem:v4+s8+$0x0], $0xffff  }
0x7b: {  	v9 =	vld.idx.msk [tilespmem:v1+s3+$0x0], $0xffff  }
0x7c: {  	v2 =	vld.idx.msk [tilespmem:v2+s8+$0x0], $0xffff  }
0x7d: {  	v8 =	vadd.s32 v0, v6;
	v11 =	vld.idx.msk [tilespmem:v7+s8+$0x0], $0xffff  }
0x7e: {  	s14 =	simm.s32 $0x14320;
	v7 =	vadd.s32 v0, v3;
	[tilespmem:s26+$0x310] =	vst v13;
	v10 =	vld.idx.msk [tilespmem:v10+s8+$0x0], $0xffff  }
0x7f: {  	v6 =	vadd.s32 v0, v4;
	v13 =	vld.idx.msk [tilespmem:v5+s14+$0x0], $0xffff  }
0x80: {  	[tilespmem:s21+$0x390] =	vst v9  }
0x81: {  	v9 =	vld.idx.msk [tilespmem:v1+s11+$0x0], $0xffff;
	v4 =	vadd.s32 v0, v2  }
0x82: {  	v2 =	vadd.s32 v0, v11;
	v11 =	vld.idx.msk [tilespmem:v8+s31+$0x0], $0xffff  }
0x83: {  	v12 =	vld.idx.msk [tilespmem:v7+s31+$0x0], $0xffff;
	v3 =	vadd.s32 v0, v10  }
0x84: {  	s13 =	simm.s32 $0x14330;
	v10 =	vld.idx.msk [tilespmem:v6+s31+$0x0], $0xffff;
	[tilespmem:s26+$0x320] =	vst v13  }
0x85: {  	s17 =	sshll.u32 s17, $0x9;
	v13 =	vld.idx.msk [tilespmem:v5+s13+$0x0], $0xffff  }
0x86: {  	s29 =	sand.u32 $0x3FFFFE00, s17;
	s6 =	sshll.u32 s7, $0x9;
	[tilespmem:s21+$0x3A0] =	vst v9;
	v14 =	vld.idx.msk [tilespmem:v4+s31+$0x0], $0xffff  }
0x87: {  	s23 =	sand.u32 $0x3FFFFE00, s6;
	s17 =	sshll.u32 s9, $0x9;
	v9 =	vld.idx.msk [tilespmem:v2+s31+$0x0], $0xffff;
	[tilespmem:s29+$0x300] =	vst v11  }
0x88: {  	s25 =	sand.u32 $0x3FFFFE00, s17;
	[tilespmem:s23+$0x300] =	vst v12;
	v15 =	vld.idx.msk [tilespmem:v3+s31+$0x0], $0xffff  }
0x89: {  	s24 =	sshll.u32 s18, $0x9;
	v11 =	vld.idx.msk [tilespmem:v8+s15+$0x0], $0xffff;
	[tilespmem:s25+$0x300] =	vst v10  }
0x8a: {  	s28 =	sand.u32 $0x3FFFFE00, s24;
	s7 =	sshll.u32 s22, $0x9;
	v12 =	vld.idx.msk [tilespmem:v7+s15+$0x0], $0xffff;
	[tilespmem:s26+$0x330] =	vst v13  }
0x8b: {  	s22 =	sand.u32 $0x3FFFFE00, s7;
	s10 =	simm.s32 $0x14340;
	s2 =	sshll.u32 s2, $0x9;
	v10 =	vld.idx.msk [tilespmem:v6+s15+$0x0], $0xffff;
	[tilespmem:s28+$0x300] =	vst v14  }
0x8c: {  	s24 =	sand.u32 $0x3FFFFE00, s2;
	v13 =	vld.idx.msk [tilespmem:v5+s10+$0x0], $0xffff;
	[tilespmem:s22+$0x300] =	vst v9  }
0x8d: {  	v14 =	vld.idx.msk [tilespmem:v4+s15+$0x0], $0xffff;
	[tilespmem:s24+$0x300] =	vst v15  }
0x8e: {  	v9 =	vld.idx.msk [tilespmem:v2+s15+$0x0], $0xffff;
	[tilespmem:s29+$0x310] =	vst v11  }
0x8f: {  	[tilespmem:s23+$0x310] =	vst v12;
	v15 =	vld.idx.msk [tilespmem:v3+s15+$0x0], $0xffff  }
0x90: {  	v11 =	vld.idx.msk [tilespmem:v8+s14+$0x0], $0xffff;
	[tilespmem:s25+$0x310] =	vst v10  }
0x91: {  	v12 =	vld.idx.msk [tilespmem:v7+s14+$0x0], $0xffff;
	[tilespmem:s26+$0x340] =	vst v13  }
0x92: {  	s0 =	simm.s32 $0x14350;
	v10 =	vld.idx.msk [tilespmem:v6+s14+$0x0], $0xffff;
	[tilespmem:s28+$0x310] =	vst v14  }
0x93: {  	v13 =	vld.idx.msk [tilespmem:v5+s0+$0x0], $0xffff;
	[tilespmem:s22+$0x310] =	vst v9  }
0x94: {  	v14 =	vld.idx.msk [tilespmem:v4+s14+$0x0], $0xffff;
	[tilespmem:s24+$0x310] =	vst v15  }
0x95: {  	v9 =	vld.idx.msk [tilespmem:v2+s14+$0x0], $0xffff;
	[tilespmem:s29+$0x320] =	vst v11  }
0x96: {  	[tilespmem:s23+$0x320] =	vst v12;
	v15 =	vld.idx.msk [tilespmem:v3+s14+$0x0], $0xffff  }
0x97: {  	v11 =	vld.idx.msk [tilespmem:v8+s13+$0x0], $0xffff;
	[tilespmem:s25+$0x320] =	vst v10  }
0x98: {  	v12 =	vld.idx.msk [tilespmem:v7+s13+$0x0], $0xffff;
	[tilespmem:s26+$0x350] =	vst v13  }
0x99: {  	s1 =	simm.s32 $0x14360;
	v10 =	vld.idx.msk [tilespmem:v6+s13+$0x0], $0xffff;
	[tilespmem:s28+$0x320] =	vst v14  }
0x9a: {  	v13 =	vld.idx.msk [tilespmem:v5+s1+$0x0], $0xffff;
	[tilespmem:s22+$0x320] =	vst v9  }
0x9b: {  	v14 =	vld.idx.msk [tilespmem:v4+s13+$0x0], $0xffff;
	[tilespmem:s24+$0x320] =	vst v15  }
0x9c: {  	v9 =	vld.idx.msk [tilespmem:v2+s13+$0x0], $0xffff;
	[tilespmem:s29+$0x330] =	vst v11  }
0x9d: {  	[tilespmem:s23+$0x330] =	vst v12;
	v15 =	vld.idx.msk [tilespmem:v3+s13+$0x0], $0xffff  }
0x9e: {  	v11 =	vld.idx.msk [tilespmem:v8+s10+$0x0], $0xffff;
	[tilespmem:s25+$0x330] =	vst v10  }
0x9f: {  	v12 =	vld.idx.msk [tilespmem:v7+s10+$0x0], $0xffff;
	[tilespmem:s26+$0x360] =	vst v13  }
0xa0: {  	s4 =	simm.s32 $0x14370;
	v10 =	vld.idx.msk [tilespmem:v6+s10+$0x0], $0xffff;
	[tilespmem:s28+$0x330] =	vst v14  }
0xa1: {  	v13 =	vld.idx.msk [tilespmem:v5+s4+$0x0], $0xffff;
	[tilespmem:s22+$0x330] =	vst v9  }
0xa2: {  	v14 =	vld.idx.msk [tilespmem:v4+s10+$0x0], $0xffff;
	[tilespmem:s24+$0x330] =	vst v15  }
0xa3: {  	v9 =	vld.idx.msk [tilespmem:v2+s10+$0x0], $0xffff;
	[tilespmem:s29+$0x340] =	vst v11  }
0xa4: {  	[tilespmem:s23+$0x340] =	vst v12;
	v15 =	vld.idx.msk [tilespmem:v3+s10+$0x0], $0xffff  }
0xa5: {  	v11 =	vld.idx.msk [tilespmem:v8+s0+$0x0], $0xffff;
	[tilespmem:s25+$0x340] =	vst v10  }
0xa6: {  	v12 =	vld.idx.msk [tilespmem:v7+s0+$0x0], $0xffff;
	[tilespmem:s26+$0x370] =	vst v13  }
0xa7: {  	s3 =	simm.s32 $0x14380;
	v10 =	vld.idx.msk [tilespmem:v6+s0+$0x0], $0xffff;
	[tilespmem:s28+$0x340] =	vst v14  }
0xa8: {  	v13 =	vld.idx.msk [tilespmem:v5+s3+$0x0], $0xffff;
	[tilespmem:s22+$0x340] =	vst v9  }
0xa9: {  	v14 =	vld.idx.msk [tilespmem:v4+s0+$0x0], $0xffff;
	[tilespmem:s24+$0x340] =	vst v15  }
0xaa: {  	v9 =	vld.idx.msk [tilespmem:v2+s0+$0x0], $0xffff;
	[tilespmem:s29+$0x350] =	vst v11  }
0xab: {  	[tilespmem:s23+$0x350] =	vst v12;
	v15 =	vld.idx.msk [tilespmem:v3+s0+$0x0], $0xffff  }
0xac: {  	v11 =	vld.idx.msk [tilespmem:v8+s1+$0x0], $0xffff;
	[tilespmem:s25+$0x350] =	vst v10  }
0xad: {  	v12 =	vld.idx.msk [tilespmem:v7+s1+$0x0], $0xffff;
	[tilespmem:s26+$0x380] =	vst v13  }
0xae: {  	s8 =	simm.s32 $0x14390;
	v10 =	vld.idx.msk [tilespmem:v6+s1+$0x0], $0xffff;
	[tilespmem:s28+$0x350] =	vst v14  }
0xaf: {  	v13 =	vld.idx.msk [tilespmem:v5+s8+$0x0], $0xffff;
	[tilespmem:s22+$0x350] =	vst v9  }
0xb0: {  	v14 =	vld.idx.msk [tilespmem:v4+s1+$0x0], $0xffff;
	[tilespmem:s24+$0x350] =	vst v15  }
0xb1: {  	v9 =	vld.idx.msk [tilespmem:v2+s1+$0x0], $0xffff;
	[tilespmem:s29+$0x360] =	vst v11  }
0xb2: {  	[tilespmem:s23+$0x360] =	vst v12;
	v15 =	vld.idx.msk [tilespmem:v3+s1+$0x0], $0xffff  }
0xb3: {  	v11 =	vld.idx.msk [tilespmem:v8+s4+$0x0], $0xffff;
	[tilespmem:s25+$0x360] =	vst v10  }
0xb4: {  	v12 =	vld.idx.msk [tilespmem:v7+s4+$0x0], $0xffff;
	[tilespmem:s26+$0x390] =	vst v13  }
0xb5: {  	s5 =	simm.s32 $0x143A0;
	v10 =	vld.idx.msk [tilespmem:v6+s4+$0x0], $0xffff;
	[tilespmem:s28+$0x360] =	vst v14  }
0xb6: {  	v13 =	vld.idx.msk [tilespmem:v5+s5+$0x0], $0xffff;
	[tilespmem:s22+$0x360] =	vst v9  }
0xb7: {  	v14 =	vld.idx.msk [tilespmem:v4+s4+$0x0], $0xffff;
	[tilespmem:s24+$0x360] =	vst v15  }
0xb8: {  	v9 =	vld.idx.msk [tilespmem:v2+s4+$0x0], $0xffff;
	[tilespmem:s29+$0x370] =	vst v11  }
0xb9: {  	[tilespmem:s23+$0x370] =	vst v12;
	v15 =	vld.idx.msk [tilespmem:v3+s4+$0x0], $0xffff  }
0xba: {  	v11 =	vld.idx.msk [tilespmem:v8+s3+$0x0], $0xffff;
	[tilespmem:s25+$0x370] =	vst v10  }
0xbb: {  	v12 =	vld.idx.msk [tilespmem:v7+s3+$0x0], $0xffff;
	[tilespmem:s26+$0x3A0] =	vst v13  }
0xbc: {  	s10 =	simm.s32 $0x143B0;
	v10 =	vld.idx.msk [tilespmem:v6+s3+$0x0], $0xffff;
	[tilespmem:s28+$0x370] =	vst v14  }
0xbd: {  	v13 =	vld.idx.msk [tilespmem:v5+s10+$0x0], $0xffff;
	[tilespmem:s22+$0x370] =	vst v9  }
0xbe: {  	v14 =	vld.idx.msk [tilespmem:v4+s3+$0x0], $0xffff;
	[tilespmem:s24+$0x370] =	vst v15  }
0xbf: {  	v9 =	vld.idx.msk [tilespmem:v2+s3+$0x0], $0xffff;
	[tilespmem:s29+$0x380] =	vst v11  }
0xc0: {  	[tilespmem:s23+$0x380] =	vst v12;
	v15 =	vld.idx.msk [tilespmem:v3+s3+$0x0], $0xffff  }
0xc1: {  	v12 =	vld.idx.msk [tilespmem:v7+s8+$0x0], $0xffff;
	[tilespmem:s25+$0x380] =	vst v10  }
0xc2: {  	v11 =	vld.idx.msk [tilespmem:v8+s8+$0x0], $0xffff;
	[tilespmem:s26+$0x3B0] =	vst v13  }
0xc3: {  	v10 =	vld.idx.msk [tilespmem:v6+s8+$0x0], $0xffff;
	[tilespmem:s28+$0x380] =	vst v14  }
0xc4: {  	v14 =	vld.idx.msk [tilespmem:v4+s8+$0x0], $0xffff;
	[tilespmem:s22+$0x380] =	vst v9  }
0xc5: {  	v9 =	vld.idx.msk [tilespmem:v2+s8+$0x0], $0xffff;
	[tilespmem:s24+$0x380] =	vst v15  }
0xc6: {  	[tilespmem:s23+$0x390] =	vst v12;
	v15 =	vld.idx.msk [tilespmem:v3+s8+$0x0], $0xffff  }
0xc7: {  	[tilespmem:s29+$0x390] =	vst v11;
	v12 =	vld.idx.msk [tilespmem:v7+s5+$0x0], $0xffff  }
0xc8: {  	v11 =	vld.idx.msk [tilespmem:v8+s5+$0x0], $0xffff;
	[tilespmem:s25+$0x390] =	vst v10  }
0xc9: {  	v10 =	vld.idx.msk [tilespmem:v6+s5+$0x0], $0xffff;
	[tilespmem:s28+$0x390] =	vst v14  }
0xca: {  	v14 =	vld.idx.msk [tilespmem:v4+s5+$0x0], $0xffff;
	[tilespmem:s22+$0x390] =	vst v9  }
0xcb: {  	v9 =	vld.idx.msk [tilespmem:v2+s5+$0x0], $0xffff;
	[tilespmem:s24+$0x390] =	vst v15  }
0xcc: {  	[tilespmem:s23+$0x3A0] =	vst v12;
	v15 =	vld.idx.msk [tilespmem:v3+s5+$0x0], $0xffff  }
0xcd: {  	[tilespmem:s29+$0x3A0] =	vst v11;
	v12 =	vld.idx.msk [tilespmem:v7+s10+$0x0], $0xffff  }
0xce: {  	v11 =	vld.idx.msk [tilespmem:v8+s10+$0x0], $0xffff;
	[tilespmem:s25+$0x3A0] =	vst v10  }
0xcf: {  	v10 =	vld.idx.msk [tilespmem:v6+s10+$0x0], $0xffff;
	[tilespmem:s28+$0x3A0] =	vst v14  }
0xd0: {  	v14 =	vld.idx.msk [tilespmem:v4+s10+$0x0], $0xffff;
	[tilespmem:s22+$0x3A0] =	vst v9  }
0xd1: {  	v9 =	vld.idx.msk [tilespmem:v2+s10+$0x0], $0xffff;
	[tilespmem:s24+$0x3A0] =	vst v15  }
0xd2: {  	[tilespmem:s23+$0x3B0] =	vst v12;
	v12 =	vld.idx.msk [tilespmem:v1+s10+$0x0], $0xffff  }
0xd3: {  	s11 =	simm.s32 $0x143C0;
	[tilespmem:s29+$0x3B0] =	vst v11;
	v15 =	vld.idx.msk [tilespmem:v3+s10+$0x0], $0xffff  }
0xd4: {  	v11 =	vld.idx.msk [tilespmem:v8+s11+$0x0], $0xffff;
	[tilespmem:s25+$0x3B0] =	vst v10  }
0xd5: {  	v10 =	vld.idx.msk [tilespmem:v7+s11+$0x0], $0xffff;
	[tilespmem:s28+$0x3B0] =	vst v14  }
0xd6: {  	v13 =	vld.idx.msk [tilespmem:v6+s11+$0x0], $0xffff;
	[tilespmem:s22+$0x3B0] =	vst v9  }
0xd7: {  	v14 =	vld.idx.msk [tilespmem:v5+s11+$0x0], $0xffff;
	[tilespmem:s21+$0x3B0] =	vst v12  }
0xd8: {  	v9 =	vld.idx.msk [tilespmem:v4+s11+$0x0], $0xffff;
	[tilespmem:s24+$0x3B0] =	vst v15  }
0xd9: {  	v15 =	vld.idx.msk [tilespmem:v2+s11+$0x0], $0xffff;
	[tilespmem:s29+$0x3C0] =	vst v11  }
0xda: {  	s14 =	simm.s32 $0x143D0;
	[tilespmem:s23+$0x3C0] =	vst v10;
	v12 =	vld.idx.msk [tilespmem:v1+s11+$0x0], $0xffff  }
0xdb: {  	v11 =	vld.idx.msk [tilespmem:v8+s14+$0x0], $0xffff;
	[tilespmem:s25+$0x3C0] =	vst v13  }
0xdc: {  	v10 =	vld.idx.msk [tilespmem:v3+s11+$0x0], $0xffff;
	[tilespmem:s26+$0x3C0] =	vst v14  }
0xdd: {  	v13 =	vld.idx.msk [tilespmem:v7+s14+$0x0], $0xffff;
	[tilespmem:s28+$0x3C0] =	vst v9  }
0xde: {  	v14 =	vld.idx.msk [tilespmem:v6+s14+$0x0], $0xffff;
	[tilespmem:s22+$0x3C0] =	vst v15  }
0xdf: {  	v9 =	vld.idx.msk [tilespmem:v5+s14+$0x0], $0xffff;
	[tilespmem:s21+$0x3C0] =	vst v12  }
0xe0: {  	v15 =	vld.idx.msk [tilespmem:v4+s14+$0x0], $0xffff;
	[tilespmem:s29+$0x3D0] =	vst v11  }
0xe1: {  	[tilespmem:s24+$0x3C0] =	vst v10;
	v11 =	vld.idx.msk [tilespmem:v2+s14+$0x0], $0xffff  }
0xe2: {  	s9 =	simm.s32 $0x143E0;
	[tilespmem:s23+$0x3D0] =	vst v13;
	v13 =	vld.idx.msk [tilespmem:v1+s14+$0x0], $0xffff  }
0xe3: {  	v10 =	vld.idx.msk [tilespmem:v8+s9+$0x0], $0xffff;
	[tilespmem:s25+$0x3D0] =	vst v14  }
0xe4: {  	v12 =	vld.idx.msk [tilespmem:v3+s14+$0x0], $0xffff;
	[tilespmem:s26+$0x3D0] =	vst v9  }
0xe5: {  	v14 =	vld.idx.msk [tilespmem:v7+s9+$0x0], $0xffff;
	[tilespmem:s28+$0x3D0] =	vst v15  }
0xe6: {  	v9 =	vld.idx.msk [tilespmem:v6+s9+$0x0], $0xffff;
	[tilespmem:s22+$0x3D0] =	vst v11  }
0xe7: {  	v15 =	vld.idx.msk [tilespmem:v5+s9+$0x0], $0xffff;
	[tilespmem:s21+$0x3D0] =	vst v13  }
0xe8: {  	v11 =	vld.idx.msk [tilespmem:v4+s9+$0x0], $0xffff;
	[tilespmem:s29+$0x3E0] =	vst v10  }
0xe9: {  	s12 =	simm.s32 $0x143F0;
	[tilespmem:s24+$0x3D0] =	vst v12;
	v12 =	vld.idx.msk [tilespmem:v2+s9+$0x0], $0xffff  }
0xea: {  	v10 =	vld.idx.msk [tilespmem:v8+s12+$0x0], $0xffff;
	[tilespmem:s23+$0x3E0] =	vst v14  }
0xeb: {  	v13 =	vld.idx.msk [tilespmem:v3+s9+$0x0], $0xffff;
	[tilespmem:s25+$0x3E0] =	vst v9  }
0xec: {  	v14 =	vld.idx.msk [tilespmem:v1+s9+$0x0], $0xffff;
	[tilespmem:s26+$0x3E0] =	vst v15  }
0xed: {  	v9 =	vld.idx.msk [tilespmem:v7+s12+$0x0], $0xffff;
	[tilespmem:s28+$0x3E0] =	vst v11  }
0xee: {  	v15 =	vld.idx.msk [tilespmem:v6+s12+$0x0], $0xffff;
	[tilespmem:s22+$0x3E0] =	vst v12  }
0xef: {  	v11 =	vld.idx.msk [tilespmem:v5+s12+$0x0], $0xffff;
	[tilespmem:s29+$0x3F0] =	vst v10  }
0xf0: {  	v12 =	vld.idx.msk [tilespmem:v4+s12+$0x0], $0xffff;
	[tilespmem:s24+$0x3E0] =	vst v13  }
0xf1: {  	[tilespmem:s21+$0x3E0] =	vst v14;
	v13 =	vld.idx.msk [tilespmem:v2+s12+$0x0], $0xffff  }
0xf2: {  	v10 =	vld.idx.msk [tilespmem:v8+s30+$0x0], $0xffff;
	[tilespmem:s23+$0x3F0] =	vst v9  }
0xf3: {  	v9 =	vld.idx.msk [tilespmem:v3+s12+$0x0], $0xffff;
	[tilespmem:s25+$0x3F0] =	vst v15  }
0xf4: {  	v14 =	vld.idx.msk [tilespmem:v1+s12+$0x0], $0xffff;
	[tilespmem:s26+$0x3F0] =	vst v11  }
0xf5: {  	v15 =	vld.idx.msk [tilespmem:v7+s30+$0x0], $0xffff;
	[tilespmem:s28+$0x3F0] =	vst v12  }
0xf6: {  	v11 =	vld.idx.msk [tilespmem:v6+s30+$0x0], $0xffff;
	[tilespmem:s22+$0x3F0] =	vst v13  }
0xf7: {  	v12 =	vld.idx.msk [tilespmem:v5+s30+$0x0], $0xffff;
	[tilespmem:s29+$0x400] =	vst v10  }
0xf8: {  	v13 =	vld.idx.msk [tilespmem:v4+s30+$0x0], $0xffff;
	[tilespmem:s24+$0x3F0] =	vst v9  }
0xf9: {  	s13 =	simm.s32 $0x14410;
	[tilespmem:s21+$0x3F0] =	vst v14;
	v9 =	vld.idx.msk [tilespmem:v2+s30+$0x0], $0xffff  }
0xfa: {  	v10 =	vld.idx.msk [tilespmem:v8+s13+$0x0], $0xffff;
	[tilespmem:s23+$0x400] =	vst v15  }
0xfb: {  	v14 =	vld.idx.msk [tilespmem:v3+s30+$0x0], $0xffff;
	[tilespmem:s25+$0x400] =	vst v11  }
0xfc: {  	v15 =	vld.idx.msk [tilespmem:v1+s30+$0x0], $0xffff;
	[tilespmem:s26+$0x400] =	vst v12  }
0xfd: {  	v11 =	vld.idx.msk [tilespmem:v7+s13+$0x0], $0xffff;
	[tilespmem:s28+$0x400] =	vst v13  }
0xfe: {  	v12 =	vld.idx.msk [tilespmem:v6+s13+$0x0], $0xffff;
	[tilespmem:s22+$0x400] =	vst v9  }
0xff: {  	v13 =	vld.idx.msk [tilespmem:v5+s13+$0x0], $0xffff;
	[tilespmem:s29+$0x410] =	vst v10  }
0x100: {  	v9 =	vld.idx.msk [tilespmem:v4+s13+$0x0], $0xffff;
	[tilespmem:s24+$0x400] =	vst v14  }
0x101: {  	s15 =	simm.s32 $0x14420;
	[tilespmem:s21+$0x400] =	vst v15;
	v14 =	vld.idx.msk [tilespmem:v2+s13+$0x0], $0xffff  }
0x102: {  	v10 =	vld.idx.msk [tilespmem:v8+s15+$0x0], $0xffff;
	[tilespmem:s23+$0x410] =	vst v11  }
0x103: {  	v15 =	vld.idx.msk [tilespmem:v3+s13+$0x0], $0xffff;
	[tilespmem:s25+$0x410] =	vst v12  }
0x104: {  	v11 =	vld.idx.msk [tilespmem:v1+s13+$0x0], $0xffff;
	[tilespmem:s26+$0x410] =	vst v13  }
0x105: {  	v12 =	vld.idx.msk [tilespmem:v7+s15+$0x0], $0xffff;
	[tilespmem:s28+$0x410] =	vst v9  }
0x106: {  	v13 =	vld.idx.msk [tilespmem:v6+s15+$0x0], $0xffff;
	[tilespmem:s22+$0x410] =	vst v14  }
0x107: {  	v9 =	vld.idx.msk [tilespmem:v5+s15+$0x0], $0xffff;
	[tilespmem:s29+$0x420] =	vst v10  }
0x108: {  	s16 =	simm.s32 $0x14430;
	v14 =	vld.idx.msk [tilespmem:v4+s15+$0x0], $0xffff;
	[tilespmem:s24+$0x410] =	vst v15  }
0x109: {  	[tilespmem:s21+$0x410] =	vst v11;
	v10 =	vld.idx.msk [tilespmem:v8+s16+$0x0], $0xffff  }
0x10a: {  	v15 =	vld.idx.msk [tilespmem:v2+s15+$0x0], $0xffff;
	[tilespmem:s23+$0x420] =	vst v12  }
0x10b: {  	v11 =	vld.idx.msk [tilespmem:v3+s15+$0x0], $0xffff;
	[tilespmem:s25+$0x420] =	vst v13  }
0x10c: {  	v12 =	vld.idx.msk [tilespmem:v1+s15+$0x0], $0xffff;
	[tilespmem:s26+$0x420] =	vst v9  }
0x10d: {  	v13 =	vld.idx.msk [tilespmem:v7+s16+$0x0], $0xffff;
	[tilespmem:s28+$0x420] =	vst v14  }
0x10e: {  	s17 =	simm.s32 $0x14440;
	v9 =	vld.idx.msk [tilespmem:v6+s16+$0x0], $0xffff;
	[tilespmem:s29+$0x430] =	vst v10  }
0x10f: {  	[tilespmem:s22+$0x420] =	vst v15;
	v10 =	vld.idx.msk [tilespmem:v8+s17+$0x0], $0xffff  }
0x110: {  	v14 =	vld.idx.msk [tilespmem:v5+s16+$0x0], $0xffff;
	[tilespmem:s24+$0x420] =	vst v11  }
0x111: {  	v15 =	vld.idx.msk [tilespmem:v4+s16+$0x0], $0xffff;
	[tilespmem:s21+$0x420] =	vst v12  }
0x112: {  	v11 =	vld.idx.msk [tilespmem:v2+s16+$0x0], $0xffff;
	[tilespmem:s23+$0x430] =	vst v13  }
0x113: {  	v12 =	vld.idx.msk [tilespmem:v3+s16+$0x0], $0xffff;
	[tilespmem:s25+$0x430] =	vst v9  }
0x114: {  	s7 =	simm.s32 $0x14450;
	v13 =	vld.idx.msk [tilespmem:v1+s16+$0x0], $0xffff;
	[tilespmem:s29+$0x440] =	vst v10  }
0x115: {  	[tilespmem:s26+$0x430] =	vst v14;
	v10 =	vld.idx.msk [tilespmem:v8+s7+$0x0], $0xffff  }
0x116: {  	v9 =	vld.idx.msk [tilespmem:v7+s17+$0x0], $0xffff;
	[tilespmem:s28+$0x430] =	vst v15  }
0x117: {  	v16 =	vld.idx.msk [tilespmem:v6+s17+$0x0], $0xffff;
	[tilespmem:s22+$0x430] =	vst v11  }
0x118: {  	v15 =	vld.idx.msk [tilespmem:v5+s17+$0x0], $0xffff;
	[tilespmem:s24+$0x430] =	vst v12  }
0x119: {  	v11 =	vld.idx.msk [tilespmem:v4+s17+$0x0], $0xffff;
	[tilespmem:s21+$0x430] =	vst v13  }
0x11a: {  	s6 =	simm.s32 $0x14460;
	v17 =	vld.idx.msk [tilespmem:v2+s17+$0x0], $0xffff;
	[tilespmem:s29+$0x450] =	vst v10  }
0x11b: {  	[tilespmem:s23+$0x440] =	vst v9;
	v10 =	vld.idx.msk [tilespmem:v8+s6+$0x0], $0xffff  }
0x11c: {  	[tilespmem:s25+$0x440] =	vst v16  }
0x11d: {  	v18 =	vld.idx.msk [tilespmem:v3+s17+$0x0], $0xffff;
	[tilespmem:s26+$0x440] =	vst v15  }
0x11e: {  	v14 =	vld.idx.msk [tilespmem:v1+s17+$0x0], $0xffff;
	[tilespmem:s28+$0x440] =	vst v11  }
0x11f: {  	v12 =	vld.idx.msk [tilespmem:v7+s7+$0x0], $0xffff;
	[tilespmem:s22+$0x440] =	vst v17  }
0x120: {  	v9 =	vld.idx.msk [tilespmem:v6+s7+$0x0], $0xffff;
	[tilespmem:s29+$0x460] =	vst v10  }
0x121: {  	s16 =	simm.s32 $0x14470;
	v10 =	vld.idx.msk [tilespmem:v5+s7+$0x0], $0xffff;
	s18 =	rddreg [dreg:$0x5]  }
0x122: {  	v13 =	vld.idx.msk [tilespmem:v8+s16+$0x0], $0xffff;
	[dreg:$0x11] =	wrdreg s19;
	s20 =	sor.u32 s18, s19  }
0x123: {  	[dreg:$0x13] =	wrdreg s20  }
0x124: {  	s0 =	simm.s32 $0x14400;
	s30 =	simm.s32 $0x8;
	v11 =	vld.idx.msk [tilespmem:v4+s7+$0x0], $0xffff;
	[tilespmem:s24+$0x440] =	vst v18  }
.LBB2_3:
0x125: {  	v15 =	vmov s30;
	p2 =	slt.u32 s30, $0x48;
	[tilespmem:s21+$0x440] =	vst v14;
	v14 =	vld.idx.msk [tilespmem:v2+s7+$0x0], $0xffff  }
0x126: {  	v15 =	vand.u32 $0xFFFFFFF8, v15;
	[tilespmem:s23+$0x450] =	vst v12;
	v12 =	vld.idx.msk [tilespmem:v3+s7+$0x0], $0xffff  }
0x127: {  	v15 =	vbroadcast v15, $0x0;
	v16 =	vld.idx.msk [tilespmem:v1+s7+$0x0], $0xffff;
	[tilespmem:s25+$0x450] =	vst v9  }
0x128: {  	s7 =	simm.s32 $0x14480;
	v9 =	vld.idx.msk [tilespmem:v7+s6+$0x0], $0xffff;
	[tilespmem:s29+$0x470] =	vst v13  }
0x129: {  	[tilespmem:s26+$0x450] =	vst v10;
	v10 =	vld.idx.msk [tilespmem:v8+s7+$0x0], $0xffff  }
0x12a: {  	v13 =	vld.idx.msk [tilespmem:v6+s6+$0x0], $0xffff;
	[tilespmem:s28+$0x450] =	vst v11  }
0x12b: {  	v11 =	vld.idx.msk [tilespmem:v5+s6+$0x0], $0xffff;
	[tilespmem:s22+$0x450] =	vst v14  }
0x12c: {  	s1 =	simm.s32 $0x200;
	v14 =	vld.idx.msk [tilespmem:v4+s6+$0x0], $0xffff;
	[tilespmem:s24+$0x450] =	vst v12  }
0x12d: {  	v12 =	vld.idx.msk [tilespmem:v15+s1+$0x0], $0xffff;
	[tilespmem:s21+$0x450] =	vst v16  }
0x12e: {  	[tilespmem:s23+$0x460] =	vst v9;
	v15 =	vld.idx.msk [tilespmem:v2+s6+$0x0], $0xffff  }
0x12f: {  	s17 =	simm.s32 $0x14490;
	v16 =	vld.idx.msk [tilespmem:v3+s6+$0x0], $0xffff;
	[tilespmem:s29+$0x480] =	vst v10  }
0x130: {  	[tilespmem:s25+$0x460] =	vst v13;
	v10 =	vld.idx.msk [tilespmem:v8+s17+$0x0], $0xffff  }
0x131: {  	v13 =	vld.idx.msk [tilespmem:v1+s6+$0x0], $0xffff;
	[tilespmem:s26+$0x460] =	vst v11  }
0x132: {  	v11 =	vld.idx.msk [tilespmem:v7+s16+$0x0], $0xffff;
	[tilespmem:s28+$0x460] =	vst v14  }
0x133: {  	v9 =	vadd.s32 v0, v12;
	v12 =	vld.idx.msk [tilespmem:v6+s16+$0x0], $0xffff  }
0x134: {  	v14 =	vld.idx.msk [tilespmem:v5+s16+$0x0], $0xffff;
	[tilespmem:s22+$0x460] =	vst v15  }
0x135: {  	v15 =	vld.idx.msk [tilespmem:v4+s16+$0x0], $0xffff;
	[tilespmem:s24+$0x460] =	vst v16  }
0x136: {  	s4 =	simm.s32 $0x144A0;
	v16 =	vld.idx.msk [tilespmem:v2+s16+$0x0], $0xffff;
	[tilespmem:s29+$0x490] =	vst v10  }
0x137: {  	[tilespmem:s21+$0x460] =	vst v13;
	v10 =	vld.idx.msk [tilespmem:v8+s4+$0x0], $0xffff  }
0x138: {  	v13 =	vld.idx.msk [tilespmem:v9+s31+$0x0], $0xffff;
	[tilespmem:s23+$0x470] =	vst v11  }
0x139: {  	[tilespmem:s25+$0x470] =	vst v12;
	v11 =	vld.idx.msk [tilespmem:v3+s16+$0x0], $0xffff  }
0x13a: {  	v12 =	vld.idx.msk [tilespmem:v1+s16+$0x0], $0xffff;
	[tilespmem:s26+$0x470] =	vst v14  }
0x13b: {  	v14 =	vld.idx.msk [tilespmem:v7+s7+$0x0], $0xffff;
	[tilespmem:s28+$0x470] =	vst v15  }
0x13c: {  	s2 =	sshll.u32 s30, $0x9;
	v15 =	vld.idx.msk [tilespmem:v6+s7+$0x0], $0xffff;
	[tilespmem:s22+$0x470] =	vst v16  }
0x13d: {  	s8 =	simm.s32 $0x14300;
	s31 =	sand.u32 $0x3FFFFE00, s2;
	s16 =	simm.s32 $0x144B0;
	v16 =	vld.idx.msk [tilespmem:v5+s7+$0x0], $0xffff;
	[tilespmem:s29+$0x4A0] =	vst v10  }
0x13e: {  	s20 =	simm.s32 $0x14310;
	[tilespmem:s31+$0x300] =	vst v13;
	v10 =	vld.idx.msk [tilespmem:v8+s16+$0x0], $0xffff  }
0x13f: {  	v13 =	vld.idx.msk [tilespmem:v9+s20+$0x0], $0xffff;
	[tilespmem:s24+$0x470] =	vst v11  }
0x140: {  	[tilespmem:s21+$0x470] =	vst v12;
	v11 =	vld.idx.msk [tilespmem:v4+s7+$0x0], $0xffff  }
0x141: {  	[tilespmem:s23+$0x480] =	vst v14;
	v12 =	vld.idx.msk [tilespmem:v2+s7+$0x0], $0xffff  }
0x142: {  	[tilespmem:s25+$0x480] =	vst v15;
	v14 =	vld.idx.msk [tilespmem:v3+s7+$0x0], $0xffff  }
0x143: {  	v15 =	vld.idx.msk [tilespmem:v1+s7+$0x0], $0xffff;
	[tilespmem:s26+$0x480] =	vst v16  }
0x144: {  	s7 =	simm.s32 $0x144C0;
	v16 =	vld.idx.msk [tilespmem:v7+s17+$0x0], $0xffff;
	[tilespmem:s29+$0x4B0] =	vst v10  }
0x145: {  	s19 =	simm.s32 $0x14320;
	[tilespmem:s31+$0x310] =	vst v13;
	v10 =	vld.idx.msk [tilespmem:v8+s7+$0x0], $0xffff  }
0x146: {  	v13 =	vld.idx.msk [tilespmem:v9+s19+$0x0], $0xffff;
	[tilespmem:s28+$0x480] =	vst v11  }
0x147: {  	v11 =	vld.idx.msk [tilespmem:v6+s17+$0x0], $0xffff;
	[tilespmem:s22+$0x480] =	vst v12  }
0x148: {  	v12 =	vld.idx.msk [tilespmem:v5+s17+$0x0], $0xffff;
	[tilespmem:s24+$0x480] =	vst v14  }
0x149: {  	[tilespmem:s21+$0x480] =	vst v15;
	v14 =	vld.idx.msk [tilespmem:v4+s17+$0x0], $0xffff  }
0x14a: {  	[tilespmem:s23+$0x490] =	vst v16;
	v15 =	vld.idx.msk [tilespmem:v2+s17+$0x0], $0xffff  }
0x14b: {  	s2 =	simm.s32 $0x144D0;
	v16 =	vld.idx.msk [tilespmem:v3+s17+$0x0], $0xffff;
	[tilespmem:s29+$0x4C0] =	vst v10  }
0x14c: {  	s12 =	simm.s32 $0x14330;
	[tilespmem:s31+$0x320] =	vst v13;
	v10 =	vld.idx.msk [tilespmem:v8+s2+$0x0], $0xffff  }
0x14d: {  	v13 =	vld.idx.msk [tilespmem:v9+s12+$0x0], $0xffff;
	[tilespmem:s25+$0x490] =	vst v11  }
0x14e: {  	v11 =	vld.idx.msk [tilespmem:v1+s17+$0x0], $0xffff;
	[tilespmem:s26+$0x490] =	vst v12  }
0x14f: {  	v12 =	vld.idx.msk [tilespmem:v7+s4+$0x0], $0xffff;
	[tilespmem:s28+$0x490] =	vst v14  }
0x150: {  	v14 =	vld.idx.msk [tilespmem:v6+s4+$0x0], $0xffff;
	[tilespmem:s22+$0x490] =	vst v15  }
0x151: {  	v15 =	vld.idx.msk [tilespmem:v5+s4+$0x0], $0xffff;
	[tilespmem:s24+$0x490] =	vst v16  }
0x152: {  	s6 =	simm.s32 $0x144E0;
	v16 =	vld.idx.msk [tilespmem:v4+s4+$0x0], $0xffff;
	[tilespmem:s29+$0x4D0] =	vst v10  }
0x153: {  	s13 =	simm.s32 $0x14340;
	[tilespmem:s31+$0x330] =	vst v13;
	v10 =	vld.idx.msk [tilespmem:v8+s6+$0x0], $0xffff  }
0x154: {  	v13 =	vld.idx.msk [tilespmem:v9+s13+$0x0], $0xffff;
	[tilespmem:s21+$0x490] =	vst v11  }
0x155: {  	[tilespmem:s23+$0x4A0] =	vst v12;
	v11 =	vld.idx.msk [tilespmem:v2+s4+$0x0], $0xffff  }
0x156: {  	[tilespmem:s25+$0x4A0] =	vst v14;
	v12 =	vld.idx.msk [tilespmem:v3+s4+$0x0], $0xffff  }
0x157: {  	v14 =	vld.idx.msk [tilespmem:v1+s4+$0x0], $0xffff;
	[tilespmem:s26+$0x4A0] =	vst v15  }
0x158: {  	v15 =	vld.idx.msk [tilespmem:v7+s16+$0x0], $0xffff;
	[tilespmem:s28+$0x4A0] =	vst v16  }
0x159: {  	s4 =	simm.s32 $0x144F0;
	v16 =	vld.idx.msk [tilespmem:v6+s16+$0x0], $0xffff;
	[tilespmem:s29+$0x4E0] =	vst v10  }
0x15a: {  	s10 =	simm.s32 $0x14350;
	[tilespmem:s31+$0x340] =	vst v13;
	v8 =	vld.idx.msk [tilespmem:v8+s4+$0x0], $0xffff  }
0x15b: {  	v10 =	vld.idx.msk [tilespmem:v9+s10+$0x0], $0xffff;
	[tilespmem:s22+$0x4A0] =	vst v11  }
0x15c: {  	v11 =	vld.idx.msk [tilespmem:v5+s16+$0x0], $0xffff;
	[tilespmem:s24+$0x4A0] =	vst v12  }
0x15d: {  	[tilespmem:s21+$0x4A0] =	vst v14;
	v12 =	vld.idx.msk [tilespmem:v4+s16+$0x0], $0xffff  }
0x15e: {  	[tilespmem:s23+$0x4B0] =	vst v15;
	v13 =	vld.idx.msk [tilespmem:v2+s16+$0x0], $0xffff  }
0x15f: {  	[tilespmem:s25+$0x4B0] =	vst v16;
	v14 =	vld.idx.msk [tilespmem:v3+s16+$0x0], $0xffff  }
0x160: {  	v15 =	vld.idx.msk [tilespmem:v1+s16+$0x0], $0xffff;
	[tilespmem:s29+$0x4F0] =	vst v8  }
0x161: {  	s3 =	simm.s32 $0x14360;
	[tilespmem:s31+$0x350] =	vst v10;
	v8 =	vld.idx.msk [tilespmem:v7+s7+$0x0], $0xffff  }
0x162: {  	v10 =	vld.idx.msk [tilespmem:v9+s3+$0x0], $0xffff;
	[tilespmem:s26+$0x4B0] =	vst v11  }
0x163: {  	v11 =	vld.idx.msk [tilespmem:v6+s7+$0x0], $0xffff;
	[tilespmem:s28+$0x4B0] =	vst v12  }
0x164: {  	v12 =	vld.idx.msk [tilespmem:v5+s7+$0x0], $0xffff;
	[tilespmem:s22+$0x4B0] =	vst v13  }
0x165: {  	v13 =	vld.idx.msk [tilespmem:v4+s7+$0x0], $0xffff;
	[tilespmem:s24+$0x4B0] =	vst v14  }
0x166: {  	[tilespmem:s21+$0x4B0] =	vst v15;
	v14 =	vld.idx.msk [tilespmem:v2+s7+$0x0], $0xffff  }
0x167: {  	[tilespmem:s23+$0x4C0] =	vst v8;
	v8 =	vld.idx.msk [tilespmem:v3+s7+$0x0], $0xffff  }
0x168: {  	s11 =	simm.s32 $0x14370;
	[tilespmem:s31+$0x360] =	vst v10;
	v10 =	vld.idx.msk [tilespmem:v1+s7+$0x0], $0xffff  }
0x169: {  	v15 =	vld.idx.msk [tilespmem:v9+s11+$0x0], $0xffff;
	[tilespmem:s25+$0x4C0] =	vst v11  }
0x16a: {  	v11 =	vld.idx.msk [tilespmem:v7+s2+$0x0], $0xffff;
	[tilespmem:s26+$0x4C0] =	vst v12  }
0x16b: {  	v12 =	vld.idx.msk [tilespmem:v6+s2+$0x0], $0xffff;
	[tilespmem:s28+$0x4C0] =	vst v13  }
0x16c: {  	v13 =	vld.idx.msk [tilespmem:v5+s2+$0x0], $0xffff;
	[tilespmem:s22+$0x4C0] =	vst v14  }
0x16d: {  	v14 =	vld.idx.msk [tilespmem:v4+s2+$0x0], $0xffff;
	[tilespmem:s24+$0x4C0] =	vst v8  }
0x16e: {  	[tilespmem:s21+$0x4C0] =	vst v10;
	v8 =	vld.idx.msk [tilespmem:v2+s2+$0x0], $0xffff  }
0x16f: {  	s5 =	simm.s32 $0x14380;
	[tilespmem:s31+$0x370] =	vst v15;
	v10 =	vld.idx.msk [tilespmem:v3+s2+$0x0], $0xffff  }
0x170: {  	v15 =	vld.idx.msk [tilespmem:v9+s5+$0x0], $0xffff;
	[tilespmem:s23+$0x4D0] =	vst v11  }
0x171: {  	v11 =	vld.idx.msk [tilespmem:v1+s2+$0x0], $0xffff;
	[tilespmem:s25+$0x4D0] =	vst v12  }
0x172: {  	v12 =	vld.idx.msk [tilespmem:v7+s6+$0x0], $0xffff;
	[tilespmem:s26+$0x4D0] =	vst v13  }
0x173: {  	v13 =	vld.idx.msk [tilespmem:v6+s6+$0x0], $0xffff;
	[tilespmem:s28+$0x4D0] =	vst v14  }
0x174: {  	v14 =	vld.idx.msk [tilespmem:v5+s6+$0x0], $0xffff;
	[tilespmem:s22+$0x4D0] =	vst v8  }
0x175: {  	v8 =	vld.idx.msk [tilespmem:v4+s6+$0x0], $0xffff;
	[tilespmem:s24+$0x4D0] =	vst v10  }
0x176: {  	s15 =	simm.s32 $0x14390;
	s29 =	sor.u32 $0x1, s30;
	[tilespmem:s31+$0x380] =	vst v15;
	v10 =	vld.idx.msk [tilespmem:v2+s6+$0x0], $0xffff  }
0x177: {  	s16 =	sor.u32 $0x2, s30;
	v16 =	vmov s29;
	s2 =	sor.u32 $0x3, s30;
	v15 =	vld.idx.msk [tilespmem:v9+s15+$0x0], $0xffff;
	[tilespmem:s21+$0x4D0] =	vst v11  }
0x178: {  	s7 =	sor.u32 $0x7, s30;
	v17 =	vmov s2;
	v11 =	vand.u32 $0xFFFFFFF9, v16;
	v16 =	vmov s16;
	[tilespmem:s23+$0x4E0] =	vst v12;
	v12 =	vld.idx.msk [tilespmem:v3+s6+$0x0], $0xffff  }
0x179: {  	s17 =	sor.u32 $0x4, s30;
	v18 =	vmov s7;
	v11 =	vbroadcast v11, $0x0;
	v16 =	vand.u32 $0xFFFFFFFA, v16;
	v19 =	vld.idx.msk [tilespmem:v1+s6+$0x0], $0xffff;
	[tilespmem:s25+$0x4E0] =	vst v13  }
0x17a: {  	s18 =	sor.u32 $0x5, s30;
	v13 =	vbroadcast v16, $0x0;
	v16 =	vand.u32 $0xFFFFFFFB, v17;
	v17 =	vmov s17;
	v7 =	vld.idx.msk [tilespmem:v7+s4+$0x0], $0xffff;
	[tilespmem:s26+$0x4E0] =	vst v14  }
0x17b: {  	s6 =	sor.u32 $0x6, s30;
	v14 =	vbroadcast v16, $0x0;
	v16 =	vand.u32 $0xFFFFFFFC, v17;
	v17 =	vmov s18;
	v6 =	vld.idx.msk [tilespmem:v6+s4+$0x0], $0xffff;
	[tilespmem:s28+$0x4E0] =	vst v8  }
0x17c: {  	v8 =	vbroadcast v16, $0x0;
	v16 =	vand.u32 $0xFFFFFFFD, v17;
	v17 =	vmov s6;
	v5 =	vld.idx.msk [tilespmem:v5+s4+$0x0], $0xffff;
	[tilespmem:s22+$0x4E0] =	vst v10  }
0x17d: {  	v10 =	vbroadcast v16, $0x0;
	[tilespmem:s31+$0x390] =	vst v15;
	v15 =	vand.u32 $0xFFFFFFFE, v17;
	v4 =	vld.idx.msk [tilespmem:v4+s4+$0x0], $0xffff  }
0x17e: {  	v15 =	vbroadcast v15, $0x0;
	v16 =	vld.idx.msk [tilespmem:v18+s1+$0x0], $0xffff;
	[tilespmem:s24+$0x4E0] =	vst v12  }
0x17f: {  	v11 =	vld.idx.msk [tilespmem:v11+s1+$0x0], $0xffff;
	[tilespmem:s21+$0x4E0] =	vst v19  }
0x180: {  	v12 =	vld.idx.msk [tilespmem:v13+s1+$0x0], $0xffff;
	[tilespmem:s23+$0x4F0] =	vst v7  }
0x181: {  	v13 =	vld.idx.msk [tilespmem:v14+s1+$0x0], $0xffff;
	[tilespmem:s25+$0x4F0] =	vst v6  }
0x182: {  	v14 =	vld.idx.msk [tilespmem:v8+s1+$0x0], $0xffff;
	[tilespmem:s26+$0x4F0] =	vst v5  }
0x183: {  	v10 =	vld.idx.msk [tilespmem:v10+s1+$0x0], $0xffff;
	[tilespmem:s28+$0x4F0] =	vst v4  }
0x184: {  	v8 =	vadd.s32 v0, v16;
	v15 =	vld.idx.msk [tilespmem:v15+s1+$0x0], $0xffff;
	s1 =	simm.s32 $0x143A0  }
0x185: {  	v7 =	vadd.s32 v0, v11;
	v16 =	vld.idx.msk [tilespmem:v9+s1+$0x0], $0xffff  }
0x186: {  	v6 =	vadd.s32 v0, v12;
	v11 =	vld.idx.msk [tilespmem:v2+s4+$0x0], $0xffff  }
0x187: {  	v5 =	vadd.s32 v0, v13;
	v12 =	vld.idx.msk [tilespmem:v3+s4+$0x0], $0xffff  }
0x188: {  	v4 =	vadd.s32 v0, v14;
	v13 =	vld.idx.msk [tilespmem:v1+s4+$0x0], $0xffff;
	v1 =	vmov v9  }
0x189: {  	v2 =	vadd.s32 v0, v10;
	v9 =	vld.idx.msk [tilespmem:v8+s8+$0x0], $0xffff  }
0x18a: {  	v3 =	vadd.s32 v0, v15;
	v10 =	vld.idx.msk [tilespmem:v7+s8+$0x0], $0xffff  }
0x18b: {  	[tilespmem:s31+$0x3A0] =	vst v16;
	v14 =	vld.idx.msk [tilespmem:v6+s8+$0x0], $0xffff  }
0x18c: {  	s7 =	sshll.u32 s7, $0x9;
	v15 =	vld.idx.msk [tilespmem:v5+s8+$0x0], $0xffff;
	[tilespmem:s22+$0x4F0] =	vst v11  }
0x18d: {  	s22 =	sshll.u32 s29, $0x9;
	s29 =	sand.u32 $0x3FFFFE00, s7;
	v11 =	vld.idx.msk [tilespmem:v4+s8+$0x0], $0xffff;
	[tilespmem:s24+$0x4F0] =	vst v12  }
0x18e: {  	v12 =	vld.idx.msk [tilespmem:v2+s8+$0x0], $0xffff;
	s8 =	simm.s32 $0x143F0;
	[tilespmem:s21+$0x4F0] =	vst v13;
	s21 =	smov.u32 s31;
	s31 =	simm.s32 $0x14300  }
0x18f: {  	s7 =	sshll.u32 s16, $0x9;
	s16 =	simm.s32 $0x14420;
	s23 =	sand.u32 $0x3FFFFE00, s22;
	v13 =	vld.idx.msk [tilespmem:v3+s31+$0x0], $0xffff;
	[tilespmem:s29+$0x300] =	vst v9  }
0x190: {  	s2 =	sshll.u32 s2, $0x9;
	s25 =	sand.u32 $0x3FFFFE00, s7;
	s7 =	simm.s32 $0x14410;
	[tilespmem:s23+$0x300] =	vst v10;
	v9 =	vld.idx.msk [tilespmem:v8+s20+$0x0], $0xffff  }
0x191: {  	s26 =	sand.u32 $0x3FFFFE00, s2;
	s2 =	sshll.u32 s17, $0x9;
	s17 =	simm.s32 $0x14430;
	v10 =	vld.idx.msk [tilespmem:v7+s20+$0x0], $0xffff;
	[tilespmem:s25+$0x300] =	vst v14  }
0x192: {  	s28 =	sand.u32 $0x3FFFFE00, s2;
	s2 =	sshll.u32 s18, $0x9;
	s18 =	simm.s32 $0x14440;
	v14 =	vld.idx.msk [tilespmem:v6+s20+$0x0], $0xffff;
	[tilespmem:s26+$0x300] =	vst v15  }
0x193: {  	s22 =	sand.u32 $0x3FFFFE00, s2;
	s2 =	sshll.u32 s6, $0x9;
	v15 =	vld.idx.msk [tilespmem:v5+s20+$0x0], $0xffff;
	[tilespmem:s28+$0x300] =	vst v11  }
0x194: {  	s24 =	sand.u32 $0x3FFFFE00, s2;
	v11 =	vld.idx.msk [tilespmem:v4+s20+$0x0], $0xffff;
	[tilespmem:s22+$0x300] =	vst v12  }
0x195: {  	v12 =	vld.idx.msk [tilespmem:v2+s20+$0x0], $0xffff;
	[tilespmem:s24+$0x300] =	vst v13  }
0x196: {  	v13 =	vld.idx.msk [tilespmem:v3+s20+$0x0], $0xffff;
	[tilespmem:s29+$0x310] =	vst v9  }
0x197: {  	[tilespmem:s23+$0x310] =	vst v10;
	v9 =	vld.idx.msk [tilespmem:v8+s19+$0x0], $0xffff  }
0x198: {  	v10 =	vld.idx.msk [tilespmem:v7+s19+$0x0], $0xffff;
	[tilespmem:s25+$0x310] =	vst v14  }
0x199: {  	v14 =	vld.idx.msk [tilespmem:v6+s19+$0x0], $0xffff;
	[tilespmem:s26+$0x310] =	vst v15  }
0x19a: {  	v15 =	vld.idx.msk [tilespmem:v5+s19+$0x0], $0xffff;
	[tilespmem:s28+$0x310] =	vst v11  }
0x19b: {  	v11 =	vld.idx.msk [tilespmem:v4+s19+$0x0], $0xffff;
	[tilespmem:s22+$0x310] =	vst v12  }
0x19c: {  	v12 =	vld.idx.msk [tilespmem:v2+s19+$0x0], $0xffff;
	[tilespmem:s24+$0x310] =	vst v13  }
0x19d: {  	v13 =	vld.idx.msk [tilespmem:v3+s19+$0x0], $0xffff;
	[tilespmem:s29+$0x320] =	vst v9  }
0x19e: {  	[tilespmem:s23+$0x320] =	vst v10;
	v9 =	vld.idx.msk [tilespmem:v8+s12+$0x0], $0xffff  }
0x19f: {  	v10 =	vld.idx.msk [tilespmem:v7+s12+$0x0], $0xffff;
	[tilespmem:s25+$0x320] =	vst v14  }
0x1a0: {  	v14 =	vld.idx.msk [tilespmem:v6+s12+$0x0], $0xffff;
	[tilespmem:s26+$0x320] =	vst v15  }
0x1a1: {  	v15 =	vld.idx.msk [tilespmem:v5+s12+$0x0], $0xffff;
	[tilespmem:s28+$0x320] =	vst v11  }
0x1a2: {  	v11 =	vld.idx.msk [tilespmem:v4+s12+$0x0], $0xffff;
	[tilespmem:s22+$0x320] =	vst v12  }
0x1a3: {  	v12 =	vld.idx.msk [tilespmem:v2+s12+$0x0], $0xffff;
	[tilespmem:s24+$0x320] =	vst v13  }
0x1a4: {  	v13 =	vld.idx.msk [tilespmem:v3+s12+$0x0], $0xffff;
	[tilespmem:s29+$0x330] =	vst v9  }
0x1a5: {  	[tilespmem:s23+$0x330] =	vst v10;
	v9 =	vld.idx.msk [tilespmem:v8+s13+$0x0], $0xffff  }
0x1a6: {  	v10 =	vld.idx.msk [tilespmem:v7+s13+$0x0], $0xffff;
	[tilespmem:s25+$0x330] =	vst v14  }
0x1a7: {  	v14 =	vld.idx.msk [tilespmem:v6+s13+$0x0], $0xffff;
	[tilespmem:s26+$0x330] =	vst v15  }
0x1a8: {  	v15 =	vld.idx.msk [tilespmem:v5+s13+$0x0], $0xffff;
	[tilespmem:s28+$0x330] =	vst v11  }
0x1a9: {  	v11 =	vld.idx.msk [tilespmem:v4+s13+$0x0], $0xffff;
	[tilespmem:s22+$0x330] =	vst v12  }
0x1aa: {  	v12 =	vld.idx.msk [tilespmem:v2+s13+$0x0], $0xffff;
	[tilespmem:s24+$0x330] =	vst v13  }
0x1ab: {  	v13 =	vld.idx.msk [tilespmem:v3+s13+$0x0], $0xffff;
	[tilespmem:s29+$0x340] =	vst v9  }
0x1ac: {  	[tilespmem:s23+$0x340] =	vst v10;
	v9 =	vld.idx.msk [tilespmem:v8+s10+$0x0], $0xffff  }
0x1ad: {  	v10 =	vld.idx.msk [tilespmem:v7+s10+$0x0], $0xffff;
	[tilespmem:s25+$0x340] =	vst v14  }
0x1ae: {  	v14 =	vld.idx.msk [tilespmem:v6+s10+$0x0], $0xffff;
	[tilespmem:s26+$0x340] =	vst v15  }
0x1af: {  	v15 =	vld.idx.msk [tilespmem:v5+s10+$0x0], $0xffff;
	[tilespmem:s28+$0x340] =	vst v11  }
0x1b0: {  	v11 =	vld.idx.msk [tilespmem:v4+s10+$0x0], $0xffff;
	[tilespmem:s22+$0x340] =	vst v12  }
0x1b1: {  	v12 =	vld.idx.msk [tilespmem:v2+s10+$0x0], $0xffff;
	[tilespmem:s24+$0x340] =	vst v13  }
0x1b2: {  	v13 =	vld.idx.msk [tilespmem:v3+s10+$0x0], $0xffff;
	[tilespmem:s29+$0x350] =	vst v9  }
0x1b3: {  	[tilespmem:s23+$0x350] =	vst v10;
	v9 =	vld.idx.msk [tilespmem:v8+s3+$0x0], $0xffff  }
0x1b4: {  	v10 =	vld.idx.msk [tilespmem:v7+s3+$0x0], $0xffff;
	[tilespmem:s25+$0x350] =	vst v14  }
0x1b5: {  	v14 =	vld.idx.msk [tilespmem:v6+s3+$0x0], $0xffff;
	[tilespmem:s26+$0x350] =	vst v15  }
0x1b6: {  	v15 =	vld.idx.msk [tilespmem:v5+s3+$0x0], $0xffff;
	[tilespmem:s28+$0x350] =	vst v11  }
0x1b7: {  	v11 =	vld.idx.msk [tilespmem:v4+s3+$0x0], $0xffff;
	[tilespmem:s22+$0x350] =	vst v12  }
0x1b8: {  	v12 =	vld.idx.msk [tilespmem:v2+s3+$0x0], $0xffff;
	[tilespmem:s24+$0x350] =	vst v13  }
0x1b9: {  	v13 =	vld.idx.msk [tilespmem:v3+s3+$0x0], $0xffff;
	[tilespmem:s29+$0x360] =	vst v9  }
0x1ba: {  	[tilespmem:s23+$0x360] =	vst v10;
	v9 =	vld.idx.msk [tilespmem:v8+s11+$0x0], $0xffff  }
0x1bb: {  	v10 =	vld.idx.msk [tilespmem:v7+s11+$0x0], $0xffff;
	[tilespmem:s25+$0x360] =	vst v14  }
0x1bc: {  	v14 =	vld.idx.msk [tilespmem:v6+s11+$0x0], $0xffff;
	[tilespmem:s26+$0x360] =	vst v15  }
0x1bd: {  	v15 =	vld.idx.msk [tilespmem:v5+s11+$0x0], $0xffff;
	[tilespmem:s28+$0x360] =	vst v11  }
0x1be: {  	v11 =	vld.idx.msk [tilespmem:v4+s11+$0x0], $0xffff;
	[tilespmem:s22+$0x360] =	vst v12  }
0x1bf: {  	v12 =	vld.idx.msk [tilespmem:v2+s11+$0x0], $0xffff;
	[tilespmem:s24+$0x360] =	vst v13  }
0x1c0: {  	v13 =	vld.idx.msk [tilespmem:v3+s11+$0x0], $0xffff;
	[tilespmem:s29+$0x370] =	vst v9  }
0x1c1: {  	[tilespmem:s23+$0x370] =	vst v10;
	v9 =	vld.idx.msk [tilespmem:v8+s5+$0x0], $0xffff  }
0x1c2: {  	v10 =	vld.idx.msk [tilespmem:v7+s5+$0x0], $0xffff;
	[tilespmem:s25+$0x370] =	vst v14  }
0x1c3: {  	v14 =	vld.idx.msk [tilespmem:v6+s5+$0x0], $0xffff;
	[tilespmem:s26+$0x370] =	vst v15  }
0x1c4: {  	v15 =	vld.idx.msk [tilespmem:v5+s5+$0x0], $0xffff;
	[tilespmem:s28+$0x370] =	vst v11  }
0x1c5: {  	v11 =	vld.idx.msk [tilespmem:v4+s5+$0x0], $0xffff;
	[tilespmem:s22+$0x370] =	vst v12  }
0x1c6: {  	v12 =	vld.idx.msk [tilespmem:v2+s5+$0x0], $0xffff;
	[tilespmem:s24+$0x370] =	vst v13  }
0x1c7: {  	v13 =	vld.idx.msk [tilespmem:v3+s5+$0x0], $0xffff;
	[tilespmem:s29+$0x380] =	vst v9  }
0x1c8: {  	[tilespmem:s23+$0x380] =	vst v10;
	v9 =	vld.idx.msk [tilespmem:v8+s15+$0x0], $0xffff  }
0x1c9: {  	v10 =	vld.idx.msk [tilespmem:v7+s15+$0x0], $0xffff;
	[tilespmem:s25+$0x380] =	vst v14  }
0x1ca: {  	v14 =	vld.idx.msk [tilespmem:v6+s15+$0x0], $0xffff;
	[tilespmem:s26+$0x380] =	vst v15  }
0x1cb: {  	v15 =	vld.idx.msk [tilespmem:v5+s15+$0x0], $0xffff;
	[tilespmem:s28+$0x380] =	vst v11  }
0x1cc: {  	v11 =	vld.idx.msk [tilespmem:v4+s15+$0x0], $0xffff;
	[tilespmem:s22+$0x380] =	vst v12  }
0x1cd: {  	v12 =	vld.idx.msk [tilespmem:v2+s15+$0x0], $0xffff;
	[tilespmem:s24+$0x380] =	vst v13  }
0x1ce: {  	v13 =	vld.idx.msk [tilespmem:v3+s15+$0x0], $0xffff;
	[tilespmem:s29+$0x390] =	vst v9  }
0x1cf: {  	[tilespmem:s23+$0x390] =	vst v10;
	v9 =	vld.idx.msk [tilespmem:v8+s1+$0x0], $0xffff  }
0x1d0: {  	v10 =	vld.idx.msk [tilespmem:v7+s1+$0x0], $0xffff;
	[tilespmem:s25+$0x390] =	vst v14  }
0x1d1: {  	v14 =	vld.idx.msk [tilespmem:v6+s1+$0x0], $0xffff;
	[tilespmem:s26+$0x390] =	vst v15  }
0x1d2: {  	v15 =	vld.idx.msk [tilespmem:v5+s1+$0x0], $0xffff;
	[tilespmem:s28+$0x390] =	vst v11  }
0x1d3: {  	v11 =	vld.idx.msk [tilespmem:v4+s1+$0x0], $0xffff;
	[tilespmem:s22+$0x390] =	vst v12  }
0x1d4: {  	v12 =	vld.idx.msk [tilespmem:v2+s1+$0x0], $0xffff;
	[tilespmem:s24+$0x390] =	vst v13  }
0x1d5: {  	v13 =	vld.idx.msk [tilespmem:v3+s1+$0x0], $0xffff;
	[tilespmem:s29+$0x3A0] =	vst v9;
	s1 =	simm.s32 $0x143B0  }
0x1d6: {  	[tilespmem:s23+$0x3A0] =	vst v10;
	v9 =	vld.idx.msk [tilespmem:v8+s1+$0x0], $0xffff  }
0x1d7: {  	v10 =	vld.idx.msk [tilespmem:v7+s1+$0x0], $0xffff;
	[tilespmem:s25+$0x3A0] =	vst v14  }
0x1d8: {  	v14 =	vld.idx.msk [tilespmem:v6+s1+$0x0], $0xffff;
	[tilespmem:s26+$0x3A0] =	vst v15  }
0x1d9: {  	v15 =	vld.idx.msk [tilespmem:v5+s1+$0x0], $0xffff;
	[tilespmem:s28+$0x3A0] =	vst v11  }
0x1da: {  	v11 =	vld.idx.msk [tilespmem:v4+s1+$0x0], $0xffff;
	[tilespmem:s22+$0x3A0] =	vst v12  }
0x1db: {  	v12 =	vld.idx.msk [tilespmem:v2+s1+$0x0], $0xffff;
	[tilespmem:s24+$0x3A0] =	vst v13  }
0x1dc: {  	s2 =	simm.s32 $0x143C0;
	v13 =	vld.idx.msk [tilespmem:v3+s1+$0x0], $0xffff;
	[tilespmem:s29+$0x3B0] =	vst v9  }
0x1dd: {  	[tilespmem:s23+$0x3B0] =	vst v10;
	v9 =	vld.idx.msk [tilespmem:v8+s2+$0x0], $0xffff  }
0x1de: {  	v10 =	vld.idx.msk [tilespmem:v1+s1+$0x0], $0xffff;
	[tilespmem:s25+$0x3B0] =	vst v14  }
0x1df: {  	v14 =	vld.idx.msk [tilespmem:v7+s2+$0x0], $0xffff;
	[tilespmem:s26+$0x3B0] =	vst v15  }
0x1e0: {  	v15 =	vld.idx.msk [tilespmem:v6+s2+$0x0], $0xffff;
	[tilespmem:s28+$0x3B0] =	vst v11  }
0x1e1: {  	v11 =	vld.idx.msk [tilespmem:v5+s2+$0x0], $0xffff;
	[tilespmem:s22+$0x3B0] =	vst v12  }
0x1e2: {  	v12 =	vld.idx.msk [tilespmem:v4+s2+$0x0], $0xffff;
	[tilespmem:s24+$0x3B0] =	vst v13  }
0x1e3: {  	v13 =	vld.idx.msk [tilespmem:v2+s2+$0x0], $0xffff;
	[tilespmem:s29+$0x3C0] =	vst v9  }
0x1e4: {  	[tilespmem:s21+$0x3B0] =	vst v10;
	v9 =	vld.idx.msk [tilespmem:v8+s14+$0x0], $0xffff  }
0x1e5: {  	[tilespmem:s23+$0x3C0] =	vst v14;
	v10 =	vld.idx.msk [tilespmem:v3+s2+$0x0], $0xffff  }
0x1e6: {  	v14 =	vld.idx.msk [tilespmem:v1+s2+$0x0], $0xffff;
	[tilespmem:s25+$0x3C0] =	vst v15  }
0x1e7: {  	v15 =	vld.idx.msk [tilespmem:v7+s14+$0x0], $0xffff;
	[tilespmem:s26+$0x3C0] =	vst v11  }
0x1e8: {  	v11 =	vld.idx.msk [tilespmem:v6+s14+$0x0], $0xffff;
	[tilespmem:s28+$0x3C0] =	vst v12  }
0x1e9: {  	v12 =	vld.idx.msk [tilespmem:v5+s14+$0x0], $0xffff;
	[tilespmem:s22+$0x3C0] =	vst v13  }
0x1ea: {  	v13 =	vld.idx.msk [tilespmem:v4+s14+$0x0], $0xffff;
	[tilespmem:s29+$0x3D0] =	vst v9  }
0x1eb: {  	[tilespmem:s24+$0x3C0] =	vst v10;
	v9 =	vld.idx.msk [tilespmem:v8+s9+$0x0], $0xffff  }
0x1ec: {  	[tilespmem:s21+$0x3C0] =	vst v14;
	v10 =	vld.idx.msk [tilespmem:v2+s14+$0x0], $0xffff  }
0x1ed: {  	[tilespmem:s23+$0x3D0] =	vst v15;
	v14 =	vld.idx.msk [tilespmem:v3+s14+$0x0], $0xffff  }
0x1ee: {  	v15 =	vld.idx.msk [tilespmem:v1+s14+$0x0], $0xffff;
	[tilespmem:s25+$0x3D0] =	vst v11  }
0x1ef: {  	v11 =	vld.idx.msk [tilespmem:v7+s9+$0x0], $0xffff;
	[tilespmem:s26+$0x3D0] =	vst v12  }
0x1f0: {  	v12 =	vld.idx.msk [tilespmem:v6+s9+$0x0], $0xffff;
	[tilespmem:s28+$0x3D0] =	vst v13  }
0x1f1: {  	v13 =	vld.idx.msk [tilespmem:v5+s9+$0x0], $0xffff;
	[tilespmem:s29+$0x3E0] =	vst v9  }
0x1f2: {  	[tilespmem:s22+$0x3D0] =	vst v10;
	v9 =	vld.idx.msk [tilespmem:v8+s8+$0x0], $0xffff  }
0x1f3: {  	v10 =	vld.idx.msk [tilespmem:v4+s9+$0x0], $0xffff;
	[tilespmem:s24+$0x3D0] =	vst v14  }
0x1f4: {  	[tilespmem:s21+$0x3D0] =	vst v15;
	v14 =	vld.idx.msk [tilespmem:v2+s9+$0x0], $0xffff  }
0x1f5: {  	[tilespmem:s23+$0x3E0] =	vst v11;
	v11 =	vld.idx.msk [tilespmem:v3+s9+$0x0], $0xffff  }
0x1f6: {  	v15 =	vld.idx.msk [tilespmem:v1+s9+$0x0], $0xffff;
	[tilespmem:s25+$0x3E0] =	vst v12  }
0x1f7: {  	v12 =	vld.idx.msk [tilespmem:v7+s8+$0x0], $0xffff;
	[tilespmem:s26+$0x3E0] =	vst v13  }
0x1f8: {  	v13 =	vld.idx.msk [tilespmem:v6+s8+$0x0], $0xffff;
	[tilespmem:s29+$0x3F0] =	vst v9  }
0x1f9: {  	[tilespmem:s28+$0x3E0] =	vst v10;
	v9 =	vld.idx.msk [tilespmem:v8+s0+$0x0], $0xffff  }
0x1fa: {  	v10 =	vld.idx.msk [tilespmem:v5+s8+$0x0], $0xffff;
	[tilespmem:s22+$0x3E0] =	vst v14  }
0x1fb: {  	v14 =	vld.idx.msk [tilespmem:v4+s8+$0x0], $0xffff;
	[tilespmem:s24+$0x3E0] =	vst v11  }
0x1fc: {  	[tilespmem:s21+$0x3E0] =	vst v15;
	v11 =	vld.idx.msk [tilespmem:v2+s8+$0x0], $0xffff  }
0x1fd: {  	[tilespmem:s23+$0x3F0] =	vst v12;
	v12 =	vld.idx.msk [tilespmem:v3+s8+$0x0], $0xffff  }
0x1fe: {  	v15 =	vld.idx.msk [tilespmem:v1+s8+$0x0], $0xffff;
	[tilespmem:s25+$0x3F0] =	vst v13  }
0x1ff: {  	v13 =	vld.idx.msk [tilespmem:v7+s0+$0x0], $0xffff;
	[tilespmem:s29+$0x400] =	vst v9  }
0x200: {  	[tilespmem:s26+$0x3F0] =	vst v10;
	v9 =	vld.idx.msk [tilespmem:v8+s7+$0x0], $0xffff  }
0x201: {  	v10 =	vld.idx.msk [tilespmem:v6+s0+$0x0], $0xffff;
	[tilespmem:s28+$0x3F0] =	vst v14  }
0x202: {  	v14 =	vld.idx.msk [tilespmem:v5+s0+$0x0], $0xffff;
	[tilespmem:s22+$0x3F0] =	vst v11  }
0x203: {  	v11 =	vld.idx.msk [tilespmem:v4+s0+$0x0], $0xffff;
	[tilespmem:s24+$0x3F0] =	vst v12  }
0x204: {  	[tilespmem:s21+$0x3F0] =	vst v15;
	v12 =	vld.idx.msk [tilespmem:v2+s0+$0x0], $0xffff  }
0x205: {  	[tilespmem:s23+$0x400] =	vst v13;
	v13 =	vld.idx.msk [tilespmem:v3+s0+$0x0], $0xffff  }
0x206: {  	v15 =	vld.idx.msk [tilespmem:v1+s0+$0x0], $0xffff;
	[tilespmem:s29+$0x410] =	vst v9  }
0x207: {  	[tilespmem:s25+$0x400] =	vst v10;
	v9 =	vld.idx.msk [tilespmem:v8+s16+$0x0], $0xffff  }
0x208: {  	v10 =	vld.idx.msk [tilespmem:v7+s7+$0x0], $0xffff;
	[tilespmem:s26+$0x400] =	vst v14  }
0x209: {  	v14 =	vld.idx.msk [tilespmem:v6+s7+$0x0], $0xffff;
	[tilespmem:s28+$0x400] =	vst v11  }
0x20a: {  	v11 =	vld.idx.msk [tilespmem:v5+s7+$0x0], $0xffff;
	[tilespmem:s22+$0x400] =	vst v12  }
0x20b: {  	v12 =	vld.idx.msk [tilespmem:v4+s7+$0x0], $0xffff;
	[tilespmem:s24+$0x400] =	vst v13  }
0x20c: {  	[tilespmem:s21+$0x400] =	vst v15;
	v13 =	vld.idx.msk [tilespmem:v2+s7+$0x0], $0xffff  }
0x20d: {  	v15 =	vld.idx.msk [tilespmem:v3+s7+$0x0], $0xffff;
	[tilespmem:s29+$0x420] =	vst v9  }
0x20e: {  	[tilespmem:s23+$0x410] =	vst v10;
	v9 =	vld.idx.msk [tilespmem:v8+s17+$0x0], $0xffff  }
0x20f: {  	v10 =	vld.idx.msk [tilespmem:v1+s7+$0x0], $0xffff;
	[tilespmem:s25+$0x410] =	vst v14  }
0x210: {  	v14 =	vld.idx.msk [tilespmem:v7+s16+$0x0], $0xffff;
	[tilespmem:s26+$0x410] =	vst v11  }
0x211: {  	v11 =	vld.idx.msk [tilespmem:v6+s16+$0x0], $0xffff;
	[tilespmem:s28+$0x410] =	vst v12  }
0x212: {  	v12 =	vld.idx.msk [tilespmem:v5+s16+$0x0], $0xffff;
	[tilespmem:s22+$0x410] =	vst v13  }
0x213: {  	v13 =	vld.idx.msk [tilespmem:v4+s16+$0x0], $0xffff;
	[tilespmem:s24+$0x410] =	vst v15  }
0x214: {  	v15 =	vld.idx.msk [tilespmem:v2+s16+$0x0], $0xffff;
	[tilespmem:s29+$0x430] =	vst v9  }
0x215: {  	[tilespmem:s21+$0x410] =	vst v10;
	v9 =	vld.idx.msk [tilespmem:v8+s18+$0x0], $0xffff  }
0x216: {  	[tilespmem:s23+$0x420] =	vst v14;
	v10 =	vld.idx.msk [tilespmem:v3+s16+$0x0], $0xffff  }
0x217: {  	s6 =	simm.s32 $0x14460;
	s7 =	simm.s32 $0x14450;
	v14 =	vld.idx.msk [tilespmem:v1+s16+$0x0], $0xffff;
	s16 =	simm.s32 $0x14470;
	[tilespmem:s25+$0x420] =	vst v11  }
0x218: {  	v11 =	vld.idx.msk [tilespmem:v7+s17+$0x0], $0xffff;
	[tilespmem:s26+$0x420] =	vst v12  }
0x219: {  	v12 =	vld.idx.msk [tilespmem:v6+s17+$0x0], $0xffff;
	[tilespmem:s28+$0x420] =	vst v13  }
0x21a: {  	v13 =	vld.idx.msk [tilespmem:v5+s17+$0x0], $0xffff;
	[tilespmem:s22+$0x420] =	vst v15  }
0x21b: {  	v15 =	vld.idx.msk [tilespmem:v4+s17+$0x0], $0xffff;
	[tilespmem:s29+$0x440] =	vst v9  }
0x21c: {  	[tilespmem:s24+$0x420] =	vst v10;
	v9 =	vld.idx.msk [tilespmem:v8+s7+$0x0], $0xffff  }
0x21d: {  	[tilespmem:s21+$0x420] =	vst v14;
	v10 =	vld.idx.msk [tilespmem:v2+s17+$0x0], $0xffff  }
0x21e: {  	[tilespmem:s23+$0x430] =	vst v11;
	v11 =	vld.idx.msk [tilespmem:v3+s17+$0x0], $0xffff  }
0x21f: {  	v14 =	vld.idx.msk [tilespmem:v1+s17+$0x0], $0xffff;
	[tilespmem:s25+$0x430] =	vst v12  }
0x220: {  	v12 =	vld.idx.msk [tilespmem:v7+s18+$0x0], $0xffff;
	[tilespmem:s26+$0x430] =	vst v13  }
0x221: {  	v13 =	vld.idx.msk [tilespmem:v6+s18+$0x0], $0xffff;
	[tilespmem:s28+$0x430] =	vst v15  }
0x222: {  	v15 =	vld.idx.msk [tilespmem:v5+s18+$0x0], $0xffff;
	[tilespmem:s29+$0x450] =	vst v9  }
0x223: {  	[tilespmem:s22+$0x430] =	vst v10;
	v10 =	vld.idx.msk [tilespmem:v8+s6+$0x0], $0xffff  }
0x224: {  	v16 =	vld.idx.msk [tilespmem:v4+s18+$0x0], $0xffff;
	[tilespmem:s24+$0x430] =	vst v11  }
0x225: {  	[tilespmem:s21+$0x430] =	vst v14;
	v11 =	vld.idx.msk [tilespmem:v2+s18+$0x0], $0xffff  }
0x226: {  	[tilespmem:s23+$0x440] =	vst v12;
	v17 =	vld.idx.msk [tilespmem:v3+s18+$0x0], $0xffff  }
0x227: {  	v14 =	vld.idx.msk [tilespmem:v1+s18+$0x0], $0xffff;
	[tilespmem:s25+$0x440] =	vst v13  }
.Ltmp4:
0x228: {  	v12 =	vld.idx.msk [tilespmem:v7+s7+$0x0], $0xffff;
	[tilespmem:s26+$0x440] =	vst v15;
	(pc) =	sbr.rel @p2 .LBB2_3-.Ltmp4, $4  }
0x229: {  	v9 =	vld.idx.msk [tilespmem:v6+s7+$0x0], $0xffff;
	[tilespmem:s29+$0x460] =	vst v10  }
0x22a: {  	[tilespmem:s28+$0x440] =	vst v16;
	v13 =	vld.idx.msk [tilespmem:v8+s16+$0x0], $0xffff  }
0x22b: {  	v10 =	vld.idx.msk [tilespmem:v5+s7+$0x0], $0xffff;
	[tilespmem:s22+$0x440] =	vst v11  }
0x22c: {  	s30 =	sadd.s32 $0x8, s30;
	v11 =	vld.idx.msk [tilespmem:v4+s7+$0x0], $0xffff;
	[tilespmem:s24+$0x440] =	vst v17  }
0x22d: {  	_ =	sdelay $0x2  }
0x22e: {  	[tilespmem:s21+$0x440] =	vst v14  }
0x22f: {  	v43 =	vld.idx.msk [tilespmem:v2+s7+$0x0], $0xffff;
	[tilespmem:s23+$0x450] =	vst v12  }
0x230: {  	v44 =	vld.idx.msk [tilespmem:v3+s7+$0x0], $0xffff;
	[tilespmem:s25+$0x450] =	vst v9  }
0x231: {  	v45 =	vld.idx.msk [tilespmem:v1+s7+$0x0], $0xffff;
	[tilespmem:s29+$0x470] =	vst v13  }
0x232: {  	v46 =	vld.idx.msk [tilespmem:v7+s6+$0x0], $0xffff;
	[tilespmem:s26+$0x450] =	vst v10  }
0x233: {  	s2 =	simm.s32 $0x14480;
	v48 =	vld.idx.msk [tilespmem:v6+s6+$0x0], $0xffff;
	[tilespmem:s28+$0x450] =	vst v11  }
0x234: {  	v47 =	vld.idx.msk [tilespmem:v8+s2+$0x0], $0xffff;
	[tilespmem:s22+$0x450] =	vst v43  }
0x235: {  	v49 =	vld.idx.msk [tilespmem:v5+s6+$0x0], $0xffff;
	[tilespmem:s24+$0x450] =	vst v44  }
0x236: {  	v50 =	vld.idx.msk [tilespmem:v4+s6+$0x0], $0xffff;
	[tilespmem:s21+$0x450] =	vst v45  }
0x237: {  	[tilespmem:s23+$0x460] =	vst v46;
	v51 =	vld.idx.msk [tilespmem:v2+s6+$0x0], $0xffff  }
0x238: {  	v52 =	vld.idx.msk [tilespmem:v3+s6+$0x0], $0xffff;
	[tilespmem:s25+$0x460] =	vst v48  }
0x239: {  	v53 =	vld.idx.msk [tilespmem:v1+s6+$0x0], $0xffff;
	[tilespmem:s29+$0x480] =	vst v47  }
0x23a: {  	v54 =	vld.idx.msk [tilespmem:v7+s16+$0x0], $0xffff;
	[tilespmem:s26+$0x460] =	vst v49  }
0x23b: {  	s1 =	simm.s32 $0x14490;
	v55 =	vld.idx.msk [tilespmem:v6+s16+$0x0], $0xffff;
	[tilespmem:s28+$0x460] =	vst v50  }
0x23c: {  	v10 =	vld.idx.msk [tilespmem:v8+s1+$0x0], $0xffff;
	[tilespmem:s22+$0x460] =	vst v51  }
0x23d: {  	v56 =	vld.idx.msk [tilespmem:v5+s16+$0x0], $0xffff;
	[tilespmem:s24+$0x460] =	vst v52  }
0x23e: {  	v57 =	vld.idx.msk [tilespmem:v4+s16+$0x0], $0xffff;
	[tilespmem:s21+$0x460] =	vst v53  }
0x23f: {  	v58 =	vld.idx.msk [tilespmem:v2+s16+$0x0], $0xffff;
	[tilespmem:s23+$0x470] =	vst v54  }
0x240: {  	v60 =	vld.idx.msk [tilespmem:v3+s16+$0x0], $0xffff;
	[tilespmem:s25+$0x470] =	vst v55  }
0x241: {  	v61 =	vld.idx.msk [tilespmem:v1+s16+$0x0], $0xffff;
	[tilespmem:s29+$0x490] =	vst v10  }
0x242: {  	v62 =	vld.idx.msk [tilespmem:v7+s2+$0x0], $0xffff;
	[tilespmem:s26+$0x470] =	vst v56  }
0x243: {  	s0 =	simm.s32 $0x144A0;
	v63 =	vld.idx.msk [tilespmem:v6+s2+$0x0], $0xffff;
	[tilespmem:s28+$0x470] =	vst v57  }
0x244: {  	v59 =	vld.idx.msk [tilespmem:v8+s0+$0x0], $0xffff;
	[tilespmem:s22+$0x470] =	vst v58  }
0x245: {  	v16 =	vld.idx.msk [tilespmem:v5+s2+$0x0], $0xffff;
	[tilespmem:s24+$0x470] =	vst v60  }
0x246: {  	v17 =	vld.idx.msk [tilespmem:v4+s2+$0x0], $0xffff;
	[tilespmem:s21+$0x470] =	vst v61  }
0x247: {  	[tilespmem:s23+$0x480] =	vst v62;
	v18 =	vld.idx.msk [tilespmem:v2+s2+$0x0], $0xffff  }
0x248: {  	v19 =	vld.idx.msk [tilespmem:v3+s2+$0x0], $0xffff;
	[tilespmem:s25+$0x480] =	vst v63  }
0x249: {  	v14 =	vld.idx.msk [tilespmem:v1+s2+$0x0], $0xffff;
	[tilespmem:s29+$0x4A0] =	vst v59  }
0x24a: {  	v20 =	vld.idx.msk [tilespmem:v7+s1+$0x0], $0xffff;
	[tilespmem:s26+$0x480] =	vst v16  }
0x24b: {  	s4 =	simm.s32 $0x144B0;
	v21 =	vld.idx.msk [tilespmem:v6+s1+$0x0], $0xffff;
	[tilespmem:s28+$0x480] =	vst v17  }
0x24c: {  	v11 =	vld.idx.msk [tilespmem:v8+s4+$0x0], $0xffff;
	[tilespmem:s22+$0x480] =	vst v18  }
0x24d: {  	v22 =	vld.idx.msk [tilespmem:v5+s1+$0x0], $0xffff;
	[tilespmem:s24+$0x480] =	vst v19  }
0x24e: {  	v23 =	vld.idx.msk [tilespmem:v4+s1+$0x0], $0xffff;
	[tilespmem:s21+$0x480] =	vst v14  }
0x24f: {  	[tilespmem:s23+$0x490] =	vst v20;
	v24 =	vld.idx.msk [tilespmem:v2+s1+$0x0], $0xffff  }
0x250: {  	v25 =	vld.idx.msk [tilespmem:v3+s1+$0x0], $0xffff;
	[tilespmem:s25+$0x490] =	vst v21  }
0x251: {  	v26 =	vld.idx.msk [tilespmem:v1+s1+$0x0], $0xffff;
	[tilespmem:s29+$0x4B0] =	vst v11  }
0x252: {  	v27 =	vld.idx.msk [tilespmem:v7+s0+$0x0], $0xffff;
	[tilespmem:s26+$0x490] =	vst v22  }
0x253: {  	s3 =	simm.s32 $0x144C0;
	v28 =	vld.idx.msk [tilespmem:v6+s0+$0x0], $0xffff;
	[tilespmem:s28+$0x490] =	vst v23  }
0x254: {  	v11 =	vld.idx.msk [tilespmem:v8+s3+$0x0], $0xffff;
	[tilespmem:s22+$0x490] =	vst v24  }
0x255: {  	v29 =	vld.idx.msk [tilespmem:v5+s0+$0x0], $0xffff;
	[tilespmem:s24+$0x490] =	vst v25  }
0x256: {  	v30 =	vld.idx.msk [tilespmem:v4+s0+$0x0], $0xffff;
	[tilespmem:s21+$0x490] =	vst v26  }
0x257: {  	[tilespmem:s23+$0x4A0] =	vst v27;
	v31 =	vld.idx.msk [tilespmem:v2+s0+$0x0], $0xffff  }
0x258: {  	v32 =	vld.idx.msk [tilespmem:v3+s0+$0x0], $0xffff;
	[tilespmem:s25+$0x4A0] =	vst v28  }
0x259: {  	v33 =	vld.idx.msk [tilespmem:v1+s0+$0x0], $0xffff;
	[tilespmem:s29+$0x4C0] =	vst v11  }
0x25a: {  	v34 =	vld.idx.msk [tilespmem:v7+s4+$0x0], $0xffff;
	[tilespmem:s26+$0x4A0] =	vst v29  }
0x25b: {  	s18 =	simm.s32 $0x144D0;
	v35 =	vld.idx.msk [tilespmem:v6+s4+$0x0], $0xffff;
	[tilespmem:s28+$0x4A0] =	vst v30  }
0x25c: {  	v11 =	vld.idx.msk [tilespmem:v8+s18+$0x0], $0xffff;
	[tilespmem:s22+$0x4A0] =	vst v31  }
0x25d: {  	v37 =	vld.idx.msk [tilespmem:v5+s4+$0x0], $0xffff;
	[tilespmem:s24+$0x4A0] =	vst v32  }
0x25e: {  	v38 =	vld.idx.msk [tilespmem:v4+s4+$0x0], $0xffff;
	[tilespmem:s21+$0x4A0] =	vst v33  }
0x25f: {  	[tilespmem:s23+$0x4B0] =	vst v34;
	v39 =	vld.idx.msk [tilespmem:v2+s4+$0x0], $0xffff  }
0x260: {  	v12 =	vld.idx.msk [tilespmem:v3+s4+$0x0], $0xffff;
	[tilespmem:s25+$0x4B0] =	vst v35  }
0x261: {  	v13 =	vld.idx.msk [tilespmem:v1+s4+$0x0], $0xffff;
	[tilespmem:s29+$0x4D0] =	vst v11  }
0x262: {  	v40 =	vld.idx.msk [tilespmem:v7+s3+$0x0], $0xffff;
	[tilespmem:s26+$0x4B0] =	vst v37  }
0x263: {  	s19 =	simm.s32 $0x144E0;
	v41 =	vld.idx.msk [tilespmem:v6+s3+$0x0], $0xffff;
	[tilespmem:s28+$0x4B0] =	vst v38  }
0x264: {  	v11 =	vld.idx.msk [tilespmem:v8+s19+$0x0], $0xffff;
	[tilespmem:s22+$0x4B0] =	vst v39  }
0x265: {  	v42 =	vld.idx.msk [tilespmem:v5+s3+$0x0], $0xffff;
	[tilespmem:s24+$0x4B0] =	vst v12  }
0x266: {  	v43 =	vld.idx.msk [tilespmem:v4+s3+$0x0], $0xffff;
	[tilespmem:s21+$0x4B0] =	vst v13  }
0x267: {  	v44 =	vld.idx.msk [tilespmem:v2+s3+$0x0], $0xffff;
	[tilespmem:s23+$0x4C0] =	vst v40  }
0x268: {  	v45 =	vld.idx.msk [tilespmem:v3+s3+$0x0], $0xffff;
	[tilespmem:s25+$0x4C0] =	vst v41  }
0x269: {  	v13 =	vld.idx.msk [tilespmem:v1+s3+$0x0], $0xffff;
	[tilespmem:s29+$0x4E0] =	vst v11  }
0x26a: {  	v46 =	vld.idx.msk [tilespmem:v7+s18+$0x0], $0xffff;
	[tilespmem:s26+$0x4C0] =	vst v42  }
0x26b: {  	s20 =	simm.s32 $0x144F0;
	v47 =	vld.idx.msk [tilespmem:v6+s18+$0x0], $0xffff;
	[tilespmem:s28+$0x4C0] =	vst v43  }
0x26c: {  	v36 =	vld.idx.msk [tilespmem:v8+s20+$0x0], $0xffff;
	[tilespmem:s22+$0x4C0] =	vst v44  }
0x26d: {  	v48 =	vld.idx.msk [tilespmem:v5+s18+$0x0], $0xffff;
	[tilespmem:s24+$0x4C0] =	vst v45  }
0x26e: {  	v49 =	vld.idx.msk [tilespmem:v4+s18+$0x0], $0xffff;
	[tilespmem:s21+$0x4C0] =	vst v13  }
0x26f: {  	v50 =	vld.idx.msk [tilespmem:v2+s18+$0x0], $0xffff;
	[tilespmem:s23+$0x4D0] =	vst v46  }
0x270: {  	v51 =	vld.idx.msk [tilespmem:v3+s18+$0x0], $0xffff;
	[tilespmem:s25+$0x4D0] =	vst v47  }
0x271: {  	v52 =	vld.idx.msk [tilespmem:v1+s18+$0x0], $0xffff;
	[tilespmem:s29+$0x4F0] =	vst v36  }
0x272: {  	v53 =	vld.idx.msk [tilespmem:v7+s19+$0x0], $0xffff;
	[tilespmem:s26+$0x4D0] =	vst v48  }
0x273: {  	v54 =	vld.idx.msk [tilespmem:v6+s19+$0x0], $0xffff;
	[tilespmem:s28+$0x4D0] =	vst v49  }
0x274: {  	v55 =	vld.idx.msk [tilespmem:v5+s19+$0x0], $0xffff;
	[tilespmem:s22+$0x4D0] =	vst v50  }
0x275: {  	v56 =	vld.idx.msk [tilespmem:v4+s19+$0x0], $0xffff;
	[tilespmem:s24+$0x4D0] =	vst v51  }
0x276: {  	v57 =	vld.idx.msk [tilespmem:v2+s19+$0x0], $0xffff;
	[tilespmem:s21+$0x4D0] =	vst v52  }
0x277: {  	[tilespmem:s23+$0x4E0] =	vst v53;
	v58 =	vld.idx.msk [tilespmem:v3+s19+$0x0], $0xffff  }
0x278: {  	v59 =	vld.idx.msk [tilespmem:v1+s19+$0x0], $0xffff;
	[tilespmem:s25+$0x4E0] =	vst v54  }
0x279: {  	v60 =	vld.idx.msk [tilespmem:v7+s20+$0x0], $0xffff;
	[tilespmem:s26+$0x4E0] =	vst v55  }
0x27a: {  	v61 =	vld.idx.msk [tilespmem:v6+s20+$0x0], $0xffff;
	[tilespmem:s28+$0x4E0] =	vst v56  }
0x27b: {  	v62 =	vld.idx.msk [tilespmem:v5+s20+$0x0], $0xffff;
	[tilespmem:s22+$0x4E0] =	vst v57  }
0x27c: {  	v63 =	vld.idx.msk [tilespmem:v4+s20+$0x0], $0xffff;
	[tilespmem:s24+$0x4E0] =	vst v58  }
0x27d: {  	[tilespmem:s21+$0x4E0] =	vst v59;
	v2 =	vld.idx.msk [tilespmem:v2+s20+$0x0], $0xffff  }
0x27e: {  	[tilespmem:s23+$0x4F0] =	vst v60;
	v3 =	vld.idx.msk [tilespmem:v3+s20+$0x0], $0xffff  }
0x27f: {  	[tilespmem:s25+$0x4F0] =	vst v61;
	v1 =	vld.idx.msk [tilespmem:v1+s20+$0x0], $0xffff  }
0x280: {  	[tilespmem:s26+$0x4F0] =	vst v62  }
0x281: {  	[tilespmem:s28+$0x4F0] =	vst v63  }
0x282: {  	[tilespmem:s22+$0x4F0] =	vst v2  }
0x283: {  	s25 =	rddreg [dreg:$0x13];
	[tilespmem:s24+$0x4F0] =	vst v3  }
0x284: {  	[tilespmem:s21+$0x4F0] =	vst v1;
	s26 =	smul.u32 $0x1400, s25  }
0x285: {  	s28 =	rddreg [dreg:$0x6]  }
0x286: {  	s30 =	simm.s32 $0x300;
	s29 =	simm.s32 $0x0;
	s2 =	sadd.s32 s28, s26  }
0x287: {  	[hbm4b:s2+s29] =	stream.linear.scatter [tilespmem:s30], [sflag:$0x3], $0xA000, $0x38;
	[tilespmem:$0x19500] =	vst v63  }
0x288: {  	s2 =	sor.u32 $0x20, s25  }
0x289: {  	p2 =	sgt.u32 s2, $0x4E1  }
.Ltmp5:
0x28a: {  	_ = 	snop;
	(pc) =	sbr.rel @p2 .LBB2_8-.Ltmp5, $4  }
0x28b: {  	s9 =	simm.s32 $0x14310;
	s10 =	simm.s32 $0x14320  }
0x28c: {  	s13 =	simm.s32 $0x14330;
	s15 =	simm.s32 $0x14340;
	s12 =	simm.s32 $0x14350  }
0x28d: {  	s11 =	simm.s32 $0x143A0;
	s5 =	simm.s32 $0x280;
	s1 =	simm.s32 $0x14370  }
0x28e: {  	s0 =	simm.s32 $0x14360;
	s4 =	simm.s32 $0x14380;
	s3 =	simm.s32 $0x14390  }
0x28f: {  	[dreg:$0x12] =	wrdreg s2;
	s24 =	simm.s32 $0x2  }
0x290: {  	_ =	swait.ge [sflag:s24], $0x50  }
0x291: {  	[sflag:s24] =	ssyncset.done $0x0  }
0x292: {  	[sflag:s24] =	ssyncadd.s32 $0xFFFFFFB0  }
0x293: {  	_ =	swait.ge [sflag:s24], $0x50  }
0x294: {  	[sflag:s24] =	ssyncset.done $0x0  }
0x295: {  	[sflag:s24] =	ssyncadd.s32 $0xFFFFFFB0  }
0x296: {  	v1 =	vld [tilespmem:$0x180]  }
0x297: {  	v2 =	vld [tilespmem:$0x80]  }
0x298: {  	v3 =	vld [tilespmem:$0x190]  }
0x299: {  	v4 =	vld [tilespmem:$0x90]  }
0x29a: {  	v5 =	vld [tilespmem:$0x1A0]  }
0x29b: {  	v6 =	vld [tilespmem:$0xA0]  }
0x29c: {  	v7 =	vld [tilespmem:$0x1B0]  }
0x29d: {  	v8 =	vld [tilespmem:$0xB0]  }
0x29e: {  	v9 =	vld [tilespmem:$0x1C0]  }
0x29f: {  	v10 =	vld [tilespmem:$0xC0]  }
0x2a0: {  	vm0 =	veq.s32 v1, $0x0;
	v1 =	vshll.u32 v2, $0x9  }
0x2a1: {  	vm12 =	veq.s32 v3, $0x0;
	v2 =	vshll.u32 v4, $0x9;
	v1 =	vsel vm0, $0x5000, v1  }
0x2a2: {  	vm13 =	veq.s32 v5, $0x0;
	[tilespmem:$0x280] =	vst v1;
	v1 =	vsel vm12, $0x5000, v2;
	v2 =	vshll.u32 v6, $0x9  }
0x2a3: {  	vm14 =	veq.s32 v7, $0x0;
	[tilespmem:$0x290] =	vst v1;
	v1 =	vsel vm13, $0x5000, v2;
	v2 =	vshll.u32 v8, $0x9  }
0x2a4: {  	vm15 =	veq.s32 v9, $0x0;
	[tilespmem:$0x2A0] =	vst v1;
	v1 =	vsel vm14, $0x5000, v2;
	v2 =	vshll.u32 v10, $0x9  }
0x2a5: {  	s7 =	rddreg [dreg:$0xd];
	[tilespmem:$0x2B0] =	vst v1;
	v1 =	vsel vm15, $0x5000, v2  }
0x2a6: {  	s6 =	simm.s32 @!p1 $0x4;
	s14 =	rddreg [dreg:$0x11];
	[tilespmem:$0x2C0] =	vst v1  }
0x2a7: {  	s25 =	simm.s32 $0x0;
	s7 =	sadd.s32 s7, s14;
	_ =	swait.ge @!p1 [sflag:s6], $0xA000  }
0x2a8: {  	p2 =	sgt.u32 s7, $0x4E1;
	v1 =	vmov s25;
	[sflag:s6] =	ssyncset.done @!p1 $0x0  }
0x2a9: {  	s24 =	sor.u32 $0x3, s25;
	s7 =	smul.u32 @!p2 $0xA, s7;
	v1 =	vand.u32 $0xFFFFFFF8, v1;
	[sflag:s6] =	ssyncadd.s32 @!p1 $0xFFFF6000  }
0x2aa: {  	v5 =	vmov s24;
	v1 =	vbroadcast v1, $0x0;
	s6 =	rddreg [dreg:$0x0]  }
0x2ab: {  	s16 =	simm.s32 @!p2 $0x0;
	s17 =	simm.s32 @!p2 $0x80;
	v5 =	vand.u32 $0xFFFFFFFB, v5;
	s6 =	sadd.s32 @!p2 s6, s7  }
0x2ac: {  	v5 =	vbroadcast v5, $0x0;
	[tilespmem:s17], [sflag:$0x2] =	stream.linear.gather @!p2 [hbm4b:s6+s16], $0x50, $0x38;
	[tilespmem:$0x19500] =	vst v63  }
0x2ad: {  	s6 =	rddreg [dreg:$0x1]  }
0x2ae: {  	s6 =	sadd.s32 @!p2 s6, s7;
	s7 =	simm.s32 @!p2 $0x180  }
0x2af: {  	[tilespmem:s7], [sflag:$0x2] =	stream.linear.gather @!p2 [hbm4b:s6+s16], $0x50, $0x38;
	[tilespmem:$0x19500] =	vst v63  }
0x2b0: {  	v1 =	vld.idx.msk [tilespmem:v1+s5+$0x0], $0xffff  }
0x2b1: {  	s14 =	simm.s32 $0x280  }
0x2b2: {  	v5 =	vld.idx.msk [tilespmem:v5+s14+$0x0], $0xffff;
	_ =	sdelay $0x2  }
0x2b3: {  	v1 =	vadd.s32 v0, v1;
	_ =	sdelay $0x1  }
0x2b4: {  	v5 =	vadd.s32 v0, v5;
	_ =	sdelay $0x2  }
0x2b5: {  	v2 =	vld.idx.msk [tilespmem:v1+s31+$0x0], $0xffff;
	_ =	sdelay $0x1  }
0x2b6: {  	s18 =	simm.s32 $0x0;
	v13 =	vld.idx.msk [tilespmem:v5+s31+$0x0], $0xffff  }
0x2b7: {  	s21 =	sand.u32 $0x3FFFFE00, s18  }
0x2b8: {  	s19 =	sor.u32 $0x1, s25;
	s20 =	sor.u32 $0x2, s25;
	s26 =	sor.u32 $0x7, s25  }
0x2b9: {  	v3 =	vmov s19;
	v4 =	vmov s20;
	s6 =	sshll.u32 s19, $0x9;
	s19 =	sshll.u32 s20, $0x9;
	s20 =	sshll.u32 s24, $0x9;
	[tilespmem:s21+$0xA300] =	vst v2  }
0x2ba: {  	v6 =	vmov s26;
	s17 =	sshll.u32 s26, $0x9;
	s26 =	sand.u32 $0x3FFFFE00, s20;
	v2 =	vld.idx.msk [tilespmem:v1+s9+$0x0], $0xffff  }
0x2bb: {  	[tilespmem:s26+$0xA300] =	vst v13  }
0x2bc: {  	v13 =	vld.idx.msk [tilespmem:v5+s9+$0x0], $0xffff;
	_ =	sdelay $0x2  }
0x2bd: {  	[tilespmem:s21+$0xA310] =	vst v2  }
0x2be: {  	v2 =	vld.idx.msk [tilespmem:v1+s10+$0x0], $0xffff  }
0x2bf: {  	[tilespmem:s26+$0xA310] =	vst v13  }
0x2c0: {  	v13 =	vld.idx.msk [tilespmem:v5+s10+$0x0], $0xffff;
	_ =	sdelay $0x2  }
0x2c1: {  	[tilespmem:s21+$0xA320] =	vst v2  }
0x2c2: {  	v2 =	vld.idx.msk [tilespmem:v1+s13+$0x0], $0xffff  }
0x2c3: {  	[tilespmem:s26+$0xA320] =	vst v13  }
0x2c4: {  	v13 =	vld.idx.msk [tilespmem:v5+s13+$0x0], $0xffff;
	_ =	sdelay $0x2  }
0x2c5: {  	[tilespmem:s21+$0xA330] =	vst v2  }
0x2c6: {  	v2 =	vld.idx.msk [tilespmem:v1+s15+$0x0], $0xffff  }
0x2c7: {  	[tilespmem:s26+$0xA330] =	vst v13  }
0x2c8: {  	v13 =	vld.idx.msk [tilespmem:v5+s15+$0x0], $0xffff;
	_ =	sdelay $0x2  }
0x2c9: {  	[tilespmem:s21+$0xA340] =	vst v2  }
0x2ca: {  	v2 =	vld.idx.msk [tilespmem:v1+s12+$0x0], $0xffff  }
0x2cb: {  	[tilespmem:s26+$0xA340] =	vst v13  }
0x2cc: {  	v13 =	vld.idx.msk [tilespmem:v5+s12+$0x0], $0xffff;
	_ =	sdelay $0x2  }
0x2cd: {  	[tilespmem:s21+$0xA350] =	vst v2  }
0x2ce: {  	v2 =	vld.idx.msk [tilespmem:v1+s0+$0x0], $0xffff  }
0x2cf: {  	[tilespmem:s26+$0xA350] =	vst v13  }
0x2d0: {  	v13 =	vld.idx.msk [tilespmem:v5+s0+$0x0], $0xffff;
	_ =	sdelay $0x2  }
0x2d1: {  	[tilespmem:s21+$0xA360] =	vst v2  }
0x2d2: {  	v2 =	vld.idx.msk [tilespmem:v1+s1+$0x0], $0xffff  }
0x2d3: {  	[tilespmem:s26+$0xA360] =	vst v13  }
0x2d4: {  	v13 =	vld.idx.msk [tilespmem:v5+s1+$0x0], $0xffff;
	_ =	sdelay $0x2  }
0x2d5: {  	[tilespmem:s21+$0xA370] =	vst v2  }
0x2d6: {  	v3 =	vand.u32 $0xFFFFFFF9, v3;
	v2 =	vld.idx.msk [tilespmem:v1+s4+$0x0], $0xffff  }
0x2d7: {  	v3 =	vbroadcast v3, $0x0;
	[tilespmem:s26+$0xA370] =	vst v13  }
0x2d8: {  	s18 =	sor.u32 $0x4, s25;
	v4 =	vand.u32 $0xFFFFFFFA, v4;
	v13 =	vld.idx.msk [tilespmem:v5+s4+$0x0], $0xffff  }
0x2d9: {  	s22 =	sor.u32 $0x5, s25;
	v7 =	vmov s18;
	v4 =	vbroadcast v4, $0x0  }
0x2da: {  	s2 =	sor.u32 $0x6, s25;
	v7 =	vand.u32 $0xFFFFFFFC, v7;
	v8 =	vmov s22  }
0x2db: {  	[tilespmem:s21+$0xA380] =	vst v2;
	v2 =	vbroadcast v7, $0x0;
	v7 =	vand.u32 $0xFFFFFFFD, v8;
	v8 =	vmov s2  }
0x2dc: {  	v6 =	vld.idx.msk [tilespmem:v6+s14+$0x0], $0xffff;
	v7 =	vbroadcast v7, $0x0;
	v8 =	vand.u32 $0xFFFFFFFE, v8  }
0x2dd: {  	v3 =	vld.idx.msk [tilespmem:v3+s14+$0x0], $0xffff;
	[tilespmem:s26+$0xA380] =	vst v13;
	v10 =	vbroadcast v8, $0x0  }
0x2de: {  	v13 =	vld.idx.msk [tilespmem:v5+s3+$0x0], $0xffff  }
0x2df: {  	v4 =	vld.idx.msk [tilespmem:v4+s14+$0x0], $0xffff  }
0x2e0: {  	v9 =	vld.idx.msk [tilespmem:v1+s3+$0x0], $0xffff  }
0x2e1: {  	v2 =	vld.idx.msk [tilespmem:v2+s14+$0x0], $0xffff  }
0x2e2: {  	v8 =	vadd.s32 v0, v6;
	v11 =	vld.idx.msk [tilespmem:v7+s14+$0x0], $0xffff  }
0x2e3: {  	[tilespmem:s26+$0xA390] =	vst v13;
	v7 =	vadd.s32 v0, v3;
	v10 =	vld.idx.msk [tilespmem:v10+s14+$0x0], $0xffff  }
0x2e4: {  	v6 =	vadd.s32 v0, v4;
	v13 =	vld.idx.msk [tilespmem:v5+s11+$0x0], $0xffff  }
0x2e5: {  	[tilespmem:s21+$0xA390] =	vst v9  }
0x2e6: {  	v9 =	vld.idx.msk [tilespmem:v1+s11+$0x0], $0xffff;
	v4 =	vadd.s32 v0, v2  }
0x2e7: {  	v2 =	vadd.s32 v0, v11;
	v11 =	vld.idx.msk [tilespmem:v8+s31+$0x0], $0xffff  }
0x2e8: {  	v12 =	vld.idx.msk [tilespmem:v7+s31+$0x0], $0xffff;
	v3 =	vadd.s32 v0, v10  }
0x2e9: {  	s23 =	sand.u32 $0x3FFFFE00, s6;
	s6 =	simm.s32 $0x143B0;
	[tilespmem:s26+$0xA3A0] =	vst v13;
	v10 =	vld.idx.msk [tilespmem:v6+s31+$0x0], $0xffff  }
0x2ea: {  	v13 =	vld.idx.msk [tilespmem:v5+s6+$0x0], $0xffff  }
0x2eb: {  	v14 =	vld.idx.msk [tilespmem:v4+s31+$0x0], $0xffff  }
0x2ec: {  	[tilespmem:s21+$0xA3A0] =	vst v9;
	v9 =	vld.idx.msk [tilespmem:v2+s31+$0x0], $0xffff  }
0x2ed: {  	s29 =	sand.u32 $0x3FFFFE00, s17;
	[tilespmem:s23+$0xA300] =	vst v12;
	v15 =	vld.idx.msk [tilespmem:v3+s31+$0x0], $0xffff  }
0x2ee: {  	s24 =	sshll.u32 s18, $0x9;
	s25 =	sand.u32 $0x3FFFFE00, s19;
	[tilespmem:s29+$0xA300] =	vst v11;
	v12 =	vld.idx.msk [tilespmem:v7+s9+$0x0], $0xffff  }
0x2ef: {  	s28 =	sand.u32 $0x3FFFFE00, s24;
	s5 =	sshll.u32 s22, $0x9;
	v11 =	vld.idx.msk [tilespmem:v8+s9+$0x0], $0xffff;
	[tilespmem:s25+$0xA300] =	vst v10  }
0x2f0: {  	s22 =	sand.u32 $0x3FFFFE00, s5;
	s2 =	sshll.u32 s2, $0x9;
	v10 =	vld.idx.msk [tilespmem:v6+s9+$0x0], $0xffff;
	[tilespmem:s28+$0xA300] =	vst v14  }
0x2f1: {  	s24 =	sand.u32 $0x3FFFFE00, s2;
	v14 =	vld.idx.msk [tilespmem:v4+s9+$0x0], $0xffff;
	[tilespmem:s22+$0xA300] =	vst v9  }
0x2f2: {  	v9 =	vld.idx.msk [tilespmem:v2+s9+$0x0], $0xffff;
	[tilespmem:s24+$0xA300] =	vst v15  }
0x2f3: {  	[tilespmem:s23+$0xA310] =	vst v12;
	v15 =	vld.idx.msk [tilespmem:v3+s9+$0x0], $0xffff  }
0x2f4: {  	[tilespmem:s29+$0xA310] =	vst v11;
	v12 =	vld.idx.msk [tilespmem:v7+s10+$0x0], $0xffff  }
0x2f5: {  	v11 =	vld.idx.msk [tilespmem:v8+s10+$0x0], $0xffff;
	[tilespmem:s25+$0xA310] =	vst v10  }
0x2f6: {  	v10 =	vld.idx.msk [tilespmem:v6+s10+$0x0], $0xffff;
	[tilespmem:s28+$0xA310] =	vst v14  }
0x2f7: {  	v14 =	vld.idx.msk [tilespmem:v4+s10+$0x0], $0xffff;
	[tilespmem:s22+$0xA310] =	vst v9  }
0x2f8: {  	v9 =	vld.idx.msk [tilespmem:v2+s10+$0x0], $0xffff;
	[tilespmem:s24+$0xA310] =	vst v15  }
0x2f9: {  	[tilespmem:s23+$0xA320] =	vst v12;
	v15 =	vld.idx.msk [tilespmem:v3+s10+$0x0], $0xffff  }
0x2fa: {  	[tilespmem:s29+$0xA320] =	vst v11;
	v12 =	vld.idx.msk [tilespmem:v7+s13+$0x0], $0xffff  }
0x2fb: {  	v11 =	vld.idx.msk [tilespmem:v8+s13+$0x0], $0xffff;
	[tilespmem:s25+$0xA320] =	vst v10  }
0x2fc: {  	v10 =	vld.idx.msk [tilespmem:v6+s13+$0x0], $0xffff;
	[tilespmem:s28+$0xA320] =	vst v14  }
0x2fd: {  	v14 =	vld.idx.msk [tilespmem:v4+s13+$0x0], $0xffff;
	[tilespmem:s22+$0xA320] =	vst v9  }
0x2fe: {  	v9 =	vld.idx.msk [tilespmem:v2+s13+$0x0], $0xffff;
	[tilespmem:s24+$0xA320] =	vst v15  }
0x2ff: {  	[tilespmem:s23+$0xA330] =	vst v12;
	v15 =	vld.idx.msk [tilespmem:v3+s13+$0x0], $0xffff  }
0x300: {  	[tilespmem:s29+$0xA330] =	vst v11;
	v12 =	vld.idx.msk [tilespmem:v7+s15+$0x0], $0xffff  }
0x301: {  	v11 =	vld.idx.msk [tilespmem:v8+s15+$0x0], $0xffff;
	[tilespmem:s25+$0xA330] =	vst v10  }
0x302: {  	v10 =	vld.idx.msk [tilespmem:v6+s15+$0x0], $0xffff;
	[tilespmem:s28+$0xA330] =	vst v14  }
0x303: {  	v14 =	vld.idx.msk [tilespmem:v4+s15+$0x0], $0xffff;
	[tilespmem:s22+$0xA330] =	vst v9  }
0x304: {  	v9 =	vld.idx.msk [tilespmem:v2+s15+$0x0], $0xffff;
	[tilespmem:s24+$0xA330] =	vst v15  }
0x305: {  	[tilespmem:s23+$0xA340] =	vst v12;
	v15 =	vld.idx.msk [tilespmem:v3+s15+$0x0], $0xffff  }
0x306: {  	[tilespmem:s29+$0xA340] =	vst v11;
	v12 =	vld.idx.msk [tilespmem:v7+s12+$0x0], $0xffff  }
0x307: {  	v11 =	vld.idx.msk [tilespmem:v8+s12+$0x0], $0xffff;
	[tilespmem:s25+$0xA340] =	vst v10  }
0x308: {  	v10 =	vld.idx.msk [tilespmem:v6+s12+$0x0], $0xffff;
	[tilespmem:s28+$0xA340] =	vst v14  }
0x309: {  	v14 =	vld.idx.msk [tilespmem:v4+s12+$0x0], $0xffff;
	[tilespmem:s22+$0xA340] =	vst v9  }
0x30a: {  	v9 =	vld.idx.msk [tilespmem:v2+s12+$0x0], $0xffff;
	[tilespmem:s24+$0xA340] =	vst v15  }
0x30b: {  	[tilespmem:s23+$0xA350] =	vst v12;
	v15 =	vld.idx.msk [tilespmem:v3+s12+$0x0], $0xffff  }
0x30c: {  	[tilespmem:s29+$0xA350] =	vst v11;
	v12 =	vld.idx.msk [tilespmem:v7+s0+$0x0], $0xffff  }
0x30d: {  	v11 =	vld.idx.msk [tilespmem:v8+s0+$0x0], $0xffff;
	[tilespmem:s25+$0xA350] =	vst v10  }
0x30e: {  	v10 =	vld.idx.msk [tilespmem:v6+s0+$0x0], $0xffff;
	[tilespmem:s28+$0xA350] =	vst v14  }
0x30f: {  	v14 =	vld.idx.msk [tilespmem:v4+s0+$0x0], $0xffff;
	[tilespmem:s22+$0xA350] =	vst v9  }
0x310: {  	v9 =	vld.idx.msk [tilespmem:v2+s0+$0x0], $0xffff;
	[tilespmem:s24+$0xA350] =	vst v15  }
0x311: {  	[tilespmem:s23+$0xA360] =	vst v12;
	v15 =	vld.idx.msk [tilespmem:v3+s0+$0x0], $0xffff  }
0x312: {  	[tilespmem:s29+$0xA360] =	vst v11;
	v12 =	vld.idx.msk [tilespmem:v7+s1+$0x0], $0xffff  }
0x313: {  	v11 =	vld.idx.msk [tilespmem:v8+s1+$0x0], $0xffff;
	[tilespmem:s25+$0xA360] =	vst v10  }
0x314: {  	v10 =	vld.idx.msk [tilespmem:v6+s1+$0x0], $0xffff;
	[tilespmem:s28+$0xA360] =	vst v14  }
0x315: {  	v14 =	vld.idx.msk [tilespmem:v4+s1+$0x0], $0xffff;
	[tilespmem:s22+$0xA360] =	vst v9  }
0x316: {  	v9 =	vld.idx.msk [tilespmem:v2+s1+$0x0], $0xffff;
	[tilespmem:s24+$0xA360] =	vst v15  }
0x317: {  	[tilespmem:s23+$0xA370] =	vst v12;
	v15 =	vld.idx.msk [tilespmem:v3+s1+$0x0], $0xffff  }
0x318: {  	[tilespmem:s29+$0xA370] =	vst v11;
	v12 =	vld.idx.msk [tilespmem:v7+s4+$0x0], $0xffff  }
0x319: {  	v11 =	vld.idx.msk [tilespmem:v8+s4+$0x0], $0xffff;
	[tilespmem:s25+$0xA370] =	vst v10  }
0x31a: {  	v10 =	vld.idx.msk [tilespmem:v6+s4+$0x0], $0xffff;
	[tilespmem:s28+$0xA370] =	vst v14  }
0x31b: {  	v14 =	vld.idx.msk [tilespmem:v4+s4+$0x0], $0xffff;
	[tilespmem:s22+$0xA370] =	vst v9  }
0x31c: {  	v9 =	vld.idx.msk [tilespmem:v2+s4+$0x0], $0xffff;
	[tilespmem:s24+$0xA370] =	vst v15  }
0x31d: {  	[tilespmem:s23+$0xA380] =	vst v12;
	v15 =	vld.idx.msk [tilespmem:v3+s4+$0x0], $0xffff  }
0x31e: {  	[tilespmem:s29+$0xA380] =	vst v11;
	v12 =	vld.idx.msk [tilespmem:v7+s3+$0x0], $0xffff  }
0x31f: {  	v11 =	vld.idx.msk [tilespmem:v8+s3+$0x0], $0xffff;
	[tilespmem:s25+$0xA380] =	vst v10  }
0x320: {  	v10 =	vld.idx.msk [tilespmem:v6+s3+$0x0], $0xffff;
	[tilespmem:s28+$0xA380] =	vst v14  }
0x321: {  	v14 =	vld.idx.msk [tilespmem:v4+s3+$0x0], $0xffff;
	[tilespmem:s22+$0xA380] =	vst v9  }
0x322: {  	v9 =	vld.idx.msk [tilespmem:v2+s3+$0x0], $0xffff;
	[tilespmem:s24+$0xA380] =	vst v15  }
0x323: {  	[tilespmem:s23+$0xA390] =	vst v12;
	v15 =	vld.idx.msk [tilespmem:v3+s3+$0x0], $0xffff  }
0x324: {  	[tilespmem:s29+$0xA390] =	vst v11;
	v12 =	vld.idx.msk [tilespmem:v7+s11+$0x0], $0xffff  }
0x325: {  	v11 =	vld.idx.msk [tilespmem:v8+s11+$0x0], $0xffff;
	[tilespmem:s25+$0xA390] =	vst v10  }
0x326: {  	v10 =	vld.idx.msk [tilespmem:v6+s11+$0x0], $0xffff;
	[tilespmem:s28+$0xA390] =	vst v14  }
0x327: {  	v14 =	vld.idx.msk [tilespmem:v4+s11+$0x0], $0xffff;
	[tilespmem:s22+$0xA390] =	vst v9  }
0x328: {  	v9 =	vld.idx.msk [tilespmem:v2+s11+$0x0], $0xffff;
	[tilespmem:s24+$0xA390] =	vst v15  }
0x329: {  	[tilespmem:s23+$0xA3A0] =	vst v12;
	v15 =	vld.idx.msk [tilespmem:v3+s11+$0x0], $0xffff  }
0x32a: {  	[tilespmem:s29+$0xA3A0] =	vst v11;
	v12 =	vld.idx.msk [tilespmem:v7+s6+$0x0], $0xffff  }
0x32b: {  	v11 =	vld.idx.msk [tilespmem:v8+s6+$0x0], $0xffff;
	[tilespmem:s25+$0xA3A0] =	vst v10  }
0x32c: {  	v10 =	vld.idx.msk [tilespmem:v6+s6+$0x0], $0xffff;
	[tilespmem:s28+$0xA3A0] =	vst v14  }
0x32d: {  	v14 =	vld.idx.msk [tilespmem:v4+s6+$0x0], $0xffff;
	[tilespmem:s22+$0xA3A0] =	vst v9  }
0x32e: {  	v9 =	vld.idx.msk [tilespmem:v2+s6+$0x0], $0xffff;
	[tilespmem:s24+$0xA3A0] =	vst v15  }
0x32f: {  	[tilespmem:s23+$0xA3B0] =	vst v12;
	v12 =	vld.idx.msk [tilespmem:v1+s6+$0x0], $0xffff  }
0x330: {  	s7 =	simm.s32 $0x143C0;
	[tilespmem:s29+$0xA3B0] =	vst v11;
	v15 =	vld.idx.msk [tilespmem:v3+s6+$0x0], $0xffff  }
0x331: {  	[tilespmem:s26+$0xA3B0] =	vst v13;
	v11 =	vld.idx.msk [tilespmem:v8+s7+$0x0], $0xffff  }
0x332: {  	[tilespmem:s25+$0xA3B0] =	vst v10;
	v10 =	vld.idx.msk [tilespmem:v7+s7+$0x0], $0xffff  }
0x333: {  	v13 =	vld.idx.msk [tilespmem:v6+s7+$0x0], $0xffff;
	[tilespmem:s28+$0xA3B0] =	vst v14  }
0x334: {  	v14 =	vld.idx.msk [tilespmem:v5+s7+$0x0], $0xffff;
	[tilespmem:s22+$0xA3B0] =	vst v9  }
0x335: {  	v9 =	vld.idx.msk [tilespmem:v4+s7+$0x0], $0xffff;
	[tilespmem:s21+$0xA3B0] =	vst v12  }
0x336: {  	[tilespmem:s24+$0xA3B0] =	vst v15;
	v15 =	vld.idx.msk [tilespmem:v2+s7+$0x0], $0xffff  }
0x337: {  	s14 =	simm.s32 $0x143D0;
	[tilespmem:s29+$0xA3C0] =	vst v11;
	v12 =	vld.idx.msk [tilespmem:v1+s7+$0x0], $0xffff  }
0x338: {  	[tilespmem:s23+$0xA3C0] =	vst v10;
	v11 =	vld.idx.msk [tilespmem:v8+s14+$0x0], $0xffff  }
0x339: {  	v10 =	vld.idx.msk [tilespmem:v3+s7+$0x0], $0xffff;
	[tilespmem:s25+$0xA3C0] =	vst v13  }
0x33a: {  	v13 =	vld.idx.msk [tilespmem:v7+s14+$0x0], $0xffff;
	[tilespmem:s26+$0xA3C0] =	vst v14  }
0x33b: {  	v14 =	vld.idx.msk [tilespmem:v6+s14+$0x0], $0xffff;
	[tilespmem:s28+$0xA3C0] =	vst v9  }
0x33c: {  	v9 =	vld.idx.msk [tilespmem:v5+s14+$0x0], $0xffff;
	[tilespmem:s22+$0xA3C0] =	vst v15  }
0x33d: {  	v15 =	vld.idx.msk [tilespmem:v4+s14+$0x0], $0xffff;
	[tilespmem:s21+$0xA3C0] =	vst v12  }
0x33e: {  	[tilespmem:s29+$0xA3D0] =	vst v11;
	v11 =	vld.idx.msk [tilespmem:v2+s14+$0x0], $0xffff  }
0x33f: {  	s20 =	simm.s32 $0x143E0;
	[tilespmem:s23+$0xA3D0] =	vst v13;
	v13 =	vld.idx.msk [tilespmem:v1+s14+$0x0], $0xffff  }
0x340: {  	[tilespmem:s24+$0xA3C0] =	vst v10;
	v10 =	vld.idx.msk [tilespmem:v8+s20+$0x0], $0xffff  }
0x341: {  	v12 =	vld.idx.msk [tilespmem:v3+s14+$0x0], $0xffff;
	[tilespmem:s25+$0xA3D0] =	vst v14  }
0x342: {  	v14 =	vld.idx.msk [tilespmem:v7+s20+$0x0], $0xffff;
	[tilespmem:s26+$0xA3D0] =	vst v9  }
0x343: {  	v9 =	vld.idx.msk [tilespmem:v6+s20+$0x0], $0xffff;
	[tilespmem:s28+$0xA3D0] =	vst v15  }
0x344: {  	v15 =	vld.idx.msk [tilespmem:v5+s20+$0x0], $0xffff;
	[tilespmem:s22+$0xA3D0] =	vst v11  }
0x345: {  	v11 =	vld.idx.msk [tilespmem:v4+s20+$0x0], $0xffff;
	[tilespmem:s29+$0xA3E0] =	vst v10  }
0x346: {  	[tilespmem:s24+$0xA3D0] =	vst v12;
	v12 =	vld.idx.msk [tilespmem:v2+s20+$0x0], $0xffff  }
0x347: {  	[tilespmem:s21+$0xA3D0] =	vst v13;
	v10 =	vld.idx.msk [tilespmem:v8+s8+$0x0], $0xffff  }
0x348: {  	[tilespmem:s23+$0xA3E0] =	vst v14;
	v13 =	vld.idx.msk [tilespmem:v3+s20+$0x0], $0xffff  }
0x349: {  	v14 =	vld.idx.msk [tilespmem:v1+s20+$0x0], $0xffff;
	[tilespmem:s25+$0xA3E0] =	vst v9  }
0x34a: {  	v9 =	vld.idx.msk [tilespmem:v7+s8+$0x0], $0xffff;
	[tilespmem:s26+$0xA3E0] =	vst v15  }
0x34b: {  	v15 =	vld.idx.msk [tilespmem:v6+s8+$0x0], $0xffff;
	[tilespmem:s28+$0xA3E0] =	vst v11  }
0x34c: {  	v11 =	vld.idx.msk [tilespmem:v5+s8+$0x0], $0xffff;
	[tilespmem:s22+$0xA3E0] =	vst v12  }
0x34d: {  	v12 =	vld.idx.msk [tilespmem:v4+s8+$0x0], $0xffff;
	[tilespmem:s29+$0xA3F0] =	vst v10  }
0x34e: {  	s5 =	simm.s32 $0x14400;
	[tilespmem:s24+$0xA3E0] =	vst v13;
	v13 =	vld.idx.msk [tilespmem:v2+s8+$0x0], $0xffff  }
0x34f: {  	[tilespmem:s21+$0xA3E0] =	vst v14;
	v10 =	vld.idx.msk [tilespmem:v8+s5+$0x0], $0xffff  }
0x350: {  	[tilespmem:s23+$0xA3F0] =	vst v9;
	v9 =	vld.idx.msk [tilespmem:v3+s8+$0x0], $0xffff  }
0x351: {  	v14 =	vld.idx.msk [tilespmem:v1+s8+$0x0], $0xffff;
	[tilespmem:s25+$0xA3F0] =	vst v15  }
0x352: {  	v15 =	vld.idx.msk [tilespmem:v7+s5+$0x0], $0xffff;
	[tilespmem:s26+$0xA3F0] =	vst v11  }
0x353: {  	v11 =	vld.idx.msk [tilespmem:v6+s5+$0x0], $0xffff;
	[tilespmem:s28+$0xA3F0] =	vst v12  }
0x354: {  	v12 =	vld.idx.msk [tilespmem:v5+s5+$0x0], $0xffff;
	[tilespmem:s22+$0xA3F0] =	vst v13  }
0x355: {  	v13 =	vld.idx.msk [tilespmem:v4+s5+$0x0], $0xffff;
	[tilespmem:s29+$0xA400] =	vst v10  }
0x356: {  	s16 =	simm.s32 $0x14410;
	[tilespmem:s24+$0xA3F0] =	vst v9;
	v9 =	vld.idx.msk [tilespmem:v2+s5+$0x0], $0xffff  }
0x357: {  	[tilespmem:s21+$0xA3F0] =	vst v14;
	v10 =	vld.idx.msk [tilespmem:v8+s16+$0x0], $0xffff  }
0x358: {  	[tilespmem:s23+$0xA400] =	vst v15;
	v14 =	vld.idx.msk [tilespmem:v3+s5+$0x0], $0xffff  }
0x359: {  	v15 =	vld.idx.msk [tilespmem:v1+s5+$0x0], $0xffff;
	[tilespmem:s25+$0xA400] =	vst v11  }
0x35a: {  	v11 =	vld.idx.msk [tilespmem:v7+s16+$0x0], $0xffff;
	[tilespmem:s26+$0xA400] =	vst v12  }
0x35b: {  	v12 =	vld.idx.msk [tilespmem:v6+s16+$0x0], $0xffff;
	[tilespmem:s28+$0xA400] =	vst v13  }
0x35c: {  	v13 =	vld.idx.msk [tilespmem:v5+s16+$0x0], $0xffff;
	[tilespmem:s22+$0xA400] =	vst v9  }
0x35d: {  	v9 =	vld.idx.msk [tilespmem:v4+s16+$0x0], $0xffff;
	[tilespmem:s29+$0xA410] =	vst v10  }
0x35e: {  	s17 =	simm.s32 $0x14420;
	[tilespmem:s24+$0xA400] =	vst v14;
	v14 =	vld.idx.msk [tilespmem:v2+s16+$0x0], $0xffff  }
0x35f: {  	[tilespmem:s21+$0xA400] =	vst v15;
	v10 =	vld.idx.msk [tilespmem:v8+s17+$0x0], $0xffff  }
0x360: {  	v15 =	vld.idx.msk [tilespmem:v3+s16+$0x0], $0xffff;
	[tilespmem:s23+$0xA410] =	vst v11  }
0x361: {  	v11 =	vld.idx.msk [tilespmem:v1+s16+$0x0], $0xffff;
	[tilespmem:s25+$0xA410] =	vst v12  }
0x362: {  	v12 =	vld.idx.msk [tilespmem:v7+s17+$0x0], $0xffff;
	[tilespmem:s26+$0xA410] =	vst v13  }
0x363: {  	v13 =	vld.idx.msk [tilespmem:v6+s17+$0x0], $0xffff;
	[tilespmem:s28+$0xA410] =	vst v9  }
0x364: {  	v9 =	vld.idx.msk [tilespmem:v5+s17+$0x0], $0xffff;
	[tilespmem:s22+$0xA410] =	vst v14  }
0x365: {  	s18 =	simm.s32 $0x14430;
	v14 =	vld.idx.msk [tilespmem:v4+s17+$0x0], $0xffff;
	[tilespmem:s29+$0xA420] =	vst v10  }
0x366: {  	[tilespmem:s24+$0xA410] =	vst v15;
	v10 =	vld.idx.msk [tilespmem:v8+s18+$0x0], $0xffff  }
0x367: {  	v15 =	vld.idx.msk [tilespmem:v2+s17+$0x0], $0xffff;
	[tilespmem:s21+$0xA410] =	vst v11  }
0x368: {  	[tilespmem:s23+$0xA420] =	vst v12;
	v11 =	vld.idx.msk [tilespmem:v3+s17+$0x0], $0xffff  }
0x369: {  	v12 =	vld.idx.msk [tilespmem:v1+s17+$0x0], $0xffff;
	[tilespmem:s25+$0xA420] =	vst v13  }
0x36a: {  	v13 =	vld.idx.msk [tilespmem:v7+s18+$0x0], $0xffff;
	[tilespmem:s26+$0xA420] =	vst v9  }
0x36b: {  	s19 =	simm.s32 $0x14440;
	v9 =	vld.idx.msk [tilespmem:v6+s18+$0x0], $0xffff;
	[tilespmem:s29+$0xA430] =	vst v10  }
0x36c: {  	[tilespmem:s28+$0xA420] =	vst v14;
	v10 =	vld.idx.msk [tilespmem:v8+s19+$0x0], $0xffff  }
0x36d: {  	v14 =	vld.idx.msk [tilespmem:v5+s18+$0x0], $0xffff;
	[tilespmem:s22+$0xA420] =	vst v15  }
0x36e: {  	v15 =	vld.idx.msk [tilespmem:v4+s18+$0x0], $0xffff;
	[tilespmem:s24+$0xA420] =	vst v11  }
0x36f: {  	[tilespmem:s21+$0xA420] =	vst v12;
	v11 =	vld.idx.msk [tilespmem:v2+s18+$0x0], $0xffff  }
0x370: {  	[tilespmem:s23+$0xA430] =	vst v13;
	v12 =	vld.idx.msk [tilespmem:v3+s18+$0x0], $0xffff  }
0x371: {  	s6 =	simm.s32 $0x14450;
	v13 =	vld.idx.msk [tilespmem:v1+s18+$0x0], $0xffff;
	[tilespmem:s29+$0xA440] =	vst v10  }
0x372: {  	[tilespmem:s25+$0xA430] =	vst v9;
	v10 =	vld.idx.msk [tilespmem:v8+s6+$0x0], $0xffff  }
0x373: {  	v9 =	vld.idx.msk [tilespmem:v7+s19+$0x0], $0xffff;
	[tilespmem:s26+$0xA430] =	vst v14  }
0x374: {  	v16 =	vld.idx.msk [tilespmem:v6+s19+$0x0], $0xffff;
	[tilespmem:s28+$0xA430] =	vst v15  }
0x375: {  	v15 =	vld.idx.msk [tilespmem:v5+s19+$0x0], $0xffff;
	[tilespmem:s22+$0xA430] =	vst v11  }
0x376: {  	v11 =	vld.idx.msk [tilespmem:v4+s19+$0x0], $0xffff;
	[tilespmem:s24+$0xA430] =	vst v12  }
0x377: {  	s7 =	simm.s32 $0x14460;
	v17 =	vld.idx.msk [tilespmem:v2+s19+$0x0], $0xffff;
	[tilespmem:s29+$0xA450] =	vst v10  }
0x378: {  	[tilespmem:s21+$0xA430] =	vst v13;
	v10 =	vld.idx.msk [tilespmem:v8+s7+$0x0], $0xffff  }
0x379: {  	[tilespmem:s23+$0xA440] =	vst v9;
	v18 =	vld.idx.msk [tilespmem:v3+s19+$0x0], $0xffff  }
0x37a: {  	v14 =	vld.idx.msk [tilespmem:v1+s19+$0x0], $0xffff;
	[tilespmem:s25+$0xA440] =	vst v16  }
0x37b: {  	v12 =	vld.idx.msk [tilespmem:v7+s6+$0x0], $0xffff;
	[tilespmem:s26+$0xA440] =	vst v15  }
0x37c: {  	v9 =	vld.idx.msk [tilespmem:v6+s6+$0x0], $0xffff;
	[tilespmem:s28+$0xA440] =	vst v11  }
0x37d: {  	s2 =	simm.s32 $0x14470;
	v11 =	vld.idx.msk [tilespmem:v5+s6+$0x0], $0xffff;
	[tilespmem:s29+$0xA460] =	vst v10  }
0x37e: {  	[tilespmem:s22+$0xA440] =	vst v17;
	v13 =	vld.idx.msk [tilespmem:v8+s2+$0x0], $0xffff  }
0x37f: {  	s30 =	simm.s32 $0x8;
	[tilespmem:s24+$0xA440] =	vst v18;
	v10 =	vld.idx.msk [tilespmem:v4+s6+$0x0], $0xffff  }
.LBB2_6:
0x380: {  	v15 =	vmov s30;
	p1 =	slt.u32 s30, $0x48;
	[tilespmem:s21+$0xA440] =	vst v14;
	v14 =	vld.idx.msk [tilespmem:v2+s6+$0x0], $0xffff  }
0x381: {  	v15 =	vand.u32 $0xFFFFFFF8, v15;
	[tilespmem:s23+$0xA450] =	vst v12;
	v12 =	vld.idx.msk [tilespmem:v3+s6+$0x0], $0xffff  }
0x382: {  	v15 =	vbroadcast v15, $0x0;
	v16 =	vld.idx.msk [tilespmem:v1+s6+$0x0], $0xffff;
	[tilespmem:s25+$0xA450] =	vst v9  }
0x383: {  	s17 =	simm.s32 $0x14480;
	v9 =	vld.idx.msk [tilespmem:v7+s7+$0x0], $0xffff;
	[tilespmem:s29+$0xA470] =	vst v13  }
0x384: {  	[tilespmem:s26+$0xA450] =	vst v11;
	v11 =	vld.idx.msk [tilespmem:v8+s17+$0x0], $0xffff  }
0x385: {  	v13 =	vld.idx.msk [tilespmem:v6+s7+$0x0], $0xffff;
	[tilespmem:s28+$0xA450] =	vst v10  }
0x386: {  	v10 =	vld.idx.msk [tilespmem:v5+s7+$0x0], $0xffff;
	[tilespmem:s22+$0xA450] =	vst v14  }
0x387: {  	s19 =	simm.s32 $0x280;
	v14 =	vld.idx.msk [tilespmem:v4+s7+$0x0], $0xffff;
	[tilespmem:s24+$0xA450] =	vst v12  }
0x388: {  	v12 =	vld.idx.msk [tilespmem:v15+s19+$0x0], $0xffff;
	[tilespmem:s21+$0xA450] =	vst v16  }
0x389: {  	[tilespmem:s23+$0xA460] =	vst v9;
	v15 =	vld.idx.msk [tilespmem:v2+s7+$0x0], $0xffff  }
0x38a: {  	s6 =	simm.s32 $0x14490;
	v16 =	vld.idx.msk [tilespmem:v3+s7+$0x0], $0xffff;
	[tilespmem:s29+$0xA480] =	vst v11  }
0x38b: {  	[tilespmem:s25+$0xA460] =	vst v13;
	v11 =	vld.idx.msk [tilespmem:v8+s6+$0x0], $0xffff  }
0x38c: {  	v13 =	vld.idx.msk [tilespmem:v1+s7+$0x0], $0xffff;
	[tilespmem:s26+$0xA460] =	vst v10  }
0x38d: {  	v10 =	vld.idx.msk [tilespmem:v7+s2+$0x0], $0xffff;
	[tilespmem:s28+$0xA460] =	vst v14  }
0x38e: {  	v9 =	vadd.s32 v0, v12;
	v12 =	vld.idx.msk [tilespmem:v6+s2+$0x0], $0xffff  }
0x38f: {  	v14 =	vld.idx.msk [tilespmem:v5+s2+$0x0], $0xffff;
	[tilespmem:s22+$0xA460] =	vst v15  }
0x390: {  	v15 =	vld.idx.msk [tilespmem:v4+s2+$0x0], $0xffff;
	[tilespmem:s24+$0xA460] =	vst v16  }
0x391: {  	s14 =	simm.s32 $0x144A0;
	v16 =	vld.idx.msk [tilespmem:v2+s2+$0x0], $0xffff;
	[tilespmem:s29+$0xA490] =	vst v11  }
0x392: {  	[tilespmem:s21+$0xA460] =	vst v13;
	v11 =	vld.idx.msk [tilespmem:v8+s14+$0x0], $0xffff  }
0x393: {  	v13 =	vld.idx.msk [tilespmem:v9+s31+$0x0], $0xffff;
	[tilespmem:s23+$0xA470] =	vst v10  }
0x394: {  	[tilespmem:s25+$0xA470] =	vst v12;
	v10 =	vld.idx.msk [tilespmem:v3+s2+$0x0], $0xffff  }
0x395: {  	v12 =	vld.idx.msk [tilespmem:v1+s2+$0x0], $0xffff;
	[tilespmem:s26+$0xA470] =	vst v14  }
0x396: {  	v14 =	vld.idx.msk [tilespmem:v7+s17+$0x0], $0xffff;
	[tilespmem:s28+$0xA470] =	vst v15  }
0x397: {  	s2 =	sshll.u32 s30, $0x9;
	v15 =	vld.idx.msk [tilespmem:v6+s17+$0x0], $0xffff;
	[tilespmem:s22+$0xA470] =	vst v16  }
0x398: {  	s8 =	simm.s32 $0x14300;
	s16 =	simm.s32 $0x144B0;
	s31 =	sand.u32 $0x3FFFFE00, s2;
	v16 =	vld.idx.msk [tilespmem:v5+s17+$0x0], $0xffff;
	[tilespmem:s29+$0xA4A0] =	vst v11  }
0x399: {  	[tilespmem:s31+$0xA300] =	vst v13;
	v11 =	vld.idx.msk [tilespmem:v8+s16+$0x0], $0xffff  }
0x39a: {  	v13 =	vld.idx.msk [tilespmem:v9+s9+$0x0], $0xffff;
	[tilespmem:s24+$0xA470] =	vst v10  }
0x39b: {  	[tilespmem:s21+$0xA470] =	vst v12;
	v10 =	vld.idx.msk [tilespmem:v4+s17+$0x0], $0xffff  }
0x39c: {  	[tilespmem:s23+$0xA480] =	vst v14;
	v12 =	vld.idx.msk [tilespmem:v2+s17+$0x0], $0xffff  }
0x39d: {  	[tilespmem:s25+$0xA480] =	vst v15;
	v14 =	vld.idx.msk [tilespmem:v3+s17+$0x0], $0xffff  }
0x39e: {  	v15 =	vld.idx.msk [tilespmem:v1+s17+$0x0], $0xffff;
	[tilespmem:s26+$0xA480] =	vst v16  }
0x39f: {  	s7 =	simm.s32 $0x144C0;
	v16 =	vld.idx.msk [tilespmem:v7+s6+$0x0], $0xffff;
	[tilespmem:s29+$0xA4B0] =	vst v11  }
0x3a0: {  	[tilespmem:s31+$0xA310] =	vst v13;
	v11 =	vld.idx.msk [tilespmem:v8+s7+$0x0], $0xffff  }
0x3a1: {  	v13 =	vld.idx.msk [tilespmem:v9+s10+$0x0], $0xffff;
	[tilespmem:s28+$0xA480] =	vst v10  }
0x3a2: {  	v10 =	vld.idx.msk [tilespmem:v6+s6+$0x0], $0xffff;
	[tilespmem:s22+$0xA480] =	vst v12  }
0x3a3: {  	v12 =	vld.idx.msk [tilespmem:v5+s6+$0x0], $0xffff;
	[tilespmem:s24+$0xA480] =	vst v14  }
0x3a4: {  	[tilespmem:s21+$0xA480] =	vst v15;
	v14 =	vld.idx.msk [tilespmem:v4+s6+$0x0], $0xffff  }
0x3a5: {  	[tilespmem:s23+$0xA490] =	vst v16;
	v15 =	vld.idx.msk [tilespmem:v2+s6+$0x0], $0xffff  }
0x3a6: {  	s2 =	simm.s32 $0x144D0;
	v16 =	vld.idx.msk [tilespmem:v3+s6+$0x0], $0xffff;
	[tilespmem:s29+$0xA4C0] =	vst v11  }
0x3a7: {  	[tilespmem:s31+$0xA320] =	vst v13;
	v11 =	vld.idx.msk [tilespmem:v8+s2+$0x0], $0xffff  }
0x3a8: {  	v13 =	vld.idx.msk [tilespmem:v9+s13+$0x0], $0xffff;
	[tilespmem:s25+$0xA490] =	vst v10  }
0x3a9: {  	v10 =	vld.idx.msk [tilespmem:v1+s6+$0x0], $0xffff;
	[tilespmem:s26+$0xA490] =	vst v12  }
0x3aa: {  	v12 =	vld.idx.msk [tilespmem:v7+s14+$0x0], $0xffff;
	[tilespmem:s28+$0xA490] =	vst v14  }
0x3ab: {  	v14 =	vld.idx.msk [tilespmem:v6+s14+$0x0], $0xffff;
	[tilespmem:s22+$0xA490] =	vst v15  }
0x3ac: {  	v15 =	vld.idx.msk [tilespmem:v5+s14+$0x0], $0xffff;
	[tilespmem:s24+$0xA490] =	vst v16  }
0x3ad: {  	s6 =	simm.s32 $0x144E0;
	v16 =	vld.idx.msk [tilespmem:v4+s14+$0x0], $0xffff;
	[tilespmem:s29+$0xA4D0] =	vst v11  }
0x3ae: {  	[tilespmem:s31+$0xA330] =	vst v13;
	v11 =	vld.idx.msk [tilespmem:v8+s6+$0x0], $0xffff  }
0x3af: {  	v13 =	vld.idx.msk [tilespmem:v9+s15+$0x0], $0xffff;
	[tilespmem:s21+$0xA490] =	vst v10  }
0x3b0: {  	[tilespmem:s23+$0xA4A0] =	vst v12;
	v10 =	vld.idx.msk [tilespmem:v2+s14+$0x0], $0xffff  }
0x3b1: {  	[tilespmem:s25+$0xA4A0] =	vst v14;
	v12 =	vld.idx.msk [tilespmem:v3+s14+$0x0], $0xffff  }
0x3b2: {  	v14 =	vld.idx.msk [tilespmem:v1+s14+$0x0], $0xffff;
	[tilespmem:s26+$0xA4A0] =	vst v15  }
0x3b3: {  	v15 =	vld.idx.msk [tilespmem:v7+s16+$0x0], $0xffff;
	[tilespmem:s28+$0xA4A0] =	vst v16  }
0x3b4: {  	s14 =	simm.s32 $0x144F0;
	v16 =	vld.idx.msk [tilespmem:v6+s16+$0x0], $0xffff;
	[tilespmem:s29+$0xA4E0] =	vst v11  }
0x3b5: {  	[tilespmem:s31+$0xA340] =	vst v13;
	v8 =	vld.idx.msk [tilespmem:v8+s14+$0x0], $0xffff  }
0x3b6: {  	v11 =	vld.idx.msk [tilespmem:v9+s12+$0x0], $0xffff;
	[tilespmem:s22+$0xA4A0] =	vst v10  }
0x3b7: {  	v10 =	vld.idx.msk [tilespmem:v5+s16+$0x0], $0xffff;
	[tilespmem:s24+$0xA4A0] =	vst v12  }
0x3b8: {  	[tilespmem:s21+$0xA4A0] =	vst v14;
	v12 =	vld.idx.msk [tilespmem:v4+s16+$0x0], $0xffff  }
0x3b9: {  	[tilespmem:s23+$0xA4B0] =	vst v15;
	v13 =	vld.idx.msk [tilespmem:v2+s16+$0x0], $0xffff  }
0x3ba: {  	[tilespmem:s25+$0xA4B0] =	vst v16;
	v14 =	vld.idx.msk [tilespmem:v3+s16+$0x0], $0xffff  }
0x3bb: {  	v15 =	vld.idx.msk [tilespmem:v1+s16+$0x0], $0xffff;
	[tilespmem:s29+$0xA4F0] =	vst v8  }
0x3bc: {  	[tilespmem:s31+$0xA350] =	vst v11;
	v8 =	vld.idx.msk [tilespmem:v7+s7+$0x0], $0xffff  }
0x3bd: {  	v11 =	vld.idx.msk [tilespmem:v9+s0+$0x0], $0xffff;
	[tilespmem:s26+$0xA4B0] =	vst v10  }
0x3be: {  	v10 =	vld.idx.msk [tilespmem:v6+s7+$0x0], $0xffff;
	[tilespmem:s28+$0xA4B0] =	vst v12  }
0x3bf: {  	v12 =	vld.idx.msk [tilespmem:v5+s7+$0x0], $0xffff;
	[tilespmem:s22+$0xA4B0] =	vst v13  }
0x3c0: {  	v13 =	vld.idx.msk [tilespmem:v4+s7+$0x0], $0xffff;
	[tilespmem:s24+$0xA4B0] =	vst v14  }
0x3c1: {  	[tilespmem:s21+$0xA4B0] =	vst v15;
	v14 =	vld.idx.msk [tilespmem:v2+s7+$0x0], $0xffff  }
0x3c2: {  	[tilespmem:s23+$0xA4C0] =	vst v8;
	v8 =	vld.idx.msk [tilespmem:v3+s7+$0x0], $0xffff  }
0x3c3: {  	[tilespmem:s31+$0xA360] =	vst v11;
	v11 =	vld.idx.msk [tilespmem:v1+s7+$0x0], $0xffff  }
0x3c4: {  	v15 =	vld.idx.msk [tilespmem:v9+s1+$0x0], $0xffff;
	[tilespmem:s25+$0xA4C0] =	vst v10  }
0x3c5: {  	v10 =	vld.idx.msk [tilespmem:v7+s2+$0x0], $0xffff;
	[tilespmem:s26+$0xA4C0] =	vst v12  }
0x3c6: {  	v12 =	vld.idx.msk [tilespmem:v6+s2+$0x0], $0xffff;
	[tilespmem:s28+$0xA4C0] =	vst v13  }
0x3c7: {  	v13 =	vld.idx.msk [tilespmem:v5+s2+$0x0], $0xffff;
	[tilespmem:s22+$0xA4C0] =	vst v14  }
0x3c8: {  	v14 =	vld.idx.msk [tilespmem:v4+s2+$0x0], $0xffff;
	[tilespmem:s24+$0xA4C0] =	vst v8  }
0x3c9: {  	[tilespmem:s21+$0xA4C0] =	vst v11;
	v8 =	vld.idx.msk [tilespmem:v2+s2+$0x0], $0xffff  }
0x3ca: {  	[tilespmem:s31+$0xA370] =	vst v15;
	v11 =	vld.idx.msk [tilespmem:v3+s2+$0x0], $0xffff  }
0x3cb: {  	v15 =	vld.idx.msk [tilespmem:v9+s4+$0x0], $0xffff;
	[tilespmem:s23+$0xA4D0] =	vst v10  }
0x3cc: {  	v10 =	vld.idx.msk [tilespmem:v1+s2+$0x0], $0xffff;
	[tilespmem:s25+$0xA4D0] =	vst v12  }
0x3cd: {  	v12 =	vld.idx.msk [tilespmem:v7+s6+$0x0], $0xffff;
	[tilespmem:s26+$0xA4D0] =	vst v13  }
0x3ce: {  	v13 =	vld.idx.msk [tilespmem:v6+s6+$0x0], $0xffff;
	[tilespmem:s28+$0xA4D0] =	vst v14  }
0x3cf: {  	v14 =	vld.idx.msk [tilespmem:v5+s6+$0x0], $0xffff;
	[tilespmem:s22+$0xA4D0] =	vst v8  }
0x3d0: {  	v8 =	vld.idx.msk [tilespmem:v4+s6+$0x0], $0xffff;
	[tilespmem:s24+$0xA4D0] =	vst v11  }
0x3d1: {  	s29 =	sor.u32 $0x1, s30;
	[tilespmem:s31+$0xA380] =	vst v15;
	v11 =	vld.idx.msk [tilespmem:v2+s6+$0x0], $0xffff  }
0x3d2: {  	s16 =	sor.u32 $0x2, s30;
	v16 =	vmov s29;
	s2 =	sor.u32 $0x3, s30;
	v15 =	vld.idx.msk [tilespmem:v9+s3+$0x0], $0xffff;
	[tilespmem:s21+$0xA4D0] =	vst v10  }
0x3d3: {  	s7 =	sor.u32 $0x7, s30;
	v17 =	vmov s2;
	v10 =	vand.u32 $0xFFFFFFF9, v16;
	v16 =	vmov s16;
	[tilespmem:s23+$0xA4E0] =	vst v12;
	v12 =	vld.idx.msk [tilespmem:v3+s6+$0x0], $0xffff  }
0x3d4: {  	s17 =	sor.u32 $0x4, s30;
	v18 =	vmov s7;
	v10 =	vbroadcast v10, $0x0;
	v16 =	vand.u32 $0xFFFFFFFA, v16;
	v19 =	vld.idx.msk [tilespmem:v1+s6+$0x0], $0xffff;
	[tilespmem:s25+$0xA4E0] =	vst v13  }
0x3d5: {  	s18 =	sor.u32 $0x5, s30;
	v13 =	vbroadcast v16, $0x0;
	v16 =	vand.u32 $0xFFFFFFFB, v17;
	v17 =	vmov s17;
	v7 =	vld.idx.msk [tilespmem:v7+s14+$0x0], $0xffff;
	[tilespmem:s26+$0xA4E0] =	vst v14  }
0x3d6: {  	s6 =	sor.u32 $0x6, s30;
	v14 =	vbroadcast v16, $0x0;
	v16 =	vand.u32 $0xFFFFFFFC, v17;
	v17 =	vmov s18;
	v6 =	vld.idx.msk [tilespmem:v6+s14+$0x0], $0xffff;
	[tilespmem:s28+$0xA4E0] =	vst v8  }
0x3d7: {  	v8 =	vbroadcast v16, $0x0;
	v16 =	vand.u32 $0xFFFFFFFD, v17;
	v17 =	vmov s6;
	v5 =	vld.idx.msk [tilespmem:v5+s14+$0x0], $0xffff;
	[tilespmem:s22+$0xA4E0] =	vst v11  }
0x3d8: {  	v11 =	vbroadcast v16, $0x0;
	[tilespmem:s31+$0xA390] =	vst v15;
	v15 =	vand.u32 $0xFFFFFFFE, v17;
	v4 =	vld.idx.msk [tilespmem:v4+s14+$0x0], $0xffff  }
0x3d9: {  	v15 =	vbroadcast v15, $0x0;
	v16 =	vld.idx.msk [tilespmem:v18+s19+$0x0], $0xffff;
	[tilespmem:s24+$0xA4E0] =	vst v12  }
0x3da: {  	v10 =	vld.idx.msk [tilespmem:v10+s19+$0x0], $0xffff;
	[tilespmem:s21+$0xA4E0] =	vst v19  }
0x3db: {  	v12 =	vld.idx.msk [tilespmem:v13+s19+$0x0], $0xffff;
	[tilespmem:s23+$0xA4F0] =	vst v7  }
0x3dc: {  	v13 =	vld.idx.msk [tilespmem:v14+s19+$0x0], $0xffff;
	[tilespmem:s25+$0xA4F0] =	vst v6  }
0x3dd: {  	v14 =	vld.idx.msk [tilespmem:v8+s19+$0x0], $0xffff;
	[tilespmem:s26+$0xA4F0] =	vst v5  }
0x3de: {  	v11 =	vld.idx.msk [tilespmem:v11+s19+$0x0], $0xffff;
	[tilespmem:s28+$0xA4F0] =	vst v4  }
0x3df: {  	v8 =	vadd.s32 v0, v16;
	v15 =	vld.idx.msk [tilespmem:v15+s19+$0x0], $0xffff  }
0x3e0: {  	v7 =	vadd.s32 v0, v10;
	v16 =	vld.idx.msk [tilespmem:v9+s11+$0x0], $0xffff  }
0x3e1: {  	v6 =	vadd.s32 v0, v12;
	v10 =	vld.idx.msk [tilespmem:v2+s14+$0x0], $0xffff  }
0x3e2: {  	v5 =	vadd.s32 v0, v13;
	v12 =	vld.idx.msk [tilespmem:v3+s14+$0x0], $0xffff  }
0x3e3: {  	v4 =	vadd.s32 v0, v14;
	v13 =	vld.idx.msk [tilespmem:v1+s14+$0x0], $0xffff;
	v1 =	vmov v9  }
0x3e4: {  	v2 =	vadd.s32 v0, v11;
	v9 =	vld.idx.msk [tilespmem:v8+s8+$0x0], $0xffff  }
0x3e5: {  	v3 =	vadd.s32 v0, v15;
	v11 =	vld.idx.msk [tilespmem:v7+s8+$0x0], $0xffff  }
0x3e6: {  	[tilespmem:s31+$0xA3A0] =	vst v16;
	v14 =	vld.idx.msk [tilespmem:v6+s8+$0x0], $0xffff  }
0x3e7: {  	s7 =	sshll.u32 s7, $0x9;
	v15 =	vld.idx.msk [tilespmem:v5+s8+$0x0], $0xffff;
	[tilespmem:s22+$0xA4F0] =	vst v10  }
0x3e8: {  	s22 =	sshll.u32 s29, $0x9;
	s29 =	sand.u32 $0x3FFFFE00, s7;
	v10 =	vld.idx.msk [tilespmem:v4+s8+$0x0], $0xffff;
	[tilespmem:s24+$0xA4F0] =	vst v12  }
0x3e9: {  	v12 =	vld.idx.msk [tilespmem:v2+s8+$0x0], $0xffff;
	s8 =	simm.s32 $0x143F0;
	[tilespmem:s21+$0xA4F0] =	vst v13;
	s21 =	smov.u32 s31;
	s31 =	simm.s32 $0x14300  }
0x3ea: {  	s7 =	sshll.u32 s16, $0x9;
	s16 =	simm.s32 $0x14420;
	s23 =	sand.u32 $0x3FFFFE00, s22;
	v13 =	vld.idx.msk [tilespmem:v3+s31+$0x0], $0xffff;
	[tilespmem:s29+$0xA300] =	vst v9  }
0x3eb: {  	s2 =	sshll.u32 s2, $0x9;
	s25 =	sand.u32 $0x3FFFFE00, s7;
	s7 =	simm.s32 $0x14410;
	[tilespmem:s23+$0xA300] =	vst v11;
	v9 =	vld.idx.msk [tilespmem:v8+s9+$0x0], $0xffff  }
0x3ec: {  	s26 =	sand.u32 $0x3FFFFE00, s2;
	s2 =	sshll.u32 s17, $0x9;
	s17 =	simm.s32 $0x14430;
	v11 =	vld.idx.msk [tilespmem:v7+s9+$0x0], $0xffff;
	[tilespmem:s25+$0xA300] =	vst v14  }
0x3ed: {  	s28 =	sand.u32 $0x3FFFFE00, s2;
	s2 =	sshll.u32 s18, $0x9;
	s18 =	simm.s32 $0x14440;
	v14 =	vld.idx.msk [tilespmem:v6+s9+$0x0], $0xffff;
	[tilespmem:s26+$0xA300] =	vst v15  }
0x3ee: {  	s22 =	sand.u32 $0x3FFFFE00, s2;
	s2 =	sshll.u32 s6, $0x9;
	v15 =	vld.idx.msk [tilespmem:v5+s9+$0x0], $0xffff;
	[tilespmem:s28+$0xA300] =	vst v10  }
0x3ef: {  	s24 =	sand.u32 $0x3FFFFE00, s2;
	v10 =	vld.idx.msk [tilespmem:v4+s9+$0x0], $0xffff;
	[tilespmem:s22+$0xA300] =	vst v12  }
0x3f0: {  	v12 =	vld.idx.msk [tilespmem:v2+s9+$0x0], $0xffff;
	[tilespmem:s24+$0xA300] =	vst v13  }
0x3f1: {  	v13 =	vld.idx.msk [tilespmem:v3+s9+$0x0], $0xffff;
	[tilespmem:s29+$0xA310] =	vst v9  }
0x3f2: {  	[tilespmem:s23+$0xA310] =	vst v11;
	v9 =	vld.idx.msk [tilespmem:v8+s10+$0x0], $0xffff  }
0x3f3: {  	v11 =	vld.idx.msk [tilespmem:v7+s10+$0x0], $0xffff;
	[tilespmem:s25+$0xA310] =	vst v14  }
0x3f4: {  	v14 =	vld.idx.msk [tilespmem:v6+s10+$0x0], $0xffff;
	[tilespmem:s26+$0xA310] =	vst v15  }
0x3f5: {  	v15 =	vld.idx.msk [tilespmem:v5+s10+$0x0], $0xffff;
	[tilespmem:s28+$0xA310] =	vst v10  }
0x3f6: {  	v10 =	vld.idx.msk [tilespmem:v4+s10+$0x0], $0xffff;
	[tilespmem:s22+$0xA310] =	vst v12  }
0x3f7: {  	v12 =	vld.idx.msk [tilespmem:v2+s10+$0x0], $0xffff;
	[tilespmem:s24+$0xA310] =	vst v13  }
0x3f8: {  	v13 =	vld.idx.msk [tilespmem:v3+s10+$0x0], $0xffff;
	[tilespmem:s29+$0xA320] =	vst v9  }
0x3f9: {  	[tilespmem:s23+$0xA320] =	vst v11;
	v9 =	vld.idx.msk [tilespmem:v8+s13+$0x0], $0xffff  }
0x3fa: {  	v11 =	vld.idx.msk [tilespmem:v7+s13+$0x0], $0xffff;
	[tilespmem:s25+$0xA320] =	vst v14  }
0x3fb: {  	v14 =	vld.idx.msk [tilespmem:v6+s13+$0x0], $0xffff;
	[tilespmem:s26+$0xA320] =	vst v15  }
0x3fc: {  	v15 =	vld.idx.msk [tilespmem:v5+s13+$0x0], $0xffff;
	[tilespmem:s28+$0xA320] =	vst v10  }
0x3fd: {  	v10 =	vld.idx.msk [tilespmem:v4+s13+$0x0], $0xffff;
	[tilespmem:s22+$0xA320] =	vst v12  }
0x3fe: {  	v12 =	vld.idx.msk [tilespmem:v2+s13+$0x0], $0xffff;
	[tilespmem:s24+$0xA320] =	vst v13  }
0x3ff: {  	v13 =	vld.idx.msk [tilespmem:v3+s13+$0x0], $0xffff;
	[tilespmem:s29+$0xA330] =	vst v9  }
0x400: {  	[tilespmem:s23+$0xA330] =	vst v11;
	v9 =	vld.idx.msk [tilespmem:v8+s15+$0x0], $0xffff  }
0x401: {  	v11 =	vld.idx.msk [tilespmem:v7+s15+$0x0], $0xffff;
	[tilespmem:s25+$0xA330] =	vst v14  }
0x402: {  	v14 =	vld.idx.msk [tilespmem:v6+s15+$0x0], $0xffff;
	[tilespmem:s26+$0xA330] =	vst v15  }
0x403: {  	v15 =	vld.idx.msk [tilespmem:v5+s15+$0x0], $0xffff;
	[tilespmem:s28+$0xA330] =	vst v10  }
0x404: {  	v10 =	vld.idx.msk [tilespmem:v4+s15+$0x0], $0xffff;
	[tilespmem:s22+$0xA330] =	vst v12  }
0x405: {  	v12 =	vld.idx.msk [tilespmem:v2+s15+$0x0], $0xffff;
	[tilespmem:s24+$0xA330] =	vst v13  }
0x406: {  	v13 =	vld.idx.msk [tilespmem:v3+s15+$0x0], $0xffff;
	[tilespmem:s29+$0xA340] =	vst v9  }
0x407: {  	[tilespmem:s23+$0xA340] =	vst v11;
	v9 =	vld.idx.msk [tilespmem:v8+s12+$0x0], $0xffff  }
0x408: {  	v11 =	vld.idx.msk [tilespmem:v7+s12+$0x0], $0xffff;
	[tilespmem:s25+$0xA340] =	vst v14  }
0x409: {  	v14 =	vld.idx.msk [tilespmem:v6+s12+$0x0], $0xffff;
	[tilespmem:s26+$0xA340] =	vst v15  }
0x40a: {  	v15 =	vld.idx.msk [tilespmem:v5+s12+$0x0], $0xffff;
	[tilespmem:s28+$0xA340] =	vst v10  }
0x40b: {  	v10 =	vld.idx.msk [tilespmem:v4+s12+$0x0], $0xffff;
	[tilespmem:s22+$0xA340] =	vst v12  }
0x40c: {  	v12 =	vld.idx.msk [tilespmem:v2+s12+$0x0], $0xffff;
	[tilespmem:s24+$0xA340] =	vst v13  }
0x40d: {  	v13 =	vld.idx.msk [tilespmem:v3+s12+$0x0], $0xffff;
	[tilespmem:s29+$0xA350] =	vst v9  }
0x40e: {  	[tilespmem:s23+$0xA350] =	vst v11;
	v9 =	vld.idx.msk [tilespmem:v8+s0+$0x0], $0xffff  }
0x40f: {  	v11 =	vld.idx.msk [tilespmem:v7+s0+$0x0], $0xffff;
	[tilespmem:s25+$0xA350] =	vst v14  }
0x410: {  	v14 =	vld.idx.msk [tilespmem:v6+s0+$0x0], $0xffff;
	[tilespmem:s26+$0xA350] =	vst v15  }
0x411: {  	v15 =	vld.idx.msk [tilespmem:v5+s0+$0x0], $0xffff;
	[tilespmem:s28+$0xA350] =	vst v10  }
0x412: {  	v10 =	vld.idx.msk [tilespmem:v4+s0+$0x0], $0xffff;
	[tilespmem:s22+$0xA350] =	vst v12  }
0x413: {  	v12 =	vld.idx.msk [tilespmem:v2+s0+$0x0], $0xffff;
	[tilespmem:s24+$0xA350] =	vst v13  }
0x414: {  	v13 =	vld.idx.msk [tilespmem:v3+s0+$0x0], $0xffff;
	[tilespmem:s29+$0xA360] =	vst v9  }
0x415: {  	[tilespmem:s23+$0xA360] =	vst v11;
	v9 =	vld.idx.msk [tilespmem:v8+s1+$0x0], $0xffff  }
0x416: {  	v11 =	vld.idx.msk [tilespmem:v7+s1+$0x0], $0xffff;
	[tilespmem:s25+$0xA360] =	vst v14  }
0x417: {  	v14 =	vld.idx.msk [tilespmem:v6+s1+$0x0], $0xffff;
	[tilespmem:s26+$0xA360] =	vst v15  }
0x418: {  	v15 =	vld.idx.msk [tilespmem:v5+s1+$0x0], $0xffff;
	[tilespmem:s28+$0xA360] =	vst v10  }
0x419: {  	v10 =	vld.idx.msk [tilespmem:v4+s1+$0x0], $0xffff;
	[tilespmem:s22+$0xA360] =	vst v12  }
0x41a: {  	v12 =	vld.idx.msk [tilespmem:v2+s1+$0x0], $0xffff;
	[tilespmem:s24+$0xA360] =	vst v13  }
0x41b: {  	v13 =	vld.idx.msk [tilespmem:v3+s1+$0x0], $0xffff;
	[tilespmem:s29+$0xA370] =	vst v9  }
0x41c: {  	[tilespmem:s23+$0xA370] =	vst v11;
	v9 =	vld.idx.msk [tilespmem:v8+s4+$0x0], $0xffff  }
0x41d: {  	v11 =	vld.idx.msk [tilespmem:v7+s4+$0x0], $0xffff;
	[tilespmem:s25+$0xA370] =	vst v14  }
0x41e: {  	v14 =	vld.idx.msk [tilespmem:v6+s4+$0x0], $0xffff;
	[tilespmem:s26+$0xA370] =	vst v15  }
0x41f: {  	v15 =	vld.idx.msk [tilespmem:v5+s4+$0x0], $0xffff;
	[tilespmem:s28+$0xA370] =	vst v10  }
0x420: {  	v10 =	vld.idx.msk [tilespmem:v4+s4+$0x0], $0xffff;
	[tilespmem:s22+$0xA370] =	vst v12  }
0x421: {  	v12 =	vld.idx.msk [tilespmem:v2+s4+$0x0], $0xffff;
	[tilespmem:s24+$0xA370] =	vst v13  }
0x422: {  	v13 =	vld.idx.msk [tilespmem:v3+s4+$0x0], $0xffff;
	[tilespmem:s29+$0xA380] =	vst v9  }
0x423: {  	[tilespmem:s23+$0xA380] =	vst v11;
	v9 =	vld.idx.msk [tilespmem:v8+s3+$0x0], $0xffff  }
0x424: {  	v11 =	vld.idx.msk [tilespmem:v7+s3+$0x0], $0xffff;
	[tilespmem:s25+$0xA380] =	vst v14  }
0x425: {  	v14 =	vld.idx.msk [tilespmem:v6+s3+$0x0], $0xffff;
	[tilespmem:s26+$0xA380] =	vst v15  }
0x426: {  	v15 =	vld.idx.msk [tilespmem:v5+s3+$0x0], $0xffff;
	[tilespmem:s28+$0xA380] =	vst v10  }
0x427: {  	v10 =	vld.idx.msk [tilespmem:v4+s3+$0x0], $0xffff;
	[tilespmem:s22+$0xA380] =	vst v12  }
0x428: {  	v12 =	vld.idx.msk [tilespmem:v2+s3+$0x0], $0xffff;
	[tilespmem:s24+$0xA380] =	vst v13  }
0x429: {  	v13 =	vld.idx.msk [tilespmem:v3+s3+$0x0], $0xffff;
	[tilespmem:s29+$0xA390] =	vst v9  }
0x42a: {  	[tilespmem:s23+$0xA390] =	vst v11;
	v9 =	vld.idx.msk [tilespmem:v8+s11+$0x0], $0xffff  }
0x42b: {  	v11 =	vld.idx.msk [tilespmem:v7+s11+$0x0], $0xffff;
	[tilespmem:s25+$0xA390] =	vst v14  }
0x42c: {  	v14 =	vld.idx.msk [tilespmem:v6+s11+$0x0], $0xffff;
	[tilespmem:s26+$0xA390] =	vst v15  }
0x42d: {  	v15 =	vld.idx.msk [tilespmem:v5+s11+$0x0], $0xffff;
	[tilespmem:s28+$0xA390] =	vst v10  }
0x42e: {  	v10 =	vld.idx.msk [tilespmem:v4+s11+$0x0], $0xffff;
	[tilespmem:s22+$0xA390] =	vst v12  }
0x42f: {  	v12 =	vld.idx.msk [tilespmem:v2+s11+$0x0], $0xffff;
	[tilespmem:s24+$0xA390] =	vst v13  }
0x430: {  	s2 =	simm.s32 $0x143B0;
	v13 =	vld.idx.msk [tilespmem:v3+s11+$0x0], $0xffff;
	[tilespmem:s29+$0xA3A0] =	vst v9  }
0x431: {  	[tilespmem:s23+$0xA3A0] =	vst v11;
	v9 =	vld.idx.msk [tilespmem:v8+s2+$0x0], $0xffff  }
0x432: {  	v11 =	vld.idx.msk [tilespmem:v7+s2+$0x0], $0xffff;
	[tilespmem:s25+$0xA3A0] =	vst v14  }
0x433: {  	v14 =	vld.idx.msk [tilespmem:v6+s2+$0x0], $0xffff;
	[tilespmem:s26+$0xA3A0] =	vst v15  }
0x434: {  	v15 =	vld.idx.msk [tilespmem:v5+s2+$0x0], $0xffff;
	[tilespmem:s28+$0xA3A0] =	vst v10  }
0x435: {  	v10 =	vld.idx.msk [tilespmem:v4+s2+$0x0], $0xffff;
	[tilespmem:s22+$0xA3A0] =	vst v12  }
0x436: {  	v12 =	vld.idx.msk [tilespmem:v2+s2+$0x0], $0xffff;
	[tilespmem:s24+$0xA3A0] =	vst v13  }
0x437: {  	s6 =	simm.s32 $0x143C0;
	v13 =	vld.idx.msk [tilespmem:v3+s2+$0x0], $0xffff;
	[tilespmem:s29+$0xA3B0] =	vst v9  }
0x438: {  	[tilespmem:s23+$0xA3B0] =	vst v11;
	v9 =	vld.idx.msk [tilespmem:v8+s6+$0x0], $0xffff  }
0x439: {  	v11 =	vld.idx.msk [tilespmem:v1+s2+$0x0], $0xffff;
	[tilespmem:s25+$0xA3B0] =	vst v14  }
0x43a: {  	v14 =	vld.idx.msk [tilespmem:v7+s6+$0x0], $0xffff;
	[tilespmem:s26+$0xA3B0] =	vst v15  }
0x43b: {  	v15 =	vld.idx.msk [tilespmem:v6+s6+$0x0], $0xffff;
	[tilespmem:s28+$0xA3B0] =	vst v10  }
0x43c: {  	v10 =	vld.idx.msk [tilespmem:v5+s6+$0x0], $0xffff;
	[tilespmem:s22+$0xA3B0] =	vst v12  }
0x43d: {  	v12 =	vld.idx.msk [tilespmem:v4+s6+$0x0], $0xffff;
	[tilespmem:s24+$0xA3B0] =	vst v13  }
0x43e: {  	s2 =	simm.s32 $0x143D0;
	v13 =	vld.idx.msk [tilespmem:v2+s6+$0x0], $0xffff;
	[tilespmem:s29+$0xA3C0] =	vst v9  }
0x43f: {  	[tilespmem:s21+$0xA3B0] =	vst v11;
	v9 =	vld.idx.msk [tilespmem:v8+s2+$0x0], $0xffff  }
0x440: {  	[tilespmem:s23+$0xA3C0] =	vst v14;
	v11 =	vld.idx.msk [tilespmem:v3+s6+$0x0], $0xffff  }
0x441: {  	v14 =	vld.idx.msk [tilespmem:v1+s6+$0x0], $0xffff;
	[tilespmem:s25+$0xA3C0] =	vst v15  }
0x442: {  	v15 =	vld.idx.msk [tilespmem:v7+s2+$0x0], $0xffff;
	[tilespmem:s26+$0xA3C0] =	vst v10  }
0x443: {  	v10 =	vld.idx.msk [tilespmem:v6+s2+$0x0], $0xffff;
	[tilespmem:s28+$0xA3C0] =	vst v12  }
0x444: {  	v12 =	vld.idx.msk [tilespmem:v5+s2+$0x0], $0xffff;
	[tilespmem:s22+$0xA3C0] =	vst v13  }
0x445: {  	v13 =	vld.idx.msk [tilespmem:v4+s2+$0x0], $0xffff;
	[tilespmem:s29+$0xA3D0] =	vst v9  }
0x446: {  	[tilespmem:s24+$0xA3C0] =	vst v11;
	v9 =	vld.idx.msk [tilespmem:v8+s20+$0x0], $0xffff  }
0x447: {  	[tilespmem:s21+$0xA3C0] =	vst v14;
	v11 =	vld.idx.msk [tilespmem:v2+s2+$0x0], $0xffff  }
0x448: {  	[tilespmem:s23+$0xA3D0] =	vst v15;
	v14 =	vld.idx.msk [tilespmem:v3+s2+$0x0], $0xffff  }
0x449: {  	v15 =	vld.idx.msk [tilespmem:v1+s2+$0x0], $0xffff;
	[tilespmem:s25+$0xA3D0] =	vst v10  }
0x44a: {  	v10 =	vld.idx.msk [tilespmem:v7+s20+$0x0], $0xffff;
	[tilespmem:s26+$0xA3D0] =	vst v12  }
0x44b: {  	v12 =	vld.idx.msk [tilespmem:v6+s20+$0x0], $0xffff;
	[tilespmem:s28+$0xA3D0] =	vst v13  }
0x44c: {  	v13 =	vld.idx.msk [tilespmem:v5+s20+$0x0], $0xffff;
	[tilespmem:s29+$0xA3E0] =	vst v9  }
0x44d: {  	[tilespmem:s22+$0xA3D0] =	vst v11;
	v9 =	vld.idx.msk [tilespmem:v8+s8+$0x0], $0xffff  }
0x44e: {  	v11 =	vld.idx.msk [tilespmem:v4+s20+$0x0], $0xffff;
	[tilespmem:s24+$0xA3D0] =	vst v14  }
0x44f: {  	[tilespmem:s21+$0xA3D0] =	vst v15;
	v14 =	vld.idx.msk [tilespmem:v2+s20+$0x0], $0xffff  }
0x450: {  	[tilespmem:s23+$0xA3E0] =	vst v10;
	v10 =	vld.idx.msk [tilespmem:v3+s20+$0x0], $0xffff  }
0x451: {  	v15 =	vld.idx.msk [tilespmem:v1+s20+$0x0], $0xffff;
	[tilespmem:s25+$0xA3E0] =	vst v12  }
0x452: {  	v12 =	vld.idx.msk [tilespmem:v7+s8+$0x0], $0xffff;
	[tilespmem:s26+$0xA3E0] =	vst v13  }
0x453: {  	v13 =	vld.idx.msk [tilespmem:v6+s8+$0x0], $0xffff;
	[tilespmem:s29+$0xA3F0] =	vst v9  }
0x454: {  	[tilespmem:s28+$0xA3E0] =	vst v11;
	v9 =	vld.idx.msk [tilespmem:v8+s5+$0x0], $0xffff  }
0x455: {  	v11 =	vld.idx.msk [tilespmem:v5+s8+$0x0], $0xffff;
	[tilespmem:s22+$0xA3E0] =	vst v14  }
0x456: {  	v14 =	vld.idx.msk [tilespmem:v4+s8+$0x0], $0xffff;
	[tilespmem:s24+$0xA3E0] =	vst v10  }
0x457: {  	[tilespmem:s21+$0xA3E0] =	vst v15;
	v10 =	vld.idx.msk [tilespmem:v2+s8+$0x0], $0xffff  }
0x458: {  	[tilespmem:s23+$0xA3F0] =	vst v12;
	v12 =	vld.idx.msk [tilespmem:v3+s8+$0x0], $0xffff  }
0x459: {  	v15 =	vld.idx.msk [tilespmem:v1+s8+$0x0], $0xffff;
	[tilespmem:s25+$0xA3F0] =	vst v13  }
0x45a: {  	v13 =	vld.idx.msk [tilespmem:v7+s5+$0x0], $0xffff;
	[tilespmem:s29+$0xA400] =	vst v9  }
0x45b: {  	[tilespmem:s26+$0xA3F0] =	vst v11;
	v9 =	vld.idx.msk [tilespmem:v8+s7+$0x0], $0xffff  }
0x45c: {  	v11 =	vld.idx.msk [tilespmem:v6+s5+$0x0], $0xffff;
	[tilespmem:s28+$0xA3F0] =	vst v14  }
0x45d: {  	v14 =	vld.idx.msk [tilespmem:v5+s5+$0x0], $0xffff;
	[tilespmem:s22+$0xA3F0] =	vst v10  }
0x45e: {  	v10 =	vld.idx.msk [tilespmem:v4+s5+$0x0], $0xffff;
	[tilespmem:s24+$0xA3F0] =	vst v12  }
0x45f: {  	[tilespmem:s21+$0xA3F0] =	vst v15;
	v12 =	vld.idx.msk [tilespmem:v2+s5+$0x0], $0xffff  }
0x460: {  	[tilespmem:s23+$0xA400] =	vst v13;
	v13 =	vld.idx.msk [tilespmem:v3+s5+$0x0], $0xffff  }
0x461: {  	v15 =	vld.idx.msk [tilespmem:v1+s5+$0x0], $0xffff;
	[tilespmem:s29+$0xA410] =	vst v9  }
0x462: {  	[tilespmem:s25+$0xA400] =	vst v11;
	v9 =	vld.idx.msk [tilespmem:v8+s16+$0x0], $0xffff  }
0x463: {  	v11 =	vld.idx.msk [tilespmem:v7+s7+$0x0], $0xffff;
	[tilespmem:s26+$0xA400] =	vst v14  }
0x464: {  	v14 =	vld.idx.msk [tilespmem:v6+s7+$0x0], $0xffff;
	[tilespmem:s28+$0xA400] =	vst v10  }
0x465: {  	v10 =	vld.idx.msk [tilespmem:v5+s7+$0x0], $0xffff;
	[tilespmem:s22+$0xA400] =	vst v12  }
0x466: {  	v12 =	vld.idx.msk [tilespmem:v4+s7+$0x0], $0xffff;
	[tilespmem:s24+$0xA400] =	vst v13  }
0x467: {  	[tilespmem:s21+$0xA400] =	vst v15;
	v13 =	vld.idx.msk [tilespmem:v2+s7+$0x0], $0xffff  }
0x468: {  	v15 =	vld.idx.msk [tilespmem:v3+s7+$0x0], $0xffff;
	[tilespmem:s29+$0xA420] =	vst v9  }
0x469: {  	[tilespmem:s23+$0xA410] =	vst v11;
	v9 =	vld.idx.msk [tilespmem:v8+s17+$0x0], $0xffff  }
0x46a: {  	v11 =	vld.idx.msk [tilespmem:v1+s7+$0x0], $0xffff;
	[tilespmem:s25+$0xA410] =	vst v14  }
0x46b: {  	v14 =	vld.idx.msk [tilespmem:v7+s16+$0x0], $0xffff;
	[tilespmem:s26+$0xA410] =	vst v10  }
0x46c: {  	v10 =	vld.idx.msk [tilespmem:v6+s16+$0x0], $0xffff;
	[tilespmem:s28+$0xA410] =	vst v12  }
0x46d: {  	v12 =	vld.idx.msk [tilespmem:v5+s16+$0x0], $0xffff;
	[tilespmem:s22+$0xA410] =	vst v13  }
0x46e: {  	v13 =	vld.idx.msk [tilespmem:v4+s16+$0x0], $0xffff;
	[tilespmem:s24+$0xA410] =	vst v15  }
0x46f: {  	v15 =	vld.idx.msk [tilespmem:v2+s16+$0x0], $0xffff;
	[tilespmem:s29+$0xA430] =	vst v9  }
0x470: {  	[tilespmem:s21+$0xA410] =	vst v11;
	v9 =	vld.idx.msk [tilespmem:v8+s18+$0x0], $0xffff  }
0x471: {  	[tilespmem:s23+$0xA420] =	vst v14;
	v11 =	vld.idx.msk [tilespmem:v3+s16+$0x0], $0xffff  }
0x472: {  	s6 =	simm.s32 $0x14450;
	s2 =	simm.s32 $0x14470;
	s7 =	simm.s32 $0x14460;
	v14 =	vld.idx.msk [tilespmem:v1+s16+$0x0], $0xffff;
	[tilespmem:s25+$0xA420] =	vst v10  }
0x473: {  	v10 =	vld.idx.msk [tilespmem:v7+s17+$0x0], $0xffff;
	[tilespmem:s26+$0xA420] =	vst v12  }
0x474: {  	v12 =	vld.idx.msk [tilespmem:v6+s17+$0x0], $0xffff;
	[tilespmem:s28+$0xA420] =	vst v13  }
0x475: {  	v13 =	vld.idx.msk [tilespmem:v5+s17+$0x0], $0xffff;
	[tilespmem:s22+$0xA420] =	vst v15  }
0x476: {  	v15 =	vld.idx.msk [tilespmem:v4+s17+$0x0], $0xffff;
	[tilespmem:s29+$0xA440] =	vst v9  }
0x477: {  	[tilespmem:s24+$0xA420] =	vst v11;
	v9 =	vld.idx.msk [tilespmem:v8+s6+$0x0], $0xffff  }
0x478: {  	[tilespmem:s21+$0xA420] =	vst v14;
	v11 =	vld.idx.msk [tilespmem:v2+s17+$0x0], $0xffff  }
0x479: {  	[tilespmem:s23+$0xA430] =	vst v10;
	v10 =	vld.idx.msk [tilespmem:v3+s17+$0x0], $0xffff  }
0x47a: {  	v14 =	vld.idx.msk [tilespmem:v1+s17+$0x0], $0xffff;
	[tilespmem:s25+$0xA430] =	vst v12  }
0x47b: {  	v12 =	vld.idx.msk [tilespmem:v7+s18+$0x0], $0xffff;
	[tilespmem:s26+$0xA430] =	vst v13  }
0x47c: {  	v13 =	vld.idx.msk [tilespmem:v6+s18+$0x0], $0xffff;
	[tilespmem:s28+$0xA430] =	vst v15  }
0x47d: {  	v15 =	vld.idx.msk [tilespmem:v5+s18+$0x0], $0xffff;
	[tilespmem:s29+$0xA450] =	vst v9  }
0x47e: {  	[tilespmem:s22+$0xA430] =	vst v11;
	v11 =	vld.idx.msk [tilespmem:v8+s7+$0x0], $0xffff  }
0x47f: {  	v16 =	vld.idx.msk [tilespmem:v4+s18+$0x0], $0xffff;
	[tilespmem:s24+$0xA430] =	vst v10  }
0x480: {  	[tilespmem:s21+$0xA430] =	vst v14;
	v10 =	vld.idx.msk [tilespmem:v2+s18+$0x0], $0xffff  }
0x481: {  	[tilespmem:s23+$0xA440] =	vst v12;
	v17 =	vld.idx.msk [tilespmem:v3+s18+$0x0], $0xffff  }
0x482: {  	v14 =	vld.idx.msk [tilespmem:v1+s18+$0x0], $0xffff;
	[tilespmem:s25+$0xA440] =	vst v13  }
.Ltmp6:
0x483: {  	v12 =	vld.idx.msk [tilespmem:v7+s6+$0x0], $0xffff;
	[tilespmem:s26+$0xA440] =	vst v15;
	(pc) =	sbr.rel @p1 .LBB2_6-.Ltmp6, $4  }
0x484: {  	v9 =	vld.idx.msk [tilespmem:v6+s6+$0x0], $0xffff;
	[tilespmem:s29+$0xA460] =	vst v11  }
0x485: {  	[tilespmem:s28+$0xA440] =	vst v16;
	v13 =	vld.idx.msk [tilespmem:v8+s2+$0x0], $0xffff  }
0x486: {  	v11 =	vld.idx.msk [tilespmem:v5+s6+$0x0], $0xffff;
	[tilespmem:s22+$0xA440] =	vst v10  }
0x487: {  	s30 =	sadd.s32 $0x8, s30;
	v10 =	vld.idx.msk [tilespmem:v4+s6+$0x0], $0xffff;
	[tilespmem:s24+$0xA440] =	vst v17  }
0x488: {  	_ =	sdelay $0x2  }
0x489: {  	[tilespmem:s21+$0xA440] =	vst v14  }
0x48a: {  	v42 =	vld.idx.msk [tilespmem:v2+s6+$0x0], $0xffff;
	[tilespmem:s23+$0xA450] =	vst v12  }
0x48b: {  	v43 =	vld.idx.msk [tilespmem:v3+s6+$0x0], $0xffff;
	[tilespmem:s25+$0xA450] =	vst v9  }
0x48c: {  	v44 =	vld.idx.msk [tilespmem:v1+s6+$0x0], $0xffff;
	[tilespmem:s29+$0xA470] =	vst v13  }
0x48d: {  	v45 =	vld.idx.msk [tilespmem:v7+s7+$0x0], $0xffff;
	[tilespmem:s26+$0xA450] =	vst v11  }
0x48e: {  	s16 =	simm.s32 $0x14480;
	v47 =	vld.idx.msk [tilespmem:v6+s7+$0x0], $0xffff;
	[tilespmem:s28+$0xA450] =	vst v10  }
0x48f: {  	v46 =	vld.idx.msk [tilespmem:v8+s16+$0x0], $0xffff;
	[tilespmem:s22+$0xA450] =	vst v42  }
0x490: {  	v48 =	vld.idx.msk [tilespmem:v5+s7+$0x0], $0xffff;
	[tilespmem:s24+$0xA450] =	vst v43  }
0x491: {  	v49 =	vld.idx.msk [tilespmem:v4+s7+$0x0], $0xffff;
	[tilespmem:s21+$0xA450] =	vst v44  }
0x492: {  	[tilespmem:s23+$0xA460] =	vst v45;
	v50 =	vld.idx.msk [tilespmem:v2+s7+$0x0], $0xffff  }
0x493: {  	v51 =	vld.idx.msk [tilespmem:v3+s7+$0x0], $0xffff;
	[tilespmem:s25+$0xA460] =	vst v47  }
0x494: {  	v53 =	vld.idx.msk [tilespmem:v1+s7+$0x0], $0xffff;
	[tilespmem:s29+$0xA480] =	vst v46  }
0x495: {  	v54 =	vld.idx.msk [tilespmem:v7+s2+$0x0], $0xffff;
	[tilespmem:s26+$0xA460] =	vst v48  }
0x496: {  	s5 =	simm.s32 $0x14490;
	v55 =	vld.idx.msk [tilespmem:v6+s2+$0x0], $0xffff;
	[tilespmem:s28+$0xA460] =	vst v49  }
0x497: {  	v52 =	vld.idx.msk [tilespmem:v8+s5+$0x0], $0xffff;
	[tilespmem:s22+$0xA460] =	vst v50  }
0x498: {  	v56 =	vld.idx.msk [tilespmem:v5+s2+$0x0], $0xffff;
	[tilespmem:s24+$0xA460] =	vst v51  }
0x499: {  	v57 =	vld.idx.msk [tilespmem:v4+s2+$0x0], $0xffff;
	[tilespmem:s21+$0xA460] =	vst v53  }
0x49a: {  	v58 =	vld.idx.msk [tilespmem:v2+s2+$0x0], $0xffff;
	[tilespmem:s23+$0xA470] =	vst v54  }
0x49b: {  	v60 =	vld.idx.msk [tilespmem:v3+s2+$0x0], $0xffff;
	[tilespmem:s25+$0xA470] =	vst v55  }
0x49c: {  	v61 =	vld.idx.msk [tilespmem:v1+s2+$0x0], $0xffff;
	[tilespmem:s29+$0xA490] =	vst v52  }
0x49d: {  	v62 =	vld.idx.msk [tilespmem:v7+s16+$0x0], $0xffff;
	[tilespmem:s26+$0xA470] =	vst v56  }
0x49e: {  	s14 =	simm.s32 $0x144A0;
	v63 =	vld.idx.msk [tilespmem:v6+s16+$0x0], $0xffff;
	[tilespmem:s28+$0xA470] =	vst v57  }
0x49f: {  	v59 =	vld.idx.msk [tilespmem:v8+s14+$0x0], $0xffff;
	[tilespmem:s22+$0xA470] =	vst v58  }
0x4a0: {  	v16 =	vld.idx.msk [tilespmem:v5+s16+$0x0], $0xffff;
	[tilespmem:s24+$0xA470] =	vst v60  }
0x4a1: {  	v17 =	vld.idx.msk [tilespmem:v4+s16+$0x0], $0xffff;
	[tilespmem:s21+$0xA470] =	vst v61  }
0x4a2: {  	[tilespmem:s23+$0xA480] =	vst v62;
	v18 =	vld.idx.msk [tilespmem:v2+s16+$0x0], $0xffff  }
0x4a3: {  	v19 =	vld.idx.msk [tilespmem:v3+s16+$0x0], $0xffff;
	[tilespmem:s25+$0xA480] =	vst v63  }
0x4a4: {  	v14 =	vld.idx.msk [tilespmem:v1+s16+$0x0], $0xffff;
	[tilespmem:s29+$0xA4A0] =	vst v59  }
0x4a5: {  	v20 =	vld.idx.msk [tilespmem:v7+s5+$0x0], $0xffff;
	[tilespmem:s26+$0xA480] =	vst v16  }
0x4a6: {  	s8 =	simm.s32 $0x144B0;
	v21 =	vld.idx.msk [tilespmem:v6+s5+$0x0], $0xffff;
	[tilespmem:s28+$0xA480] =	vst v17  }
0x4a7: {  	v11 =	vld.idx.msk [tilespmem:v8+s8+$0x0], $0xffff;
	[tilespmem:s22+$0xA480] =	vst v18  }
0x4a8: {  	v22 =	vld.idx.msk [tilespmem:v5+s5+$0x0], $0xffff;
	[tilespmem:s24+$0xA480] =	vst v19  }
0x4a9: {  	v23 =	vld.idx.msk [tilespmem:v4+s5+$0x0], $0xffff;
	[tilespmem:s21+$0xA480] =	vst v14  }
0x4aa: {  	[tilespmem:s23+$0xA490] =	vst v20;
	v24 =	vld.idx.msk [tilespmem:v2+s5+$0x0], $0xffff  }
0x4ab: {  	v25 =	vld.idx.msk [tilespmem:v3+s5+$0x0], $0xffff;
	[tilespmem:s25+$0xA490] =	vst v21  }
0x4ac: {  	v26 =	vld.idx.msk [tilespmem:v1+s5+$0x0], $0xffff;
	[tilespmem:s29+$0xA4B0] =	vst v11  }
0x4ad: {  	v27 =	vld.idx.msk [tilespmem:v7+s14+$0x0], $0xffff;
	[tilespmem:s26+$0xA490] =	vst v22  }
0x4ae: {  	s17 =	simm.s32 $0x144C0;
	v28 =	vld.idx.msk [tilespmem:v6+s14+$0x0], $0xffff;
	[tilespmem:s28+$0xA490] =	vst v23  }
0x4af: {  	v11 =	vld.idx.msk [tilespmem:v8+s17+$0x0], $0xffff;
	[tilespmem:s22+$0xA490] =	vst v24  }
0x4b0: {  	v29 =	vld.idx.msk [tilespmem:v5+s14+$0x0], $0xffff;
	[tilespmem:s24+$0xA490] =	vst v25  }
0x4b1: {  	v30 =	vld.idx.msk [tilespmem:v4+s14+$0x0], $0xffff;
	[tilespmem:s21+$0xA490] =	vst v26  }
0x4b2: {  	[tilespmem:s23+$0xA4A0] =	vst v27;
	v31 =	vld.idx.msk [tilespmem:v2+s14+$0x0], $0xffff  }
0x4b3: {  	v32 =	vld.idx.msk [tilespmem:v3+s14+$0x0], $0xffff;
	[tilespmem:s25+$0xA4A0] =	vst v28  }
0x4b4: {  	v33 =	vld.idx.msk [tilespmem:v1+s14+$0x0], $0xffff;
	[tilespmem:s29+$0xA4C0] =	vst v11  }
0x4b5: {  	v34 =	vld.idx.msk [tilespmem:v7+s8+$0x0], $0xffff;
	[tilespmem:s26+$0xA4A0] =	vst v29  }
0x4b6: {  	s18 =	simm.s32 $0x144D0;
	v35 =	vld.idx.msk [tilespmem:v6+s8+$0x0], $0xffff;
	[tilespmem:s28+$0xA4A0] =	vst v30  }
0x4b7: {  	v11 =	vld.idx.msk [tilespmem:v8+s18+$0x0], $0xffff;
	[tilespmem:s22+$0xA4A0] =	vst v31  }
0x4b8: {  	v37 =	vld.idx.msk [tilespmem:v5+s8+$0x0], $0xffff;
	[tilespmem:s24+$0xA4A0] =	vst v32  }
0x4b9: {  	v38 =	vld.idx.msk [tilespmem:v4+s8+$0x0], $0xffff;
	[tilespmem:s21+$0xA4A0] =	vst v33  }
0x4ba: {  	[tilespmem:s23+$0xA4B0] =	vst v34;
	v39 =	vld.idx.msk [tilespmem:v2+s8+$0x0], $0xffff  }
0x4bb: {  	v12 =	vld.idx.msk [tilespmem:v3+s8+$0x0], $0xffff;
	[tilespmem:s25+$0xA4B0] =	vst v35  }
0x4bc: {  	v13 =	vld.idx.msk [tilespmem:v1+s8+$0x0], $0xffff;
	[tilespmem:s29+$0xA4D0] =	vst v11  }
0x4bd: {  	v40 =	vld.idx.msk [tilespmem:v7+s17+$0x0], $0xffff;
	[tilespmem:s26+$0xA4B0] =	vst v37  }
0x4be: {  	s19 =	simm.s32 $0x144E0;
	v41 =	vld.idx.msk [tilespmem:v6+s17+$0x0], $0xffff;
	[tilespmem:s28+$0xA4B0] =	vst v38  }
0x4bf: {  	v11 =	vld.idx.msk [tilespmem:v8+s19+$0x0], $0xffff;
	[tilespmem:s22+$0xA4B0] =	vst v39  }
0x4c0: {  	v42 =	vld.idx.msk [tilespmem:v5+s17+$0x0], $0xffff;
	[tilespmem:s24+$0xA4B0] =	vst v12  }
0x4c1: {  	v43 =	vld.idx.msk [tilespmem:v4+s17+$0x0], $0xffff;
	[tilespmem:s21+$0xA4B0] =	vst v13  }
0x4c2: {  	v44 =	vld.idx.msk [tilespmem:v2+s17+$0x0], $0xffff;
	[tilespmem:s23+$0xA4C0] =	vst v40  }
0x4c3: {  	v45 =	vld.idx.msk [tilespmem:v3+s17+$0x0], $0xffff;
	[tilespmem:s25+$0xA4C0] =	vst v41  }
0x4c4: {  	v13 =	vld.idx.msk [tilespmem:v1+s17+$0x0], $0xffff;
	[tilespmem:s29+$0xA4E0] =	vst v11  }
0x4c5: {  	v46 =	vld.idx.msk [tilespmem:v7+s18+$0x0], $0xffff;
	[tilespmem:s26+$0xA4C0] =	vst v42  }
0x4c6: {  	s20 =	simm.s32 $0x144F0;
	v47 =	vld.idx.msk [tilespmem:v6+s18+$0x0], $0xffff;
	[tilespmem:s28+$0xA4C0] =	vst v43  }
0x4c7: {  	v36 =	vld.idx.msk [tilespmem:v8+s20+$0x0], $0xffff;
	[tilespmem:s22+$0xA4C0] =	vst v44  }
0x4c8: {  	v48 =	vld.idx.msk [tilespmem:v5+s18+$0x0], $0xffff;
	[tilespmem:s24+$0xA4C0] =	vst v45  }
0x4c9: {  	v49 =	vld.idx.msk [tilespmem:v4+s18+$0x0], $0xffff;
	[tilespmem:s21+$0xA4C0] =	vst v13  }
0x4ca: {  	v50 =	vld.idx.msk [tilespmem:v2+s18+$0x0], $0xffff;
	[tilespmem:s23+$0xA4D0] =	vst v46  }
0x4cb: {  	v51 =	vld.idx.msk [tilespmem:v3+s18+$0x0], $0xffff;
	[tilespmem:s25+$0xA4D0] =	vst v47  }
0x4cc: {  	v52 =	vld.idx.msk [tilespmem:v1+s18+$0x0], $0xffff;
	[tilespmem:s29+$0xA4F0] =	vst v36  }
0x4cd: {  	v53 =	vld.idx.msk [tilespmem:v7+s19+$0x0], $0xffff;
	[tilespmem:s26+$0xA4D0] =	vst v48  }
0x4ce: {  	v54 =	vld.idx.msk [tilespmem:v6+s19+$0x0], $0xffff;
	[tilespmem:s28+$0xA4D0] =	vst v49  }
0x4cf: {  	v55 =	vld.idx.msk [tilespmem:v5+s19+$0x0], $0xffff;
	[tilespmem:s22+$0xA4D0] =	vst v50  }
0x4d0: {  	v56 =	vld.idx.msk [tilespmem:v4+s19+$0x0], $0xffff;
	[tilespmem:s24+$0xA4D0] =	vst v51  }
0x4d1: {  	v57 =	vld.idx.msk [tilespmem:v2+s19+$0x0], $0xffff;
	[tilespmem:s21+$0xA4D0] =	vst v52  }
0x4d2: {  	[tilespmem:s23+$0xA4E0] =	vst v53;
	v58 =	vld.idx.msk [tilespmem:v3+s19+$0x0], $0xffff  }
0x4d3: {  	v59 =	vld.idx.msk [tilespmem:v1+s19+$0x0], $0xffff;
	[tilespmem:s25+$0xA4E0] =	vst v54  }
0x4d4: {  	v60 =	vld.idx.msk [tilespmem:v7+s20+$0x0], $0xffff;
	[tilespmem:s26+$0xA4E0] =	vst v55  }
0x4d5: {  	v61 =	vld.idx.msk [tilespmem:v6+s20+$0x0], $0xffff;
	[tilespmem:s28+$0xA4E0] =	vst v56  }
0x4d6: {  	v62 =	vld.idx.msk [tilespmem:v5+s20+$0x0], $0xffff;
	[tilespmem:s22+$0xA4E0] =	vst v57  }
0x4d7: {  	v63 =	vld.idx.msk [tilespmem:v4+s20+$0x0], $0xffff;
	[tilespmem:s24+$0xA4E0] =	vst v58  }
0x4d8: {  	[tilespmem:s21+$0xA4E0] =	vst v59;
	v2 =	vld.idx.msk [tilespmem:v2+s20+$0x0], $0xffff  }
0x4d9: {  	[tilespmem:s23+$0xA4F0] =	vst v60;
	v3 =	vld.idx.msk [tilespmem:v3+s20+$0x0], $0xffff  }
0x4da: {  	[tilespmem:s25+$0xA4F0] =	vst v61;
	v1 =	vld.idx.msk [tilespmem:v1+s20+$0x0], $0xffff  }
0x4db: {  	[tilespmem:s26+$0xA4F0] =	vst v62  }
0x4dc: {  	[tilespmem:s28+$0xA4F0] =	vst v63  }
0x4dd: {  	[tilespmem:s22+$0xA4F0] =	vst v2  }
.Ltmp7:
0x4de: {  	s26 =	rddreg [dreg:$0x12];
	[tilespmem:s24+$0xA4F0] =	vst v3;
	(pc) =	sbr.rel .LBB2_8-.Ltmp7, $4  }
0x4df: {  	[tilespmem:s21+$0xA4F0] =	vst v1;
	s2 =	smul.u32 $0x1400, s26  }
0x4e0: {  	s28 =	rddreg [dreg:$0x6]  }
0x4e1: {  	s30 =	simm.s32 $0xA300;
	s29 =	simm.s32 $0x0;
	s2 =	sadd.s32 s28, s2  }
0x4e2: {  	[hbm4b:s2+s29] =	stream.linear.scatter [tilespmem:s30], [sflag:$0x4], $0xA000, $0x38;
	[tilespmem:$0x19500] =	vst v63  }
.LBB2_10:
0x4e3: {  	_ =	sfence.sel $0x180000  }
0x4e4: {  	[bflag:$0x0] =	sbarrier.arrive $0xFFFF  }
0x4e5: {  	_ =	strace $0x90000047  }
0x4e6: {  	[bflag:$0x2] =	sbarrier.arrive $0xFFFF  }
0x4e7: {  	s0 =	rddreg [dreg:$0x4]  }
0x4e8: {  	s0 =	sadd.s32 @!p0 $0x100000, s0  }
0x4e9: {  	[sflag:s0] =	ssyncadd.tile.s32 @!p0 $0x1;
	_ =	shalt  }
.Lfunc_end2:
_tile_overlayer_lowered:
.L_overlay_start_2:
0x4ea: {  	(tag) =	ssettag $0x2  }
0x4eb: {  	s0 =	rddreg [dreg:$0x0];
	s2 =	stileid.u32  }
0x4ec: {  	s1 =	rddreg [dreg:$0x1];
	p0 =	sne.s32 s2, $0x0  }
0x4ed: {  	s3 =	rddreg [dreg:$0x2];
	[bflag:$0x3] =	sbarrier.arrive $0xFFFF;
	s2 =	simm.s32 @!p0 $0x1C05  }
0x4ee: {  	[timem:s3], [sflag:s2] =	dma.local @!p0 [hbm:s0], s1  }
0x4ef: {  	s0 =	simm.s32 @!p0 $0x5  }
0x4f0: {  	_ =	swait.ge @!p0 [sflag:s0], s1  }
0x4f1: {  	s1 =	ssub.s32 @!p0 $0x0, s1;
	[sflag:s0] =	ssyncset.done @!p0 $0x0  }
0x4f2: {  	[sflag:s0] =	ssyncadd.s32 @!p0 s1  }
0x4f3: {  	[bflag:$0x3] =	sbarrier.arrive $0xFFFF  }
0x4f4: {  	_ =	shalt  }

</sc_bundles>
